<compile_context>
chip_gen: v7x
topology: tpu7x:2x2x1
jax: 0.10.2.dev20260603
libtpu: 0.0.44.dev20260713+nightly
codegen_flags: <defaults>
</compile_context>

<pallas_src>
import jax
import jax.numpy as jnp
from jax import lax
from jax.experimental import pallas as pl
from jax.experimental.pallas import tpu as pltpu
from jax.experimental.pallas import tpu_sc as plsc

N = 10000
D = 128
NC = 2
NS = 16
C = 128
N_PAD = 10112
ROWS_PER_TILE = N_PAD // NS
SUB = [(k * C, min(C, ROWS_PER_TILE - k * C))
       for k in range((ROWS_PER_TILE + C - 1) // C)]
BM = 2000


def _mesh():
    return plsc.VectorSubcoreMesh(core_axis_name="c", subcore_axis_name="s")


def _zero_acc(zf_hbm, rows_v, acc, r0):
    pltpu.sync_copy(zf_hbm.at[pl.ds(0, C)], rows_v)
    for o, w in SUB:
        pltpu.sync_copy(rows_v.at[pl.ds(0, w)], acc.at[pl.ds(r0 + o, w)])


def _write_acc(acc, rows_v, part_out, r0, obase):
    for o, w in SUB:
        pltpu.sync_copy(acc.at[pl.ds(r0 + o, w)], rows_v.at[pl.ds(0, w)])
        pltpu.sync_copy(rows_v.at[pl.ds(0, w)],
                        part_out.at[pl.ds(obase + o, w)])


def _make_sc_spmm(cpt0: int, cpt1: int):

    def body(table, src_hbm, dst_hbm, zf_hbm, part_out,
             acc, src_v, dst_v, rows_v, gsem):
        cid = lax.axis_index("c")
        sid = lax.axis_index("s")
        r0 = sid * ROWS_PER_TILE
        _zero_acc(zf_hbm, rows_v, acc, r0)
        plsc.subcore_barrier()

        my_cpt = jnp.where(cid == 0, cpt0, cpt1)
        ebase = jnp.where(cid == 0, sid * cpt0,
                          NS * cpt0 + sid * cpt1) * C

        def chunk(j, carry):
            off = ebase + j * C
            pltpu.sync_copy(src_hbm.at[pl.ds(off, C)], src_v)
            pltpu.sync_copy(dst_hbm.at[pl.ds(off, C)], dst_v)
            pltpu.async_copy(table.at[src_v], rows_v, gsem).wait()
            pltpu.sync_copy(rows_v, acc.at[dst_v], add=True)
            return carry

        lax.fori_loop(0, my_cpt, chunk, 0)
        plsc.subcore_barrier()
        _write_acc(acc, rows_v, part_out, r0, cid * N_PAD + r0)

    return pl.kernel(
        body,
        out_type=jax.ShapeDtypeStruct((NC * N_PAD, D), jnp.float32),
        mesh=_mesh(),
        scratch_types=[
            pltpu.VMEM_SHARED((N_PAD, D), jnp.float32),
            pltpu.VMEM((C,), jnp.int32),
            pltpu.VMEM((C,), jnp.int32),
            pltpu.VMEM((C, D), jnp.float32),
            pltpu.SemaphoreType.DMA,
        ],
    )


def _make_sc_count(chunks_per_tile: int):

    def body(dst_hbm, zf_hbm, ones_hbm, cnt_out,
             acc, dst_v, ones_v, rows_v):
        cid = lax.axis_index("c")
        sid = lax.axis_index("s")
        r0 = sid * ROWS_PER_TILE
        _zero_acc(zf_hbm, rows_v, acc, r0)
        pltpu.sync_copy(ones_hbm, ones_v)
        plsc.subcore_barrier()

        ebase = (cid * NS + sid) * chunks_per_tile * C

        def chunk(j, carry):
            off = ebase + j * C
            pltpu.sync_copy(dst_hbm.at[pl.ds(off, C)], dst_v)
            pltpu.sync_copy(ones_v, acc.at[dst_v], add=True)
            return carry

        lax.fori_loop(0, chunks_per_tile, chunk, 0)
        plsc.subcore_barrier()
        _write_acc(acc, rows_v, cnt_out, r0, cid * N_PAD + r0)

    return pl.kernel(
        body,
        out_type=jax.ShapeDtypeStruct((NC * N_PAD, D), jnp.float32),
        mesh=_mesh(),
        scratch_types=[
            pltpu.VMEM_SHARED((N_PAD, D), jnp.float32),
            pltpu.VMEM((C,), jnp.int32),
            pltpu.VMEM((C, D), jnp.float32),
            pltpu.VMEM((C, D), jnp.float32),
        ],
    )


def _combine_mm(aggp, cntp, feat, w_cat, b_row, relu: bool):

    def body(agg_ref, cnt_ref, feat_ref, w_ref, b_ref, o_ref):
        agg = agg_ref[0] + agg_ref[1]
        cnt = cnt_ref[0, :, 0:1] + cnt_ref[1, :, 0:1]
        mean = agg / jnp.maximum(cnt, 1.0)
        cat = jnp.concatenate([mean, feat_ref[...]], axis=1)
        out = jnp.dot(cat, w_ref[...], preferred_element_type=jnp.float32)
        out = out + b_ref[...]
        o_ref[...] = jnp.maximum(out, 0.0) if relu else out

    return pl.pallas_call(
        body,
        grid=(N // BM,),
        in_specs=[
            pl.BlockSpec((NC, BM, D), lambda i: (0, i, 0)),
            pl.BlockSpec((NC, BM, D), lambda i: (0, i, 0)),
            pl.BlockSpec((BM, D), lambda i: (i, 0)),
            pl.BlockSpec((2 * D, D), lambda i: (0, 0)),
            pl.BlockSpec((1, D), lambda i: (0, 0)),
        ],
        out_specs=pl.BlockSpec((BM, D), lambda i: (i, 0)),
        out_shape=jax.ShapeDtypeStruct((N, D), jnp.float32),
    )(aggp, cntp, feat, w_cat, b_row)


def kernel(x, edge_index, W1_l, b1, W1_r, W2_l, b2, W2_r):
    e = edge_index.shape[1]
    grain = NC * NS * C
    chunks_per_tile = (e + grain - 1) // grain
    e_pad = chunks_per_tile * grain
    cpt0 = int(round(chunks_per_tile * 2 * 0.61))
    cpt1 = 2 * chunks_per_tile - cpt0

    src = edge_index[0].astype(jnp.int32)
    dst = edge_index[1].astype(jnp.int32)
    pad = e_pad - e
    if pad:
        src = jnp.concatenate([src, jnp.zeros((pad,), jnp.int32)])
        dst = jnp.concatenate([dst, jnp.full((pad,), N_PAD - 1, jnp.int32)])

    zf = jnp.zeros((N_PAD, D), jnp.float32)
    ones = jnp.ones((C, D), jnp.float32)

    spmm = _make_sc_spmm(cpt0, cpt1)
    count = _make_sc_count(chunks_per_tile)

    cntp = count(dst, zf, ones).reshape(NC, N_PAD, D)
    agg1p = spmm(x, src, dst, zf).reshape(NC, N_PAD, D)
    w1 = jnp.concatenate([W1_l, W1_r], axis=0)
    h = _combine_mm(agg1p, cntp, x, w1, b1.reshape(1, D), relu=True)
    agg2p = spmm(h, src, dst, zf).reshape(NC, N_PAD, D)
    w2 = jnp.concatenate([W2_l, W2_r], axis=0)
    return _combine_mm(agg2p, cntp, h, w2, b2.reshape(1, D), relu=False)

# --- scband reference (transcript-rebuilt; emitter-appended) ---
"""Pipeline reference for scband-sagenet-12154757448124 (READ-ONLY COPY).

The authoritative reference and input builder live on the scoring server;
editing this copy changes nothing except your own understanding.
"""

import jax, jax.numpy as jnp
import numpy as np

N = 10000
E = 320000
D = 128
H = 128


def _sage_conv(x, edge_index, W_l, b_l, W_r):
    # PyG SAGEConv (aggr='mean', root_weight=True):
    # out = lin_l(mean_{j in N(i)} x_j) + lin_r(x_i)
    src = edge_index[0]
    dst = edge_index[1]
    msg = jnp.take(x, src, axis=0)
    agg = jax.ops.segment_sum(msg, dst, num_segments=N)
    cnt = jax.ops.segment_sum(jnp.ones((msg.shape[0],), dtype=x.dtype), dst, num_segments=N)
    mean = agg / jnp.clip(cnt, 1.0)[:, None]
    return mean @ W_l + b_l + x @ W_r


def setup_inputs(seed: int = 0) -> dict:
    key = jax.random.key(seed)
    k = jax.random.split(key, 8)
    x = jax.random.normal(k[0], (N, D), dtype=jnp.float32)
    edge_index = jax.random.randint(k[1], (2, E), 0, N, dtype=jnp.int64)
    s1 = 1.0 / np.sqrt(D)
    s2 = 1.0 / np.sqrt(H)
    W1_l = jax.random.uniform(k[2], (D, H), dtype=jnp.float32, minval=-s1, maxval=s1)
    W1_r = jax.random.uniform(k[3], (D, H), dtype=jnp.float32, minval=-s1, maxval=s1)
    b1 = jnp.zeros((H,), dtype=jnp.float32)
    W2_l = jax.random.uniform(k[4], (H, H), dtype=jnp.float32, minval=-s2, maxval=s2)
    W2_r = jax.random.uniform(k[5], (H, H), dtype=jnp.float32, minval=-s2, maxval=s2)
    b2 = jnp.zeros((H,), dtype=jnp.float32)
    return {"x": x, "edge_index": edge_index, "W1_l": W1_l, "b1": b1, "W1_r": W1_r, "W2_l": W2_l, "b2": b2, "W2_r": W2_r}


def reference(x, edge_index, W1_l, b1, W1_r, W2_l, b2, W2_r):
    h = _sage_conv(x, edge_index, W1_l, b1, W1_r)
    h = jax.nn.relu(h)
    h = _sage_conv(h, edge_index, W2_l, b2, W2_r)
    return h

if __name__ == "__main__":
    import jax
    _d = setup_inputs()
    print(jax.jit(kernel)(*tuple(_d.values())))

</pallas_src>

<mosaic_0001>
#map = affine_map<(d0, d1) -> (0)>
#map1 = affine_map<(d0, d1) -> (0, 0)>
module attributes {stable_mosaic.version = 14 : i64} {
  func.func @body(%arg0: i32, %arg1: i32, %arg2: memref<323584xi32, #tpu.memory_space<hbm>>, %arg3: memref<10112x128xf32, #tpu.memory_space<hbm>>, %arg4: memref<128x128xf32, #tpu.memory_space<hbm>>, %arg5: memref<20224x128xf32, #tpu.memory_space<hbm>>, %arg6: memref<10112x128xf32, #tpu.memory_space<vmem_shared>>, %arg7: memref<128xi32, #tpu.memory_space<vmem>>, %arg8: memref<128x128xf32, #tpu.memory_space<vmem>>, %arg9: memref<128x128xf32, #tpu.memory_space<vmem>>) attributes {dimension_semantics = [#tpu.dimension_semantics<core_parallel>, #tpu.dimension_semantics<subcore_parallel>], iteration_bounds = array<i64: 2, 16>, scalar_prefetch = 0 : i64, scratch_operands = 4 : i64, tpu.core_type = #tpu.core_type<sc_vector_subcore>, window_params = [{transform_indices = #map}, {transform_indices = #map1}, {transform_indices = #map1}, {transform_indices = #map1}]} {
    %mul3A = arith.constant 632 : i32
    %mul3A_0 = arith.muli %arg1, %mul3A : i32
    "tpu.region"() ({
      %run_scoped3A = tpu.sem_alloc : memref<!tpu.dma_semaphore, #tpu.memory_space<semaphore_mem>>
      %dma_start3A = arith.constant 0 : i32
      %dma_start3A_46 = arith.constant 0 : i32
      %dma_start3A_47 = tpu.memref_slice %arg3[%dma_start3A, %dma_start3A_46] : memref<10112x128xf32, #tpu.memory_space<hbm>> -> memref<128x128xf32, #tpu.memory_space<hbm>>
      %dma_start3A_48 = arith.constant 0 : i32
      %dma_start3A_49 = arith.constant 0 : i32
      %dma_start3A_50 = tpu.memref_slice %arg3[%dma_start3A_48, %dma_start3A_49] : memref<10112x128xf32, #tpu.memory_space<hbm>> -> memref<128x128xf32, #tpu.memory_space<hbm>>
      tpu.enqueue_dma source(%dma_start3A_50 : memref<128x128xf32, #tpu.memory_space<hbm>>) target(%arg9 : memref<128x128xf32, #tpu.memory_space<vmem>>) target_semaphore(%run_scoped3A : memref<!tpu.dma_semaphore, #tpu.memory_space<semaphore_mem>>)
      %dma_wait3A = arith.constant 0 : i32
      %dma_wait3A_51 = arith.constant 0 : i32
      %dma_wait3A_52 = tpu.memref_slice %arg3[%dma_wait3A, %dma_wait3A_51] : memref<10112x128xf32, #tpu.memory_space<hbm>> -> memref<128x128xf32, #tpu.memory_space<hbm>>
      %dma_wait3A_53 = arith.constant 0 : i32
      %dma_wait3A_54 = arith.constant 0 : i32
      %dma_wait3A_55 = tpu.memref_slice %arg3[%dma_wait3A_53, %dma_wait3A_54] : memref<10112x128xf32, #tpu.memory_space<hbm>> -> memref<128x128xf32, #tpu.memory_space<hbm>>
      tpu.wait_dma2 semaphore(%run_scoped3A : memref<!tpu.dma_semaphore, #tpu.memory_space<semaphore_mem>>) src(%dma_wait3A_55 : memref<128x128xf32, #tpu.memory_space<hbm>>) dst(%arg9 : memref<128x128xf32, #tpu.memory_space<vmem>>)
      tpu.yield
    }) : () -> ()
    %add3A = arith.constant 0 : i32
    %add3A_1 = arith.addi %mul3A_0, %add3A : i32
    "tpu.region"() ({
      %run_scoped3A = tpu.sem_alloc : memref<!tpu.dma_semaphore, #tpu.memory_space<semaphore_mem>>
      %dma_start3A = arith.constant 0 : i32
      %dma_start3A_46 = arith.constant 0 : i32
      %dma_start3A_47 = tpu.memref_slice %arg9[%dma_start3A, %dma_start3A_46] : memref<128x128xf32, #tpu.memory_space<vmem>> -> memref<128x128xf32, #tpu.memory_space<vmem>>
      %dma_start3A_48 = arith.constant 0 : i32
      %dma_start3A_49 = tpu.memref_slice %arg6[%add3A_1, %dma_start3A_48] : memref<10112x128xf32, #tpu.memory_space<vmem_shared>> -> memref<128x128xf32, #tpu.memory_space<vmem_shared>>
      %dma_start3A_50 = arith.constant 0 : i32
      %dma_start3A_51 = tpu.memref_slice %arg6[%add3A_1, %dma_start3A_50] : memref<10112x128xf32, #tpu.memory_space<vmem_shared>> -> memref<128x128xf32, #tpu.memory_space<vmem_shared>>
      %dma_start3A_52 = arith.constant 0 : i32
      %dma_start3A_53 = arith.constant 0 : i32
      %dma_start3A_54 = tpu.memref_slice %arg9[%dma_start3A_52, %dma_start3A_53] : memref<128x128xf32, #tpu.memory_space<vmem>> -> memref<128x128xf32, #tpu.memory_space<vmem>>
      tpu.enqueue_dma source(%dma_start3A_54 : memref<128x128xf32, #tpu.memory_space<vmem>>) target(%dma_start3A_51 : memref<128x128xf32, #tpu.memory_space<vmem_shared>>) target_semaphore(%run_scoped3A : memref<!tpu.dma_semaphore, #tpu.memory_space<semaphore_mem>>)
      %dma_wait3A = arith.constant 0 : i32
      %dma_wait3A_55 = arith.constant 0 : i32
      %dma_wait3A_56 = tpu.memref_slice %arg9[%dma_wait3A, %dma_wait3A_55] : memref<128x128xf32, #tpu.memory_space<vmem>> -> memref<128x128xf32, #tpu.memory_space<vmem>>
      %dma_wait3A_57 = arith.constant 0 : i32
      %dma_wait3A_58 = tpu.memref_slice %arg6[%add3A_1, %dma_wait3A_57] : memref<10112x128xf32, #tpu.memory_space<vmem_shared>> -> memref<128x128xf32, #tpu.memory_space<vmem_shared>>
      %dma_wait3A_59 = arith.constant 0 : i32
      %dma_wait3A_60 = tpu.memref_slice %arg6[%add3A_1, %dma_wait3A_59] : memref<10112x128xf32, #tpu.memory_space<vmem_shared>> -> memref<128x128xf32, #tpu.memory_space<vmem_shared>>
      %dma_wait3A_61 = arith.constant 0 : i32
      %dma_wait3A_62 = arith.constant 0 : i32
      %dma_wait3A_63 = tpu.memref_slice %arg9[%dma_wait3A_61, %dma_wait3A_62] : memref<128x128xf32, #tpu.memory_space<vmem>> -> memref<128x128xf32, #tpu.memory_space<vmem>>
      tpu.wait_dma2 semaphore(%run_scoped3A : memref<!tpu.dma_semaphore, #tpu.memory_space<semaphore_mem>>) src(%dma_wait3A_63 : memref<128x128xf32, #tpu.memory_space<vmem>>) dst(%dma_wait3A_60 : memref<128x128xf32, #tpu.memory_space<vmem_shared>>)
      tpu.yield
    }) : () -> ()
    %add3A_2 = arith.constant 128 : i32
    %add3A_3 = arith.addi %mul3A_0, %add3A_2 : i32
    "tpu.region"() ({
      %run_scoped3A = tpu.sem_alloc : memref<!tpu.dma_semaphore, #tpu.memory_space<semaphore_mem>>
      %dma_start3A = arith.constant 0 : i32
      %dma_start3A_46 = arith.constant 0 : i32
      %dma_start3A_47 = tpu.memref_slice %arg9[%dma_start3A, %dma_start3A_46] : memref<128x128xf32, #tpu.memory_space<vmem>> -> memref<128x128xf32, #tpu.memory_space<vmem>>
      %dma_start3A_48 = arith.constant 0 : i32
      %dma_start3A_49 = tpu.memref_slice %arg6[%add3A_3, %dma_start3A_48] : memref<10112x128xf32, #tpu.memory_space<vmem_shared>> -> memref<128x128xf32, #tpu.memory_space<vmem_shared>>
      %dma_start3A_50 = arith.constant 0 : i32
      %dma_start3A_51 = tpu.memref_slice %arg6[%add3A_3, %dma_start3A_50] : memref<10112x128xf32, #tpu.memory_space<vmem_shared>> -> memref<128x128xf32, #tpu.memory_space<vmem_shared>>
      %dma_start3A_52 = arith.constant 0 : i32
      %dma_start3A_53 = arith.constant 0 : i32
      %dma_start3A_54 = tpu.memref_slice %arg9[%dma_start3A_52, %dma_start3A_53] : memref<128x128xf32, #tpu.memory_space<vmem>> -> memref<128x128xf32, #tpu.memory_space<vmem>>
      tpu.enqueue_dma source(%dma_start3A_54 : memref<128x128xf32, #tpu.memory_space<vmem>>) target(%dma_start3A_51 : memref<128x128xf32, #tpu.memory_space<vmem_shared>>) target_semaphore(%run_scoped3A : memref<!tpu.dma_semaphore, #tpu.memory_space<semaphore_mem>>)
      %dma_wait3A = arith.constant 0 : i32
      %dma_wait3A_55 = arith.constant 0 : i32
      %dma_wait3A_56 = tpu.memref_slice %arg9[%dma_wait3A, %dma_wait3A_55] : memref<128x128xf32, #tpu.memory_space<vmem>> -> memref<128x128xf32, #tpu.memory_space<vmem>>
      %dma_wait3A_57 = arith.constant 0 : i32
      %dma_wait3A_58 = tpu.memref_slice %arg6[%add3A_3, %dma_wait3A_57] : memref<10112x128xf32, #tpu.memory_space<vmem_shared>> -> memref<128x128xf32, #tpu.memory_space<vmem_shared>>
      %dma_wait3A_59 = arith.constant 0 : i32
      %dma_wait3A_60 = tpu.memref_slice %arg6[%add3A_3, %dma_wait3A_59] : memref<10112x128xf32, #tpu.memory_space<vmem_shared>> -> memref<128x128xf32, #tpu.memory_space<vmem_shared>>
      %dma_wait3A_61 = arith.constant 0 : i32
      %dma_wait3A_62 = arith.constant 0 : i32
      %dma_wait3A_63 = tpu.memref_slice %arg9[%dma_wait3A_61, %dma_wait3A_62] : memref<128x128xf32, #tpu.memory_space<vmem>> -> memref<128x128xf32, #tpu.memory_space<vmem>>
      tpu.wait_dma2 semaphore(%run_scoped3A : memref<!tpu.dma_semaphore, #tpu.memory_space<semaphore_mem>>) src(%dma_wait3A_63 : memref<128x128xf32, #tpu.memory_space<vmem>>) dst(%dma_wait3A_60 : memref<128x128xf32, #tpu.memory_space<vmem_shared>>)
      tpu.yield
    }) : () -> ()
    %add3A_4 = arith.constant 256 : i32
    %add3A_5 = arith.addi %mul3A_0, %add3A_4 : i32
    "tpu.region"() ({
      %run_scoped3A = tpu.sem_alloc : memref<!tpu.dma_semaphore, #tpu.memory_space<semaphore_mem>>
      %dma_start3A = arith.constant 0 : i32
      %dma_start3A_46 = arith.constant 0 : i32
      %dma_start3A_47 = tpu.memref_slice %arg9[%dma_start3A, %dma_start3A_46] : memref<128x128xf32, #tpu.memory_space<vmem>> -> memref<128x128xf32, #tpu.memory_space<vmem>>
      %dma_start3A_48 = arith.constant 0 : i32
      %dma_start3A_49 = tpu.memref_slice %arg6[%add3A_5, %dma_start3A_48] : memref<10112x128xf32, #tpu.memory_space<vmem_shared>> -> memref<128x128xf32, #tpu.memory_space<vmem_shared>>
      %dma_start3A_50 = arith.constant 0 : i32
      %dma_start3A_51 = tpu.memref_slice %arg6[%add3A_5, %dma_start3A_50] : memref<10112x128xf32, #tpu.memory_space<vmem_shared>> -> memref<128x128xf32, #tpu.memory_space<vmem_shared>>
      %dma_start3A_52 = arith.constant 0 : i32
      %dma_start3A_53 = arith.constant 0 : i32
      %dma_start3A_54 = tpu.memref_slice %arg9[%dma_start3A_52, %dma_start3A_53] : memref<128x128xf32, #tpu.memory_space<vmem>> -> memref<128x128xf32, #tpu.memory_space<vmem>>
      tpu.enqueue_dma source(%dma_start3A_54 : memref<128x128xf32, #tpu.memory_space<vmem>>) target(%dma_start3A_51 : memref<128x128xf32, #tpu.memory_space<vmem_shared>>) target_semaphore(%run_scoped3A : memref<!tpu.dma_semaphore, #tpu.memory_space<semaphore_mem>>)
      %dma_wait3A = arith.constant 0 : i32
      %dma_wait3A_55 = arith.constant 0 : i32
      %dma_wait3A_56 = tpu.memref_slice %arg9[%dma_wait3A, %dma_wait3A_55] : memref<128x128xf32, #tpu.memory_space<vmem>> -> memref<128x128xf32, #tpu.memory_space<vmem>>
      %dma_wait3A_57 = arith.constant 0 : i32
      %dma_wait3A_58 = tpu.memref_slice %arg6[%add3A_5, %dma_wait3A_57] : memref<10112x128xf32, #tpu.memory_space<vmem_shared>> -> memref<128x128xf32, #tpu.memory_space<vmem_shared>>
      %dma_wait3A_59 = arith.constant 0 : i32
      %dma_wait3A_60 = tpu.memref_slice %arg6[%add3A_5, %dma_wait3A_59] : memref<10112x128xf32, #tpu.memory_space<vmem_shared>> -> memref<128x128xf32, #tpu.memory_space<vmem_shared>>
      %dma_wait3A_61 = arith.constant 0 : i32
      %dma_wait3A_62 = arith.constant 0 : i32
      %dma_wait3A_63 = tpu.memref_slice %arg9[%dma_wait3A_61, %dma_wait3A_62] : memref<128x128xf32, #tpu.memory_space<vmem>> -> memref<128x128xf32, #tpu.memory_space<vmem>>
      tpu.wait_dma2 semaphore(%run_scoped3A : memref<!tpu.dma_semaphore, #tpu.memory_space<semaphore_mem>>) src(%dma_wait3A_63 : memref<128x128xf32, #tpu.memory_space<vmem>>) dst(%dma_wait3A_60 : memref<128x128xf32, #tpu.memory_space<vmem_shared>>)
      tpu.yield
    }) : () -> ()
    %add3A_6 = arith.constant 384 : i32
    %add3A_7 = arith.addi %mul3A_0, %add3A_6 : i32
    "tpu.region"() ({
      %run_scoped3A = tpu.sem_alloc : memref<!tpu.dma_semaphore, #tpu.memory_space<semaphore_mem>>
      %dma_start3A = arith.constant 0 : i32
      %dma_start3A_46 = arith.constant 0 : i32
      %dma_start3A_47 = tpu.memref_slice %arg9[%dma_start3A, %dma_start3A_46] : memref<128x128xf32, #tpu.memory_space<vmem>> -> memref<128x128xf32, #tpu.memory_space<vmem>>
      %dma_start3A_48 = arith.constant 0 : i32
      %dma_start3A_49 = tpu.memref_slice %arg6[%add3A_7, %dma_start3A_48] : memref<10112x128xf32, #tpu.memory_space<vmem_shared>> -> memref<128x128xf32, #tpu.memory_space<vmem_shared>>
      %dma_start3A_50 = arith.constant 0 : i32
      %dma_start3A_51 = tpu.memref_slice %arg6[%add3A_7, %dma_start3A_50] : memref<10112x128xf32, #tpu.memory_space<vmem_shared>> -> memref<128x128xf32, #tpu.memory_space<vmem_shared>>
      %dma_start3A_52 = arith.constant 0 : i32
      %dma_start3A_53 = arith.constant 0 : i32
      %dma_start3A_54 = tpu.memref_slice %arg9[%dma_start3A_52, %dma_start3A_53] : memref<128x128xf32, #tpu.memory_space<vmem>> -> memref<128x128xf32, #tpu.memory_space<vmem>>
      tpu.enqueue_dma source(%dma_start3A_54 : memref<128x128xf32, #tpu.memory_space<vmem>>) target(%dma_start3A_51 : memref<128x128xf32, #tpu.memory_space<vmem_shared>>) target_semaphore(%run_scoped3A : memref<!tpu.dma_semaphore, #tpu.memory_space<semaphore_mem>>)
      %dma_wait3A = arith.constant 0 : i32
      %dma_wait3A_55 = arith.constant 0 : i32
      %dma_wait3A_56 = tpu.memref_slice %arg9[%dma_wait3A, %dma_wait3A_55] : memref<128x128xf32, #tpu.memory_space<vmem>> -> memref<128x128xf32, #tpu.memory_space<vmem>>
      %dma_wait3A_57 = arith.constant 0 : i32
      %dma_wait3A_58 = tpu.memref_slice %arg6[%add3A_7, %dma_wait3A_57] : memref<10112x128xf32, #tpu.memory_space<vmem_shared>> -> memref<128x128xf32, #tpu.memory_space<vmem_shared>>
      %dma_wait3A_59 = arith.constant 0 : i32
      %dma_wait3A_60 = tpu.memref_slice %arg6[%add3A_7, %dma_wait3A_59] : memref<10112x128xf32, #tpu.memory_space<vmem_shared>> -> memref<128x128xf32, #tpu.memory_space<vmem_shared>>
      %dma_wait3A_61 = arith.constant 0 : i32
      %dma_wait3A_62 = arith.constant 0 : i32
      %dma_wait3A_63 = tpu.memref_slice %arg9[%dma_wait3A_61, %dma_wait3A_62] : memref<128x128xf32, #tpu.memory_space<vmem>> -> memref<128x128xf32, #tpu.memory_space<vmem>>
      tpu.wait_dma2 semaphore(%run_scoped3A : memref<!tpu.dma_semaphore, #tpu.memory_space<semaphore_mem>>) src(%dma_wait3A_63 : memref<128x128xf32, #tpu.memory_space<vmem>>) dst(%dma_wait3A_60 : memref<128x128xf32, #tpu.memory_space<vmem_shared>>)
      tpu.yield
    }) : () -> ()
    %add3A_8 = arith.constant 512 : i32
    %add3A_9 = arith.addi %mul3A_0, %add3A_8 : i32
    "tpu.region"() ({
      %run_scoped3A = tpu.sem_alloc : memref<!tpu.dma_semaphore, #tpu.memory_space<semaphore_mem>>
      %dma_start3A = arith.constant 0 : i32
      %dma_start3A_46 = arith.constant 0 : i32
      %dma_start3A_47 = tpu.memref_slice %arg9[%dma_start3A, %dma_start3A_46] : memref<128x128xf32, #tpu.memory_space<vmem>> -> memref<120x128xf32, #tpu.memory_space<vmem>>
      %dma_start3A_48 = arith.constant 0 : i32
      %dma_start3A_49 = tpu.memref_slice %arg6[%add3A_9, %dma_start3A_48] : memref<10112x128xf32, #tpu.memory_space<vmem_shared>> -> memref<120x128xf32, #tpu.memory_space<vmem_shared>>
      %dma_start3A_50 = arith.constant 0 : i32
      %dma_start3A_51 = tpu.memref_slice %arg6[%add3A_9, %dma_start3A_50] : memref<10112x128xf32, #tpu.memory_space<vmem_shared>> -> memref<120x128xf32, #tpu.memory_space<vmem_shared>>
      %dma_start3A_52 = arith.constant 0 : i32
      %dma_start3A_53 = arith.constant 0 : i32
      %dma_start3A_54 = tpu.memref_slice %arg9[%dma_start3A_52, %dma_start3A_53] : memref<128x128xf32, #tpu.memory_space<vmem>> -> memref<120x128xf32, #tpu.memory_space<vmem>>
      tpu.enqueue_dma source(%dma_start3A_54 : memref<120x128xf32, #tpu.memory_space<vmem>>) target(%dma_start3A_51 : memref<120x128xf32, #tpu.memory_space<vmem_shared>>) target_semaphore(%run_scoped3A : memref<!tpu.dma_semaphore, #tpu.memory_space<semaphore_mem>>)
      %dma_wait3A = arith.constant 0 : i32
      %dma_wait3A_55 = arith.constant 0 : i32
      %dma_wait3A_56 = tpu.memref_slice %arg9[%dma_wait3A, %dma_wait3A_55] : memref<128x128xf32, #tpu.memory_space<vmem>> -> memref<120x128xf32, #tpu.memory_space<vmem>>
      %dma_wait3A_57 = arith.constant 0 : i32
      %dma_wait3A_58 = tpu.memref_slice %arg6[%add3A_9, %dma_wait3A_57] : memref<10112x128xf32, #tpu.memory_space<vmem_shared>> -> memref<120x128xf32, #tpu.memory_space<vmem_shared>>
      %dma_wait3A_59 = arith.constant 0 : i32
      %dma_wait3A_60 = tpu.memref_slice %arg6[%add3A_9, %dma_wait3A_59] : memref<10112x128xf32, #tpu.memory_space<vmem_shared>> -> memref<120x128xf32, #tpu.memory_space<vmem_shared>>
      %dma_wait3A_61 = arith.constant 0 : i32
      %dma_wait3A_62 = arith.constant 0 : i32
      %dma_wait3A_63 = tpu.memref_slice %arg9[%dma_wait3A_61, %dma_wait3A_62] : memref<128x128xf32, #tpu.memory_space<vmem>> -> memref<120x128xf32, #tpu.memory_space<vmem>>
      tpu.wait_dma2 semaphore(%run_scoped3A : memref<!tpu.dma_semaphore, #tpu.memory_space<semaphore_mem>>) src(%dma_wait3A_63 : memref<120x128xf32, #tpu.memory_space<vmem>>) dst(%dma_wait3A_60 : memref<120x128xf32, #tpu.memory_space<vmem_shared>>)
      tpu.yield
    }) : () -> ()
    "tpu.region"() ({
      %run_scoped3A = tpu.sem_alloc : memref<!tpu.dma_semaphore, #tpu.memory_space<semaphore_mem>>
      tpu.enqueue_dma source(%arg4 : memref<128x128xf32, #tpu.memory_space<hbm>>) target(%arg8 : memref<128x128xf32, #tpu.memory_space<vmem>>) target_semaphore(%run_scoped3A : memref<!tpu.dma_semaphore, #tpu.memory_space<semaphore_mem>>)
      tpu.wait_dma2 semaphore(%run_scoped3A : memref<!tpu.dma_semaphore, #tpu.memory_space<semaphore_mem>>) src(%arg4 : memref<128x128xf32, #tpu.memory_space<hbm>>) dst(%arg8 : memref<128x128xf32, #tpu.memory_space<vmem>>)
      tpu.yield
    }) : () -> ()
    %barrier3A = arith.constant 0 : index
    tpu.barrier barrier_id(%barrier3A)
    %mul3A_10 = arith.constant 16 : i32
    %mul3A_11 = arith.muli %arg0, %mul3A_10 : i32
    %add3A_12 = arith.addi %mul3A_11, %arg1 : i32
    %mul3A_13 = arith.constant 79 : i32
    %mul3A_14 = arith.muli %add3A_12, %mul3A_13 : i32
    %mul3A_15 = arith.constant 128 : i32
    %mul3A_16 = arith.muli %mul3A_14, %mul3A_15 : i32
    %scan3A = arith.constant 0 : i32
    %scan3A_17 = arith.constant 0 : i32
    %scan3A_18 = arith.constant 79 : i32
    %scan3A_19 = arith.addi %scan3A_17, %scan3A_18 : i32
    %scan3A_20 = arith.constant 1 : i32
    scf.for %scan3A_46 = %scan3A_17 to %scan3A_19 step %scan3A_20  : i32 {
      %mul3A_47 = arith.constant 128 : i32
      %mul3A_48 = arith.muli %scan3A_46, %mul3A_47 : i32
      %add3A_49 = arith.addi %mul3A_16, %mul3A_48 : i32
      "tpu.region"() ({
        %run_scoped3A = tpu.sem_alloc : memref<!tpu.dma_semaphore, #tpu.memory_space<semaphore_mem>>
        %dma_start3A = tpu.memref_slice %arg2[%add3A_49] : memref<323584xi32, #tpu.memory_space<hbm>> -> memref<128xi32, #tpu.memory_space<hbm>>
        %dma_start3A_50 = tpu.memref_slice %arg2[%add3A_49] : memref<323584xi32, #tpu.memory_space<hbm>> -> memref<128xi32, #tpu.memory_space<hbm>>
        tpu.enqueue_dma source(%dma_start3A_50 : memref<128xi32, #tpu.memory_space<hbm>>) target(%arg7 : memref<128xi32, #tpu.memory_space<vmem>>) target_semaphore(%run_scoped3A : memref<!tpu.dma_semaphore, #tpu.memory_space<semaphore_mem>>)
        %dma_wait3A = tpu.memref_slice %arg2[%add3A_49] : memref<323584xi32, #tpu.memory_space<hbm>> -> memref<128xi32, #tpu.memory_space<hbm>>
        %dma_wait3A_51 = tpu.memref_slice %arg2[%add3A_49] : memref<323584xi32, #tpu.memory_space<hbm>> -> memref<128xi32, #tpu.memory_space<hbm>>
        tpu.wait_dma2 semaphore(%run_scoped3A : memref<!tpu.dma_semaphore, #tpu.memory_space<semaphore_mem>>) src(%dma_wait3A_51 : memref<128xi32, #tpu.memory_space<hbm>>) dst(%arg7 : memref<128xi32, #tpu.memory_space<vmem>>)
        tpu.yield
      }) : () -> ()
      "tpu.region"() ({
        %run_scoped3A = tpu.sem_alloc : memref<!tpu.dma_semaphore, #tpu.memory_space<semaphore_mem>>
        %dma_start3A = arith.constant 0 : i32
        %dma_start3A_50 = arith.constant 0 : i32
        %dma_start3A_51 = tpu.memref_slice %arg6[%dma_start3A, %dma_start3A_50] : memref<10112x128xf32, #tpu.memory_space<vmem_shared>> -> memref<10112x128xf32, #tpu.memory_space<vmem_shared>>
        tpu.enqueue_indirect_dma source(%arg8 : memref<128x128xf32, #tpu.memory_space<vmem>>) target(%dma_start3A_51 : memref<10112x128xf32, #tpu.memory_space<vmem_shared>>) offsets(%arg7 : memref<128xi32, #tpu.memory_space<vmem>>) semaphore(%run_scoped3A : memref<!tpu.dma_semaphore, #tpu.memory_space<semaphore_mem>>) {add = true}
        %dma_wait3A = arith.constant 0 : i32
        %dma_wait3A_52 = arith.constant 0 : i32
        %dma_wait3A_53 = tpu.memref_slice %arg6[%dma_wait3A, %dma_wait3A_52] : memref<10112x128xf32, #tpu.memory_space<vmem_shared>> -> memref<10112x128xf32, #tpu.memory_space<vmem_shared>>
        tpu.wait_indirect_dma semaphore(%run_scoped3A : memref<!tpu.dma_semaphore, #tpu.memory_space<semaphore_mem>>) src(%arg8 : memref<128x128xf32, #tpu.memory_space<vmem>>) dst(%dma_wait3A_53 : memref<10112x128xf32, #tpu.memory_space<vmem_shared>>)
        tpu.yield
      }) : () -> ()
    }
    %scan3A_21 = arith.constant 79 : i32
    %barrier3A_22 = arith.constant 0 : index
    tpu.barrier barrier_id(%barrier3A_22)
    %mul3A_23 = arith.constant 10112 : i32
    %mul3A_24 = arith.muli %arg0, %mul3A_23 : i32
    %add3A_25 = arith.addi %mul3A_24, %mul3A_0 : i32
    %add3A_26 = arith.constant 0 : i32
    %add3A_27 = arith.addi %mul3A_0, %add3A_26 : i32
    "tpu.region"() ({
      %run_scoped3A = tpu.sem_alloc : memref<!tpu.dma_semaphore, #tpu.memory_space<semaphore_mem>>
      %dma_start3A = arith.constant 0 : i32
      %dma_start3A_46 = arith.constant 0 : i32
      %dma_start3A_47 = tpu.memref_slice %arg9[%dma_start3A, %dma_start3A_46] : memref<128x128xf32, #tpu.memory_space<vmem>> -> memref<128x128xf32, #tpu.memory_space<vmem>>
      %dma_start3A_48 = arith.constant 0 : i32
      %dma_start3A_49 = tpu.memref_slice %arg6[%add3A_27, %dma_start3A_48] : memref<10112x128xf32, #tpu.memory_space<vmem_shared>> -> memref<128x128xf32, #tpu.memory_space<vmem_shared>>
      %dma_start3A_50 = arith.constant 0 : i32
      %dma_start3A_51 = arith.constant 0 : i32
      %dma_start3A_52 = tpu.memref_slice %arg9[%dma_start3A_50, %dma_start3A_51] : memref<128x128xf32, #tpu.memory_space<vmem>> -> memref<128x128xf32, #tpu.memory_space<vmem>>
      %dma_start3A_53 = arith.constant 0 : i32
      %dma_start3A_54 = tpu.memref_slice %arg6[%add3A_27, %dma_start3A_53] : memref<10112x128xf32, #tpu.memory_space<vmem_shared>> -> memref<128x128xf32, #tpu.memory_space<vmem_shared>>
      tpu.enqueue_dma source(%dma_start3A_54 : memref<128x128xf32, #tpu.memory_space<vmem_shared>>) target(%dma_start3A_52 : memref<128x128xf32, #tpu.memory_space<vmem>>) target_semaphore(%run_scoped3A : memref<!tpu.dma_semaphore, #tpu.memory_space<semaphore_mem>>)
      %dma_wait3A = arith.constant 0 : i32
      %dma_wait3A_55 = arith.constant 0 : i32
      %dma_wait3A_56 = tpu.memref_slice %arg9[%dma_wait3A, %dma_wait3A_55] : memref<128x128xf32, #tpu.memory_space<vmem>> -> memref<128x128xf32, #tpu.memory_space<vmem>>
      %dma_wait3A_57 = arith.constant 0 : i32
      %dma_wait3A_58 = tpu.memref_slice %arg6[%add3A_27, %dma_wait3A_57] : memref<10112x128xf32, #tpu.memory_space<vmem_shared>> -> memref<128x128xf32, #tpu.memory_space<vmem_shared>>
      %dma_wait3A_59 = arith.constant 0 : i32
      %dma_wait3A_60 = arith.constant 0 : i32
      %dma_wait3A_61 = tpu.memref_slice %arg9[%dma_wait3A_59, %dma_wait3A_60] : memref<128x128xf32, #tpu.memory_space<vmem>> -> memref<128x128xf32, #tpu.memory_space<vmem>>
      %dma_wait3A_62 = arith.constant 0 : i32
      %dma_wait3A_63 = tpu.memref_slice %arg6[%add3A_27, %dma_wait3A_62] : memref<10112x128xf32, #tpu.memory_space<vmem_shared>> -> memref<128x128xf32, #tpu.memory_space<vmem_shared>>
      tpu.wait_dma2 semaphore(%run_scoped3A : memref<!tpu.dma_semaphore, #tpu.memory_space<semaphore_mem>>) src(%dma_wait3A_63 : memref<128x128xf32, #tpu.memory_space<vmem_shared>>) dst(%dma_wait3A_61 : memref<128x128xf32, #tpu.memory_space<vmem>>)
      tpu.yield
    }) : () -> ()
    %add3A_28 = arith.constant 0 : i32
    %add3A_29 = arith.addi %add3A_25, %add3A_28 : i32
    "tpu.region"() ({
      %run_scoped3A = tpu.sem_alloc : memref<!tpu.dma_semaphore, #tpu.memory_space<semaphore_mem>>
      %dma_start3A = arith.constant 0 : i32
      %dma_start3A_46 = arith.constant 0 : i32
      %dma_start3A_47 = tpu.memref_slice %arg9[%dma_start3A, %dma_start3A_46] : memref<128x128xf32, #tpu.memory_space<vmem>> -> memref<128x128xf32, #tpu.memory_space<vmem>>
      %dma_start3A_48 = arith.constant 0 : i32
      %dma_start3A_49 = tpu.memref_slice %arg5[%add3A_29, %dma_start3A_48] : memref<20224x128xf32, #tpu.memory_space<hbm>> -> memref<128x128xf32, #tpu.memory_space<hbm>>
      %dma_start3A_50 = arith.constant 0 : i32
      %dma_start3A_51 = tpu.memref_slice %arg5[%add3A_29, %dma_start3A_50] : memref<20224x128xf32, #tpu.memory_space<hbm>> -> memref<128x128xf32, #tpu.memory_space<hbm>>
      %dma_start3A_52 = arith.constant 0 : i32
      %dma_start3A_53 = arith.constant 0 : i32
      %dma_start3A_54 = tpu.memref_slice %arg9[%dma_start3A_52, %dma_start3A_53] : memref<128x128xf32, #tpu.memory_space<vmem>> -> memref<128x128xf32, #tpu.memory_space<vmem>>
      tpu.enqueue_dma source(%dma_start3A_54 : memref<128x128xf32, #tpu.memory_space<vmem>>) target(%dma_start3A_51 : memref<128x128xf32, #tpu.memory_space<hbm>>) target_semaphore(%run_scoped3A : memref<!tpu.dma_semaphore, #tpu.memory_space<semaphore_mem>>)
      %dma_wait3A = arith.constant 0 : i32
      %dma_wait3A_55 = arith.constant 0 : i32
      %dma_wait3A_56 = tpu.memref_slice %arg9[%dma_wait3A, %dma_wait3A_55] : memref<128x128xf32, #tpu.memory_space<vmem>> -> memref<128x128xf32, #tpu.memory_space<vmem>>
      %dma_wait3A_57 = arith.constant 0 : i32
      %dma_wait3A_58 = tpu.memref_slice %arg5[%add3A_29, %dma_wait3A_57] : memref<20224x128xf32, #tpu.memory_space<hbm>> -> memref<128x128xf32, #tpu.memory_space<hbm>>
      %dma_wait3A_59 = arith.constant 0 : i32
      %dma_wait3A_60 = tpu.memref_slice %arg5[%add3A_29, %dma_wait3A_59] : memref<20224x128xf32, #tpu.memory_space<hbm>> -> memref<128x128xf32, #tpu.memory_space<hbm>>
      %dma_wait3A_61 = arith.constant 0 : i32
      %dma_wait3A_62 = arith.constant 0 : i32
      %dma_wait3A_63 = tpu.memref_slice %arg9[%dma_wait3A_61, %dma_wait3A_62] : memref<128x128xf32, #tpu.memory_space<vmem>> -> memref<128x128xf32, #tpu.memory_space<vmem>>
      tpu.wait_dma2 semaphore(%run_scoped3A : memref<!tpu.dma_semaphore, #tpu.memory_space<semaphore_mem>>) src(%dma_wait3A_63 : memref<128x128xf32, #tpu.memory_space<vmem>>) dst(%dma_wait3A_60 : memref<128x128xf32, #tpu.memory_space<hbm>>)
      tpu.yield
    }) : () -> ()
    %add3A_30 = arith.constant 128 : i32
    %add3A_31 = arith.addi %mul3A_0, %add3A_30 : i32
    "tpu.region"() ({
      %run_scoped3A = tpu.sem_alloc : memref<!tpu.dma_semaphore, #tpu.memory_space<semaphore_mem>>
      %dma_start3A = arith.constant 0 : i32
      %dma_start3A_46 = arith.constant 0 : i32
      %dma_start3A_47 = tpu.memref_slice %arg9[%dma_start3A, %dma_start3A_46] : memref<128x128xf32, #tpu.memory_space<vmem>> -> memref<128x128xf32, #tpu.memory_space<vmem>>
      %dma_start3A_48 = arith.constant 0 : i32
      %dma_start3A_49 = tpu.memref_slice %arg6[%add3A_31, %dma_start3A_48] : memref<10112x128xf32, #tpu.memory_space<vmem_shared>> -> memref<128x128xf32, #tpu.memory_space<vmem_shared>>
      %dma_start3A_50 = arith.constant 0 : i32
      %dma_start3A_51 = arith.constant 0 : i32
      %dma_start3A_52 = tpu.memref_slice %arg9[%dma_start3A_50, %dma_start3A_51] : memref<128x128xf32, #tpu.memory_space<vmem>> -> memref<128x128xf32, #tpu.memory_space<vmem>>
      %dma_start3A_53 = arith.constant 0 : i32
      %dma_start3A_54 = tpu.memref_slice %arg6[%add3A_31, %dma_start3A_53] : memref<10112x128xf32, #tpu.memory_space<vmem_shared>> -> memref<128x128xf32, #tpu.memory_space<vmem_shared>>
      tpu.enqueue_dma source(%dma_start3A_54 : memref<128x128xf32, #tpu.memory_space<vmem_shared>>) target(%dma_start3A_52 : memref<128x128xf32, #tpu.memory_space<vmem>>) target_semaphore(%run_scoped3A : memref<!tpu.dma_semaphore, #tpu.memory_space<semaphore_mem>>)
      %dma_wait3A = arith.constant 0 : i32
      %dma_wait3A_55 = arith.constant 0 : i32
      %dma_wait3A_56 = tpu.memref_slice %arg9[%dma_wait3A, %dma_wait3A_55] : memref<128x128xf32, #tpu.memory_space<vmem>> -> memref<128x128xf32, #tpu.memory_space<vmem>>
      %dma_wait3A_57 = arith.constant 0 : i32
      %dma_wait3A_58 = tpu.memref_slice %arg6[%add3A_31, %dma_wait3A_57] : memref<10112x128xf32, #tpu.memory_space<vmem_shared>> -> memref<128x128xf32, #tpu.memory_space<vmem_shared>>
      %dma_wait3A_59 = arith.constant 0 : i32
      %dma_wait3A_60 = arith.constant 0 : i32
      %dma_wait3A_61 = tpu.memref_slice %arg9[%dma_wait3A_59, %dma_wait3A_60] : memref<128x128xf32, #tpu.memory_space<vmem>> -> memref<128x128xf32, #tpu.memory_space<vmem>>
      %dma_wait3A_62 = arith.constant 0 : i32
      %dma_wait3A_63 = tpu.memref_slice %arg6[%add3A_31, %dma_wait3A_62] : memref<10112x128xf32, #tpu.memory_space<vmem_shared>> -> memref<128x128xf32, #tpu.memory_space<vmem_shared>>
      tpu.wait_dma2 semaphore(%run_scoped3A : memref<!tpu.dma_semaphore, #tpu.memory_space<semaphore_mem>>) src(%dma_wait3A_63 : memref<128x128xf32, #tpu.memory_space<vmem_shared>>) dst(%dma_wait3A_61 : memref<128x128xf32, #tpu.memory_space<vmem>>)
      tpu.yield
    }) : () -> ()
    %add3A_32 = arith.constant 128 : i32
    %add3A_33 = arith.addi %add3A_25, %add3A_32 : i32
    "tpu.region"() ({
      %run_scoped3A = tpu.sem_alloc : memref<!tpu.dma_semaphore, #tpu.memory_space<semaphore_mem>>
      %dma_start3A = arith.constant 0 : i32
      %dma_start3A_46 = arith.constant 0 : i32
      %dma_start3A_47 = tpu.memref_slice %arg9[%dma_start3A, %dma_start3A_46] : memref<128x128xf32, #tpu.memory_space<vmem>> -> memref<128x128xf32, #tpu.memory_space<vmem>>
      %dma_start3A_48 = arith.constant 0 : i32
      %dma_start3A_49 = tpu.memref_slice %arg5[%add3A_33, %dma_start3A_48] : memref<20224x128xf32, #tpu.memory_space<hbm>> -> memref<128x128xf32, #tpu.memory_space<hbm>>
      %dma_start3A_50 = arith.constant 0 : i32
      %dma_start3A_51 = tpu.memref_slice %arg5[%add3A_33, %dma_start3A_50] : memref<20224x128xf32, #tpu.memory_space<hbm>> -> memref<128x128xf32, #tpu.memory_space<hbm>>
      %dma_start3A_52 = arith.constant 0 : i32
      %dma_start3A_53 = arith.constant 0 : i32
      %dma_start3A_54 = tpu.memref_slice %arg9[%dma_start3A_52, %dma_start3A_53] : memref<128x128xf32, #tpu.memory_space<vmem>> -> memref<128x128xf32, #tpu.memory_space<vmem>>
      tpu.enqueue_dma source(%dma_start3A_54 : memref<128x128xf32, #tpu.memory_space<vmem>>) target(%dma_start3A_51 : memref<128x128xf32, #tpu.memory_space<hbm>>) target_semaphore(%run_scoped3A : memref<!tpu.dma_semaphore, #tpu.memory_space<semaphore_mem>>)
      %dma_wait3A = arith.constant 0 : i32
      %dma_wait3A_55 = arith.constant 0 : i32
      %dma_wait3A_56 = tpu.memref_slice %arg9[%dma_wait3A, %dma_wait3A_55] : memref<128x128xf32, #tpu.memory_space<vmem>> -> memref<128x128xf32, #tpu.memory_space<vmem>>
      %dma_wait3A_57 = arith.constant 0 : i32
      %dma_wait3A_58 = tpu.memref_slice %arg5[%add3A_33, %dma_wait3A_57] : memref<20224x128xf32, #tpu.memory_space<hbm>> -> memref<128x128xf32, #tpu.memory_space<hbm>>
      %dma_wait3A_59 = arith.constant 0 : i32
      %dma_wait3A_60 = tpu.memref_slice %arg5[%add3A_33, %dma_wait3A_59] : memref<20224x128xf32, #tpu.memory_space<hbm>> -> memref<128x128xf32, #tpu.memory_space<hbm>>
      %dma_wait3A_61 = arith.constant 0 : i32
      %dma_wait3A_62 = arith.constant 0 : i32
      %dma_wait3A_63 = tpu.memref_slice %arg9[%dma_wait3A_61, %dma_wait3A_62] : memref<128x128xf32, #tpu.memory_space<vmem>> -> memref<128x128xf32, #tpu.memory_space<vmem>>
      tpu.wait_dma2 semaphore(%run_scoped3A : memref<!tpu.dma_semaphore, #tpu.memory_space<semaphore_mem>>) src(%dma_wait3A_63 : memref<128x128xf32, #tpu.memory_space<vmem>>) dst(%dma_wait3A_60 : memref<128x128xf32, #tpu.memory_space<hbm>>)
      tpu.yield
    }) : () -> ()
    %add3A_34 = arith.constant 256 : i32
    %add3A_35 = arith.addi %mul3A_0, %add3A_34 : i32
    "tpu.region"() ({
      %run_scoped3A = tpu.sem_alloc : memref<!tpu.dma_semaphore, #tpu.memory_space<semaphore_mem>>
      %dma_start3A = arith.constant 0 : i32
      %dma_start3A_46 = arith.constant 0 : i32
      %dma_start3A_47 = tpu.memref_slice %arg9[%dma_start3A, %dma_start3A_46] : memref<128x128xf32, #tpu.memory_space<vmem>> -> memref<128x128xf32, #tpu.memory_space<vmem>>
      %dma_start3A_48 = arith.constant 0 : i32
      %dma_start3A_49 = tpu.memref_slice %arg6[%add3A_35, %dma_start3A_48] : memref<10112x128xf32, #tpu.memory_space<vmem_shared>> -> memref<128x128xf32, #tpu.memory_space<vmem_shared>>
      %dma_start3A_50 = arith.constant 0 : i32
      %dma_start3A_51 = arith.constant 0 : i32
      %dma_start3A_52 = tpu.memref_slice %arg9[%dma_start3A_50, %dma_start3A_51] : memref<128x128xf32, #tpu.memory_space<vmem>> -> memref<128x128xf32, #tpu.memory_space<vmem>>
      %dma_start3A_53 = arith.constant 0 : i32
      %dma_start3A_54 = tpu.memref_slice %arg6[%add3A_35, %dma_start3A_53] : memref<10112x128xf32, #tpu.memory_space<vmem_shared>> -> memref<128x128xf32, #tpu.memory_space<vmem_shared>>
      tpu.enqueue_dma source(%dma_start3A_54 : memref<128x128xf32, #tpu.memory_space<vmem_shared>>) target(%dma_start3A_52 : memref<128x128xf32, #tpu.memory_space<vmem>>) target_semaphore(%run_scoped3A : memref<!tpu.dma_semaphore, #tpu.memory_space<semaphore_mem>>)
      %dma_wait3A = arith.constant 0 : i32
      %dma_wait3A_55 = arith.constant 0 : i32
      %dma_wait3A_56 = tpu.memref_slice %arg9[%dma_wait3A, %dma_wait3A_55] : memref<128x128xf32, #tpu.memory_space<vmem>> -> memref<128x128xf32, #tpu.memory_space<vmem>>
      %dma_wait3A_57 = arith.constant 0 : i32
      %dma_wait3A_58 = tpu.memref_slice %arg6[%add3A_35, %dma_wait3A_57] : memref<10112x128xf32, #tpu.memory_space<vmem_shared>> -> memref<128x128xf32, #tpu.memory_space<vmem_shared>>
      %dma_wait3A_59 = arith.constant 0 : i32
      %dma_wait3A_60 = arith.constant 0 : i32
      %dma_wait3A_61 = tpu.memref_slice %arg9[%dma_wait3A_59, %dma_wait3A_60] : memref<128x128xf32, #tpu.memory_space<vmem>> -> memref<128x128xf32, #tpu.memory_space<vmem>>
      %dma_wait3A_62 = arith.constant 0 : i32
      %dma_wait3A_63 = tpu.memref_slice %arg6[%add3A_35, %dma_wait3A_62] : memref<10112x128xf32, #tpu.memory_space<vmem_shared>> -> memref<128x128xf32, #tpu.memory_space<vmem_shared>>
      tpu.wait_dma2 semaphore(%run_scoped3A : memref<!tpu.dma_semaphore, #tpu.memory_space<semaphore_mem>>) src(%dma_wait3A_63 : memref<128x128xf32, #tpu.memory_space<vmem_shared>>) dst(%dma_wait3A_61 : memref<128x128xf32, #tpu.memory_space<vmem>>)
      tpu.yield
    }) : () -> ()
    %add3A_36 = arith.constant 256 : i32
    %add3A_37 = arith.addi %add3A_25, %add3A_36 : i32
    "tpu.region"() ({
      %run_scoped3A = tpu.sem_alloc : memref<!tpu.dma_semaphore, #tpu.memory_space<semaphore_mem>>
      %dma_start3A = arith.constant 0 : i32
      %dma_start3A_46 = arith.constant 0 : i32
      %dma_start3A_47 = tpu.memref_slice %arg9[%dma_start3A, %dma_start3A_46] : memref<128x128xf32, #tpu.memory_space<vmem>> -> memref<128x128xf32, #tpu.memory_space<vmem>>
      %dma_start3A_48 = arith.constant 0 : i32
      %dma_start3A_49 = tpu.memref_slice %arg5[%add3A_37, %dma_start3A_48] : memref<20224x128xf32, #tpu.memory_space<hbm>> -> memref<128x128xf32, #tpu.memory_space<hbm>>
      %dma_start3A_50 = arith.constant 0 : i32
      %dma_start3A_51 = tpu.memref_slice %arg5[%add3A_37, %dma_start3A_50] : memref<20224x128xf32, #tpu.memory_space<hbm>> -> memref<128x128xf32, #tpu.memory_space<hbm>>
      %dma_start3A_52 = arith.constant 0 : i32
      %dma_start3A_53 = arith.constant 0 : i32
      %dma_start3A_54 = tpu.memref_slice %arg9[%dma_start3A_52, %dma_start3A_53] : memref<128x128xf32, #tpu.memory_space<vmem>> -> memref<128x128xf32, #tpu.memory_space<vmem>>
      tpu.enqueue_dma source(%dma_start3A_54 : memref<128x128xf32, #tpu.memory_space<vmem>>) target(%dma_start3A_51 : memref<128x128xf32, #tpu.memory_space<hbm>>) target_semaphore(%run_scoped3A : memref<!tpu.dma_semaphore, #tpu.memory_space<semaphore_mem>>)
      %dma_wait3A = arith.constant 0 : i32
      %dma_wait3A_55 = arith.constant 0 : i32
      %dma_wait3A_56 = tpu.memref_slice %arg9[%dma_wait3A, %dma_wait3A_55] : memref<128x128xf32, #tpu.memory_space<vmem>> -> memref<128x128xf32, #tpu.memory_space<vmem>>
      %dma_wait3A_57 = arith.constant 0 : i32
      %dma_wait3A_58 = tpu.memref_slice %arg5[%add3A_37, %dma_wait3A_57] : memref<20224x128xf32, #tpu.memory_space<hbm>> -> memref<128x128xf32, #tpu.memory_space<hbm>>
      %dma_wait3A_59 = arith.constant 0 : i32
      %dma_wait3A_60 = tpu.memref_slice %arg5[%add3A_37, %dma_wait3A_59] : memref<20224x128xf32, #tpu.memory_space<hbm>> -> memref<128x128xf32, #tpu.memory_space<hbm>>
      %dma_wait3A_61 = arith.constant 0 : i32
      %dma_wait3A_62 = arith.constant 0 : i32
      %dma_wait3A_63 = tpu.memref_slice %arg9[%dma_wait3A_61, %dma_wait3A_62] : memref<128x128xf32, #tpu.memory_space<vmem>> -> memref<128x128xf32, #tpu.memory_space<vmem>>
      tpu.wait_dma2 semaphore(%run_scoped3A : memref<!tpu.dma_semaphore, #tpu.memory_space<semaphore_mem>>) src(%dma_wait3A_63 : memref<128x128xf32, #tpu.memory_space<vmem>>) dst(%dma_wait3A_60 : memref<128x128xf32, #tpu.memory_space<hbm>>)
      tpu.yield
    }) : () -> ()
    %add3A_38 = arith.constant 384 : i32
    %add3A_39 = arith.addi %mul3A_0, %add3A_38 : i32
    "tpu.region"() ({
      %run_scoped3A = tpu.sem_alloc : memref<!tpu.dma_semaphore, #tpu.memory_space<semaphore_mem>>
      %dma_start3A = arith.constant 0 : i32
      %dma_start3A_46 = arith.constant 0 : i32
      %dma_start3A_47 = tpu.memref_slice %arg9[%dma_start3A, %dma_start3A_46] : memref<128x128xf32, #tpu.memory_space<vmem>> -> memref<128x128xf32, #tpu.memory_space<vmem>>
      %dma_start3A_48 = arith.constant 0 : i32
      %dma_start3A_49 = tpu.memref_slice %arg6[%add3A_39, %dma_start3A_48] : memref<10112x128xf32, #tpu.memory_space<vmem_shared>> -> memref<128x128xf32, #tpu.memory_space<vmem_shared>>
      %dma_start3A_50 = arith.constant 0 : i32
      %dma_start3A_51 = arith.constant 0 : i32
      %dma_start3A_52 = tpu.memref_slice %arg9[%dma_start3A_50, %dma_start3A_51] : memref<128x128xf32, #tpu.memory_space<vmem>> -> memref<128x128xf32, #tpu.memory_space<vmem>>
      %dma_start3A_53 = arith.constant 0 : i32
      %dma_start3A_54 = tpu.memref_slice %arg6[%add3A_39, %dma_start3A_53] : memref<10112x128xf32, #tpu.memory_space<vmem_shared>> -> memref<128x128xf32, #tpu.memory_space<vmem_shared>>
      tpu.enqueue_dma source(%dma_start3A_54 : memref<128x128xf32, #tpu.memory_space<vmem_shared>>) target(%dma_start3A_52 : memref<128x128xf32, #tpu.memory_space<vmem>>) target_semaphore(%run_scoped3A : memref<!tpu.dma_semaphore, #tpu.memory_space<semaphore_mem>>)
      %dma_wait3A = arith.constant 0 : i32
      %dma_wait3A_55 = arith.constant 0 : i32
      %dma_wait3A_56 = tpu.memref_slice %arg9[%dma_wait3A, %dma_wait3A_55] : memref<128x128xf32, #tpu.memory_space<vmem>> -> memref<128x128xf32, #tpu.memory_space<vmem>>
      %dma_wait3A_57 = arith.constant 0 : i32
      %dma_wait3A_58 = tpu.memref_slice %arg6[%add3A_39, %dma_wait3A_57] : memref<10112x128xf32, #tpu.memory_space<vmem_shared>> -> memref<128x128xf32, #tpu.memory_space<vmem_shared>>
      %dma_wait3A_59 = arith.constant 0 : i32
      %dma_wait3A_60 = arith.constant 0 : i32
      %dma_wait3A_61 = tpu.memref_slice %arg9[%dma_wait3A_59, %dma_wait3A_60] : memref<128x128xf32, #tpu.memory_space<vmem>> -> memref<128x128xf32, #tpu.memory_space<vmem>>
      %dma_wait3A_62 = arith.constant 0 : i32
      %dma_wait3A_63 = tpu.memref_slice %arg6[%add3A_39, %dma_wait3A_62] : memref<10112x128xf32, #tpu.memory_space<vmem_shared>> -> memref<128x128xf32, #tpu.memory_space<vmem_shared>>
      tpu.wait_dma2 semaphore(%run_scoped3A : memref<!tpu.dma_semaphore, #tpu.memory_space<semaphore_mem>>) src(%dma_wait3A_63 : memref<128x128xf32, #tpu.memory_space<vmem_shared>>) dst(%dma_wait3A_61 : memref<128x128xf32, #tpu.memory_space<vmem>>)
      tpu.yield
    }) : () -> ()
    %add3A_40 = arith.constant 384 : i32
    %add3A_41 = arith.addi %add3A_25, %add3A_40 : i32
    "tpu.region"() ({
      %run_scoped3A = tpu.sem_alloc : memref<!tpu.dma_semaphore, #tpu.memory_space<semaphore_mem>>
      %dma_start3A = arith.constant 0 : i32
      %dma_start3A_46 = arith.constant 0 : i32
      %dma_start3A_47 = tpu.memref_slice %arg9[%dma_start3A, %dma_start3A_46] : memref<128x128xf32, #tpu.memory_space<vmem>> -> memref<128x128xf32, #tpu.memory_space<vmem>>
      %dma_start3A_48 = arith.constant 0 : i32
      %dma_start3A_49 = tpu.memref_slice %arg5[%add3A_41, %dma_start3A_48] : memref<20224x128xf32, #tpu.memory_space<hbm>> -> memref<128x128xf32, #tpu.memory_space<hbm>>
      %dma_start3A_50 = arith.constant 0 : i32
      %dma_start3A_51 = tpu.memref_slice %arg5[%add3A_41, %dma_start3A_50] : memref<20224x128xf32, #tpu.memory_space<hbm>> -> memref<128x128xf32, #tpu.memory_space<hbm>>
      %dma_start3A_52 = arith.constant 0 : i32
      %dma_start3A_53 = arith.constant 0 : i32
      %dma_start3A_54 = tpu.memref_slice %arg9[%dma_start3A_52, %dma_start3A_53] : memref<128x128xf32, #tpu.memory_space<vmem>> -> memref<128x128xf32, #tpu.memory_space<vmem>>
      tpu.enqueue_dma source(%dma_start3A_54 : memref<128x128xf32, #tpu.memory_space<vmem>>) target(%dma_start3A_51 : memref<128x128xf32, #tpu.memory_space<hbm>>) target_semaphore(%run_scoped3A : memref<!tpu.dma_semaphore, #tpu.memory_space<semaphore_mem>>)
      %dma_wait3A = arith.constant 0 : i32
      %dma_wait3A_55 = arith.constant 0 : i32
      %dma_wait3A_56 = tpu.memref_slice %arg9[%dma_wait3A, %dma_wait3A_55] : memref<128x128xf32, #tpu.memory_space<vmem>> -> memref<128x128xf32, #tpu.memory_space<vmem>>
      %dma_wait3A_57 = arith.constant 0 : i32
      %dma_wait3A_58 = tpu.memref_slice %arg5[%add3A_41, %dma_wait3A_57] : memref<20224x128xf32, #tpu.memory_space<hbm>> -> memref<128x128xf32, #tpu.memory_space<hbm>>
      %dma_wait3A_59 = arith.constant 0 : i32
      %dma_wait3A_60 = tpu.memref_slice %arg5[%add3A_41, %dma_wait3A_59] : memref<20224x128xf32, #tpu.memory_space<hbm>> -> memref<128x128xf32, #tpu.memory_space<hbm>>
      %dma_wait3A_61 = arith.constant 0 : i32
      %dma_wait3A_62 = arith.constant 0 : i32
      %dma_wait3A_63 = tpu.memref_slice %arg9[%dma_wait3A_61, %dma_wait3A_62] : memref<128x128xf32, #tpu.memory_space<vmem>> -> memref<128x128xf32, #tpu.memory_space<vmem>>
      tpu.wait_dma2 semaphore(%run_scoped3A : memref<!tpu.dma_semaphore, #tpu.memory_space<semaphore_mem>>) src(%dma_wait3A_63 : memref<128x128xf32, #tpu.memory_space<vmem>>) dst(%dma_wait3A_60 : memref<128x128xf32, #tpu.memory_space<hbm>>)
      tpu.yield
    }) : () -> ()
    %add3A_42 = arith.constant 512 : i32
    %add3A_43 = arith.addi %mul3A_0, %add3A_42 : i32
    "tpu.region"() ({
      %run_scoped3A = tpu.sem_alloc : memref<!tpu.dma_semaphore, #tpu.memory_space<semaphore_mem>>
      %dma_start3A = arith.constant 0 : i32
      %dma_start3A_46 = arith.constant 0 : i32
      %dma_start3A_47 = tpu.memref_slice %arg9[%dma_start3A, %dma_start3A_46] : memref<128x128xf32, #tpu.memory_space<vmem>> -> memref<120x128xf32, #tpu.memory_space<vmem>>
      %dma_start3A_48 = arith.constant 0 : i32
      %dma_start3A_49 = tpu.memref_slice %arg6[%add3A_43, %dma_start3A_48] : memref<10112x128xf32, #tpu.memory_space<vmem_shared>> -> memref<120x128xf32, #tpu.memory_space<vmem_shared>>
      %dma_start3A_50 = arith.constant 0 : i32
      %dma_start3A_51 = arith.constant 0 : i32
      %dma_start3A_52 = tpu.memref_slice %arg9[%dma_start3A_50, %dma_start3A_51] : memref<128x128xf32, #tpu.memory_space<vmem>> -> memref<120x128xf32, #tpu.memory_space<vmem>>
      %dma_start3A_53 = arith.constant 0 : i32
      %dma_start3A_54 = tpu.memref_slice %arg6[%add3A_43, %dma_start3A_53] : memref<10112x128xf32, #tpu.memory_space<vmem_shared>> -> memref<120x128xf32, #tpu.memory_space<vmem_shared>>
      tpu.enqueue_dma source(%dma_start3A_54 : memref<120x128xf32, #tpu.memory_space<vmem_shared>>) target(%dma_start3A_52 : memref<120x128xf32, #tpu.memory_space<vmem>>) target_semaphore(%run_scoped3A : memref<!tpu.dma_semaphore, #tpu.memory_space<semaphore_mem>>)
      %dma_wait3A = arith.constant 0 : i32
      %dma_wait3A_55 = arith.constant 0 : i32
      %dma_wait3A_56 = tpu.memref_slice %arg9[%dma_wait3A, %dma_wait3A_55] : memref<128x128xf32, #tpu.memory_space<vmem>> -> memref<120x128xf32, #tpu.memory_space<vmem>>
      %dma_wait3A_57 = arith.constant 0 : i32
      %dma_wait3A_58 = tpu.memref_slice %arg6[%add3A_43, %dma_wait3A_57] : memref<10112x128xf32, #tpu.memory_space<vmem_shared>> -> memref<120x128xf32, #tpu.memory_space<vmem_shared>>
      %dma_wait3A_59 = arith.constant 0 : i32
      %dma_wait3A_60 = arith.constant 0 : i32
      %dma_wait3A_61 = tpu.memref_slice %arg9[%dma_wait3A_59, %dma_wait3A_60] : memref<128x128xf32, #tpu.memory_space<vmem>> -> memref<120x128xf32, #tpu.memory_space<vmem>>
      %dma_wait3A_62 = arith.constant 0 : i32
      %dma_wait3A_63 = tpu.memref_slice %arg6[%add3A_43, %dma_wait3A_62] : memref<10112x128xf32, #tpu.memory_space<vmem_shared>> -> memref<120x128xf32, #tpu.memory_space<vmem_shared>>
      tpu.wait_dma2 semaphore(%run_scoped3A : memref<!tpu.dma_semaphore, #tpu.memory_space<semaphore_mem>>) src(%dma_wait3A_63 : memref<120x128xf32, #tpu.memory_space<vmem_shared>>) dst(%dma_wait3A_61 : memref<120x128xf32, #tpu.memory_space<vmem>>)
      tpu.yield
    }) : () -> ()
    %add3A_44 = arith.constant 512 : i32
    %add3A_45 = arith.addi %add3A_25, %add3A_44 : i32
    "tpu.region"() ({
      %run_scoped3A = tpu.sem_alloc : memref<!tpu.dma_semaphore, #tpu.memory_space<semaphore_mem>>
      %dma_start3A = arith.constant 0 : i32
      %dma_start3A_46 = arith.constant 0 : i32
      %dma_start3A_47 = tpu.memref_slice %arg9[%dma_start3A, %dma_start3A_46] : memref<128x128xf32, #tpu.memory_space<vmem>> -> memref<120x128xf32, #tpu.memory_space<vmem>>
      %dma_start3A_48 = arith.constant 0 : i32
      %dma_start3A_49 = tpu.memref_slice %arg5[%add3A_45, %dma_start3A_48] : memref<20224x128xf32, #tpu.memory_space<hbm>> -> memref<120x128xf32, #tpu.memory_space<hbm>>
      %dma_start3A_50 = arith.constant 0 : i32
      %dma_start3A_51 = tpu.memref_slice %arg5[%add3A_45, %dma_start3A_50] : memref<20224x128xf32, #tpu.memory_space<hbm>> -> memref<120x128xf32, #tpu.memory_space<hbm>>
      %dma_start3A_52 = arith.constant 0 : i32
      %dma_start3A_53 = arith.constant 0 : i32
      %dma_start3A_54 = tpu.memref_slice %arg9[%dma_start3A_52, %dma_start3A_53] : memref<128x128xf32, #tpu.memory_space<vmem>> -> memref<120x128xf32, #tpu.memory_space<vmem>>
      tpu.enqueue_dma source(%dma_start3A_54 : memref<120x128xf32, #tpu.memory_space<vmem>>) target(%dma_start3A_51 : memref<120x128xf32, #tpu.memory_space<hbm>>) target_semaphore(%run_scoped3A : memref<!tpu.dma_semaphore, #tpu.memory_space<semaphore_mem>>)
      %dma_wait3A = arith.constant 0 : i32
      %dma_wait3A_55 = arith.constant 0 : i32
      %dma_wait3A_56 = tpu.memref_slice %arg9[%dma_wait3A, %dma_wait3A_55] : memref<128x128xf32, #tpu.memory_space<vmem>> -> memref<120x128xf32, #tpu.memory_space<vmem>>
      %dma_wait3A_57 = arith.constant 0 : i32
      %dma_wait3A_58 = tpu.memref_slice %arg5[%add3A_45, %dma_wait3A_57] : memref<20224x128xf32, #tpu.memory_space<hbm>> -> memref<120x128xf32, #tpu.memory_space<hbm>>
      %dma_wait3A_59 = arith.constant 0 : i32
      %dma_wait3A_60 = tpu.memref_slice %arg5[%add3A_45, %dma_wait3A_59] : memref<20224x128xf32, #tpu.memory_space<hbm>> -> memref<120x128xf32, #tpu.memory_space<hbm>>
      %dma_wait3A_61 = arith.constant 0 : i32
      %dma_wait3A_62 = arith.constant 0 : i32
      %dma_wait3A_63 = tpu.memref_slice %arg9[%dma_wait3A_61, %dma_wait3A_62] : memref<128x128xf32, #tpu.memory_space<vmem>> -> memref<120x128xf32, #tpu.memory_space<vmem>>
      tpu.wait_dma2 semaphore(%run_scoped3A : memref<!tpu.dma_semaphore, #tpu.memory_space<semaphore_mem>>) src(%dma_wait3A_63 : memref<120x128xf32, #tpu.memory_space<vmem>>) dst(%dma_wait3A_60 : memref<120x128xf32, #tpu.memory_space<hbm>>)
      tpu.yield
    }) : () -> ()
    return
  }
}

#map = affine_map<(d0, d1) -> (0, 0)>
#map1 = affine_map<(d0, d1) -> (0)>
module attributes {stable_mosaic.version = 14 : i64} {
  func.func @body(%arg0: i32, %arg1: i32, %arg2: memref<10000x128xf32, #tpu.memory_space<hbm>>, %arg3: memref<323584xi32, #tpu.memory_space<hbm>>, %arg4: memref<323584xi32, #tpu.memory_space<hbm>>, %arg5: memref<10112x128xf32, #tpu.memory_space<hbm>>, %arg6: memref<20224x128xf32, #tpu.memory_space<hbm>>, %arg7: memref<10112x128xf32, #tpu.memory_space<vmem_shared>>, %arg8: memref<128xi32, #tpu.memory_space<vmem>>, %arg9: memref<128xi32, #tpu.memory_space<vmem>>, %arg10: memref<128x128xf32, #tpu.memory_space<vmem>>, %arg11: memref<!tpu.dma_semaphore, #tpu.memory_space<semaphore_mem>>) attributes {dimension_semantics = [#tpu.dimension_semantics<core_parallel>, #tpu.dimension_semantics<subcore_parallel>], iteration_bounds = array<i64: 2, 16>, scalar_prefetch = 0 : i64, scratch_operands = 5 : i64, tpu.core_type = #tpu.core_type<sc_vector_subcore>, window_params = [{transform_indices = #map}, {transform_indices = #map1}, {transform_indices = #map1}, {transform_indices = #map}, {transform_indices = #map}]} {
    %mul3A = arith.constant 632 : i32
    %mul3A_0 = arith.muli %arg1, %mul3A : i32
    "tpu.region"() ({
      %run_scoped3A = tpu.sem_alloc : memref<!tpu.dma_semaphore, #tpu.memory_space<semaphore_mem>>
      %dma_start3A = arith.constant 0 : i32
      %dma_start3A_56 = arith.constant 0 : i32
      %dma_start3A_57 = tpu.memref_slice %arg5[%dma_start3A, %dma_start3A_56] : memref<10112x128xf32, #tpu.memory_space<hbm>> -> memref<128x128xf32, #tpu.memory_space<hbm>>
      %dma_start3A_58 = arith.constant 0 : i32
      %dma_start3A_59 = arith.constant 0 : i32
      %dma_start3A_60 = tpu.memref_slice %arg5[%dma_start3A_58, %dma_start3A_59] : memref<10112x128xf32, #tpu.memory_space<hbm>> -> memref<128x128xf32, #tpu.memory_space<hbm>>
      tpu.enqueue_dma source(%dma_start3A_60 : memref<128x128xf32, #tpu.memory_space<hbm>>) target(%arg10 : memref<128x128xf32, #tpu.memory_space<vmem>>) target_semaphore(%run_scoped3A : memref<!tpu.dma_semaphore, #tpu.memory_space<semaphore_mem>>)
      %dma_wait3A = arith.constant 0 : i32
      %dma_wait3A_61 = arith.constant 0 : i32
      %dma_wait3A_62 = tpu.memref_slice %arg5[%dma_wait3A, %dma_wait3A_61] : memref<10112x128xf32, #tpu.memory_space<hbm>> -> memref<128x128xf32, #tpu.memory_space<hbm>>
      %dma_wait3A_63 = arith.constant 0 : i32
      %dma_wait3A_64 = arith.constant 0 : i32
      %dma_wait3A_65 = tpu.memref_slice %arg5[%dma_wait3A_63, %dma_wait3A_64] : memref<10112x128xf32, #tpu.memory_space<hbm>> -> memref<128x128xf32, #tpu.memory_space<hbm>>
      tpu.wait_dma2 semaphore(%run_scoped3A : memref<!tpu.dma_semaphore, #tpu.memory_space<semaphore_mem>>) src(%dma_wait3A_65 : memref<128x128xf32, #tpu.memory_space<hbm>>) dst(%arg10 : memref<128x128xf32, #tpu.memory_space<vmem>>)
      tpu.yield
    }) : () -> ()
    %add3A = arith.constant 0 : i32
    %add3A_1 = arith.addi %mul3A_0, %add3A : i32
    "tpu.region"() ({
      %run_scoped3A = tpu.sem_alloc : memref<!tpu.dma_semaphore, #tpu.memory_space<semaphore_mem>>
      %dma_start3A = arith.constant 0 : i32
      %dma_start3A_56 = arith.constant 0 : i32
      %dma_start3A_57 = tpu.memref_slice %arg10[%dma_start3A, %dma_start3A_56] : memref<128x128xf32, #tpu.memory_space<vmem>> -> memref<128x128xf32, #tpu.memory_space<vmem>>
      %dma_start3A_58 = arith.constant 0 : i32
      %dma_start3A_59 = tpu.memref_slice %arg7[%add3A_1, %dma_start3A_58] : memref<10112x128xf32, #tpu.memory_space<vmem_shared>> -> memref<128x128xf32, #tpu.memory_space<vmem_shared>>
      %dma_start3A_60 = arith.constant 0 : i32
      %dma_start3A_61 = tpu.memref_slice %arg7[%add3A_1, %dma_start3A_60] : memref<10112x128xf32, #tpu.memory_space<vmem_shared>> -> memref<128x128xf32, #tpu.memory_space<vmem_shared>>
      %dma_start3A_62 = arith.constant 0 : i32
      %dma_start3A_63 = arith.constant 0 : i32
      %dma_start3A_64 = tpu.memref_slice %arg10[%dma_start3A_62, %dma_start3A_63] : memref<128x128xf32, #tpu.memory_space<vmem>> -> memref<128x128xf32, #tpu.memory_space<vmem>>
      tpu.enqueue_dma source(%dma_start3A_64 : memref<128x128xf32, #tpu.memory_space<vmem>>) target(%dma_start3A_61 : memref<128x128xf32, #tpu.memory_space<vmem_shared>>) target_semaphore(%run_scoped3A : memref<!tpu.dma_semaphore, #tpu.memory_space<semaphore_mem>>)
      %dma_wait3A = arith.constant 0 : i32
      %dma_wait3A_65 = arith.constant 0 : i32
      %dma_wait3A_66 = tpu.memref_slice %arg10[%dma_wait3A, %dma_wait3A_65] : memref<128x128xf32, #tpu.memory_space<vmem>> -> memref<128x128xf32, #tpu.memory_space<vmem>>
      %dma_wait3A_67 = arith.constant 0 : i32
      %dma_wait3A_68 = tpu.memref_slice %arg7[%add3A_1, %dma_wait3A_67] : memref<10112x128xf32, #tpu.memory_space<vmem_shared>> -> memref<128x128xf32, #tpu.memory_space<vmem_shared>>
      %dma_wait3A_69 = arith.constant 0 : i32
      %dma_wait3A_70 = tpu.memref_slice %arg7[%add3A_1, %dma_wait3A_69] : memref<10112x128xf32, #tpu.memory_space<vmem_shared>> -> memref<128x128xf32, #tpu.memory_space<vmem_shared>>
      %dma_wait3A_71 = arith.constant 0 : i32
      %dma_wait3A_72 = arith.constant 0 : i32
      %dma_wait3A_73 = tpu.memref_slice %arg10[%dma_wait3A_71, %dma_wait3A_72] : memref<128x128xf32, #tpu.memory_space<vmem>> -> memref<128x128xf32, #tpu.memory_space<vmem>>
      tpu.wait_dma2 semaphore(%run_scoped3A : memref<!tpu.dma_semaphore, #tpu.memory_space<semaphore_mem>>) src(%dma_wait3A_73 : memref<128x128xf32, #tpu.memory_space<vmem>>) dst(%dma_wait3A_70 : memref<128x128xf32, #tpu.memory_space<vmem_shared>>)
      tpu.yield
    }) : () -> ()
    %add3A_2 = arith.constant 128 : i32
    %add3A_3 = arith.addi %mul3A_0, %add3A_2 : i32
    "tpu.region"() ({
      %run_scoped3A = tpu.sem_alloc : memref<!tpu.dma_semaphore, #tpu.memory_space<semaphore_mem>>
      %dma_start3A = arith.constant 0 : i32
      %dma_start3A_56 = arith.constant 0 : i32
      %dma_start3A_57 = tpu.memref_slice %arg10[%dma_start3A, %dma_start3A_56] : memref<128x128xf32, #tpu.memory_space<vmem>> -> memref<128x128xf32, #tpu.memory_space<vmem>>
      %dma_start3A_58 = arith.constant 0 : i32
      %dma_start3A_59 = tpu.memref_slice %arg7[%add3A_3, %dma_start3A_58] : memref<10112x128xf32, #tpu.memory_space<vmem_shared>> -> memref<128x128xf32, #tpu.memory_space<vmem_shared>>
      %dma_start3A_60 = arith.constant 0 : i32
      %dma_start3A_61 = tpu.memref_slice %arg7[%add3A_3, %dma_start3A_60] : memref<10112x128xf32, #tpu.memory_space<vmem_shared>> -> memref<128x128xf32, #tpu.memory_space<vmem_shared>>
      %dma_start3A_62 = arith.constant 0 : i32
      %dma_start3A_63 = arith.constant 0 : i32
      %dma_start3A_64 = tpu.memref_slice %arg10[%dma_start3A_62, %dma_start3A_63] : memref<128x128xf32, #tpu.memory_space<vmem>> -> memref<128x128xf32, #tpu.memory_space<vmem>>
      tpu.enqueue_dma source(%dma_start3A_64 : memref<128x128xf32, #tpu.memory_space<vmem>>) target(%dma_start3A_61 : memref<128x128xf32, #tpu.memory_space<vmem_shared>>) target_semaphore(%run_scoped3A : memref<!tpu.dma_semaphore, #tpu.memory_space<semaphore_mem>>)
      %dma_wait3A = arith.constant 0 : i32
      %dma_wait3A_65 = arith.constant 0 : i32
      %dma_wait3A_66 = tpu.memref_slice %arg10[%dma_wait3A, %dma_wait3A_65] : memref<128x128xf32, #tpu.memory_space<vmem>> -> memref<128x128xf32, #tpu.memory_space<vmem>>
      %dma_wait3A_67 = arith.constant 0 : i32
      %dma_wait3A_68 = tpu.memref_slice %arg7[%add3A_3, %dma_wait3A_67] : memref<10112x128xf32, #tpu.memory_space<vmem_shared>> -> memref<128x128xf32, #tpu.memory_space<vmem_shared>>
      %dma_wait3A_69 = arith.constant 0 : i32
      %dma_wait3A_70 = tpu.memref_slice %arg7[%add3A_3, %dma_wait3A_69] : memref<10112x128xf32, #tpu.memory_space<vmem_shared>> -> memref<128x128xf32, #tpu.memory_space<vmem_shared>>
      %dma_wait3A_71 = arith.constant 0 : i32
      %dma_wait3A_72 = arith.constant 0 : i32
      %dma_wait3A_73 = tpu.memref_slice %arg10[%dma_wait3A_71, %dma_wait3A_72] : memref<128x128xf32, #tpu.memory_space<vmem>> -> memref<128x128xf32, #tpu.memory_space<vmem>>
      tpu.wait_dma2 semaphore(%run_scoped3A : memref<!tpu.dma_semaphore, #tpu.memory_space<semaphore_mem>>) src(%dma_wait3A_73 : memref<128x128xf32, #tpu.memory_space<vmem>>) dst(%dma_wait3A_70 : memref<128x128xf32, #tpu.memory_space<vmem_shared>>)
      tpu.yield
    }) : () -> ()
    %add3A_4 = arith.constant 256 : i32
    %add3A_5 = arith.addi %mul3A_0, %add3A_4 : i32
    "tpu.region"() ({
      %run_scoped3A = tpu.sem_alloc : memref<!tpu.dma_semaphore, #tpu.memory_space<semaphore_mem>>
      %dma_start3A = arith.constant 0 : i32
      %dma_start3A_56 = arith.constant 0 : i32
      %dma_start3A_57 = tpu.memref_slice %arg10[%dma_start3A, %dma_start3A_56] : memref<128x128xf32, #tpu.memory_space<vmem>> -> memref<128x128xf32, #tpu.memory_space<vmem>>
      %dma_start3A_58 = arith.constant 0 : i32
      %dma_start3A_59 = tpu.memref_slice %arg7[%add3A_5, %dma_start3A_58] : memref<10112x128xf32, #tpu.memory_space<vmem_shared>> -> memref<128x128xf32, #tpu.memory_space<vmem_shared>>
      %dma_start3A_60 = arith.constant 0 : i32
      %dma_start3A_61 = tpu.memref_slice %arg7[%add3A_5, %dma_start3A_60] : memref<10112x128xf32, #tpu.memory_space<vmem_shared>> -> memref<128x128xf32, #tpu.memory_space<vmem_shared>>
      %dma_start3A_62 = arith.constant 0 : i32
      %dma_start3A_63 = arith.constant 0 : i32
      %dma_start3A_64 = tpu.memref_slice %arg10[%dma_start3A_62, %dma_start3A_63] : memref<128x128xf32, #tpu.memory_space<vmem>> -> memref<128x128xf32, #tpu.memory_space<vmem>>
      tpu.enqueue_dma source(%dma_start3A_64 : memref<128x128xf32, #tpu.memory_space<vmem>>) target(%dma_start3A_61 : memref<128x128xf32, #tpu.memory_space<vmem_shared>>) target_semaphore(%run_scoped3A : memref<!tpu.dma_semaphore, #tpu.memory_space<semaphore_mem>>)
      %dma_wait3A = arith.constant 0 : i32
      %dma_wait3A_65 = arith.constant 0 : i32
      %dma_wait3A_66 = tpu.memref_slice %arg10[%dma_wait3A, %dma_wait3A_65] : memref<128x128xf32, #tpu.memory_space<vmem>> -> memref<128x128xf32, #tpu.memory_space<vmem>>
      %dma_wait3A_67 = arith.constant 0 : i32
      %dma_wait3A_68 = tpu.memref_slice %arg7[%add3A_5, %dma_wait3A_67] : memref<10112x128xf32, #tpu.memory_space<vmem_shared>> -> memref<128x128xf32, #tpu.memory_space<vmem_shared>>
      %dma_wait3A_69 = arith.constant 0 : i32
      %dma_wait3A_70 = tpu.memref_slice %arg7[%add3A_5, %dma_wait3A_69] : memref<10112x128xf32, #tpu.memory_space<vmem_shared>> -> memref<128x128xf32, #tpu.memory_space<vmem_shared>>
      %dma_wait3A_71 = arith.constant 0 : i32
      %dma_wait3A_72 = arith.constant 0 : i32
      %dma_wait3A_73 = tpu.memref_slice %arg10[%dma_wait3A_71, %dma_wait3A_72] : memref<128x128xf32, #tpu.memory_space<vmem>> -> memref<128x128xf32, #tpu.memory_space<vmem>>
      tpu.wait_dma2 semaphore(%run_scoped3A : memref<!tpu.dma_semaphore, #tpu.memory_space<semaphore_mem>>) src(%dma_wait3A_73 : memref<128x128xf32, #tpu.memory_space<vmem>>) dst(%dma_wait3A_70 : memref<128x128xf32, #tpu.memory_space<vmem_shared>>)
      tpu.yield
    }) : () -> ()
    %add3A_6 = arith.constant 384 : i32
    %add3A_7 = arith.addi %mul3A_0, %add3A_6 : i32
    "tpu.region"() ({
      %run_scoped3A = tpu.sem_alloc : memref<!tpu.dma_semaphore, #tpu.memory_space<semaphore_mem>>
      %dma_start3A = arith.constant 0 : i32
      %dma_start3A_56 = arith.constant 0 : i32
      %dma_start3A_57 = tpu.memref_slice %arg10[%dma_start3A, %dma_start3A_56] : memref<128x128xf32, #tpu.memory_space<vmem>> -> memref<128x128xf32, #tpu.memory_space<vmem>>
      %dma_start3A_58 = arith.constant 0 : i32
      %dma_start3A_59 = tpu.memref_slice %arg7[%add3A_7, %dma_start3A_58] : memref<10112x128xf32, #tpu.memory_space<vmem_shared>> -> memref<128x128xf32, #tpu.memory_space<vmem_shared>>
      %dma_start3A_60 = arith.constant 0 : i32
      %dma_start3A_61 = tpu.memref_slice %arg7[%add3A_7, %dma_start3A_60] : memref<10112x128xf32, #tpu.memory_space<vmem_shared>> -> memref<128x128xf32, #tpu.memory_space<vmem_shared>>
      %dma_start3A_62 = arith.constant 0 : i32
      %dma_start3A_63 = arith.constant 0 : i32
      %dma_start3A_64 = tpu.memref_slice %arg10[%dma_start3A_62, %dma_start3A_63] : memref<128x128xf32, #tpu.memory_space<vmem>> -> memref<128x128xf32, #tpu.memory_space<vmem>>
      tpu.enqueue_dma source(%dma_start3A_64 : memref<128x128xf32, #tpu.memory_space<vmem>>) target(%dma_start3A_61 : memref<128x128xf32, #tpu.memory_space<vmem_shared>>) target_semaphore(%run_scoped3A : memref<!tpu.dma_semaphore, #tpu.memory_space<semaphore_mem>>)
      %dma_wait3A = arith.constant 0 : i32
      %dma_wait3A_65 = arith.constant 0 : i32
      %dma_wait3A_66 = tpu.memref_slice %arg10[%dma_wait3A, %dma_wait3A_65] : memref<128x128xf32, #tpu.memory_space<vmem>> -> memref<128x128xf32, #tpu.memory_space<vmem>>
      %dma_wait3A_67 = arith.constant 0 : i32
      %dma_wait3A_68 = tpu.memref_slice %arg7[%add3A_7, %dma_wait3A_67] : memref<10112x128xf32, #tpu.memory_space<vmem_shared>> -> memref<128x128xf32, #tpu.memory_space<vmem_shared>>
      %dma_wait3A_69 = arith.constant 0 : i32
      %dma_wait3A_70 = tpu.memref_slice %arg7[%add3A_7, %dma_wait3A_69] : memref<10112x128xf32, #tpu.memory_space<vmem_shared>> -> memref<128x128xf32, #tpu.memory_space<vmem_shared>>
      %dma_wait3A_71 = arith.constant 0 : i32
      %dma_wait3A_72 = arith.constant 0 : i32
      %dma_wait3A_73 = tpu.memref_slice %arg10[%dma_wait3A_71, %dma_wait3A_72] : memref<128x128xf32, #tpu.memory_space<vmem>> -> memref<128x128xf32, #tpu.memory_space<vmem>>
      tpu.wait_dma2 semaphore(%run_scoped3A : memref<!tpu.dma_semaphore, #tpu.memory_space<semaphore_mem>>) src(%dma_wait3A_73 : memref<128x128xf32, #tpu.memory_space<vmem>>) dst(%dma_wait3A_70 : memref<128x128xf32, #tpu.memory_space<vmem_shared>>)
      tpu.yield
    }) : () -> ()
    %add3A_8 = arith.constant 512 : i32
    %add3A_9 = arith.addi %mul3A_0, %add3A_8 : i32
    "tpu.region"() ({
      %run_scoped3A = tpu.sem_alloc : memref<!tpu.dma_semaphore, #tpu.memory_space<semaphore_mem>>
      %dma_start3A = arith.constant 0 : i32
      %dma_start3A_56 = arith.constant 0 : i32
      %dma_start3A_57 = tpu.memref_slice %arg10[%dma_start3A, %dma_start3A_56] : memref<128x128xf32, #tpu.memory_space<vmem>> -> memref<120x128xf32, #tpu.memory_space<vmem>>
      %dma_start3A_58 = arith.constant 0 : i32
      %dma_start3A_59 = tpu.memref_slice %arg7[%add3A_9, %dma_start3A_58] : memref<10112x128xf32, #tpu.memory_space<vmem_shared>> -> memref<120x128xf32, #tpu.memory_space<vmem_shared>>
      %dma_start3A_60 = arith.constant 0 : i32
      %dma_start3A_61 = tpu.memref_slice %arg7[%add3A_9, %dma_start3A_60] : memref<10112x128xf32, #tpu.memory_space<vmem_shared>> -> memref<120x128xf32, #tpu.memory_space<vmem_shared>>
      %dma_start3A_62 = arith.constant 0 : i32
      %dma_start3A_63 = arith.constant 0 : i32
      %dma_start3A_64 = tpu.memref_slice %arg10[%dma_start3A_62, %dma_start3A_63] : memref<128x128xf32, #tpu.memory_space<vmem>> -> memref<120x128xf32, #tpu.memory_space<vmem>>
      tpu.enqueue_dma source(%dma_start3A_64 : memref<120x128xf32, #tpu.memory_space<vmem>>) target(%dma_start3A_61 : memref<120x128xf32, #tpu.memory_space<vmem_shared>>) target_semaphore(%run_scoped3A : memref<!tpu.dma_semaphore, #tpu.memory_space<semaphore_mem>>)
      %dma_wait3A = arith.constant 0 : i32
      %dma_wait3A_65 = arith.constant 0 : i32
      %dma_wait3A_66 = tpu.memref_slice %arg10[%dma_wait3A, %dma_wait3A_65] : memref<128x128xf32, #tpu.memory_space<vmem>> -> memref<120x128xf32, #tpu.memory_space<vmem>>
      %dma_wait3A_67 = arith.constant 0 : i32
      %dma_wait3A_68 = tpu.memref_slice %arg7[%add3A_9, %dma_wait3A_67] : memref<10112x128xf32, #tpu.memory_space<vmem_shared>> -> memref<120x128xf32, #tpu.memory_space<vmem_shared>>
      %dma_wait3A_69 = arith.constant 0 : i32
      %dma_wait3A_70 = tpu.memref_slice %arg7[%add3A_9, %dma_wait3A_69] : memref<10112x128xf32, #tpu.memory_space<vmem_shared>> -> memref<120x128xf32, #tpu.memory_space<vmem_shared>>
      %dma_wait3A_71 = arith.constant 0 : i32
      %dma_wait3A_72 = arith.constant 0 : i32
      %dma_wait3A_73 = tpu.memref_slice %arg10[%dma_wait3A_71, %dma_wait3A_72] : memref<128x128xf32, #tpu.memory_space<vmem>> -> memref<120x128xf32, #tpu.memory_space<vmem>>
      tpu.wait_dma2 semaphore(%run_scoped3A : memref<!tpu.dma_semaphore, #tpu.memory_space<semaphore_mem>>) src(%dma_wait3A_73 : memref<120x128xf32, #tpu.memory_space<vmem>>) dst(%dma_wait3A_70 : memref<120x128xf32, #tpu.memory_space<vmem_shared>>)
      tpu.yield
    }) : () -> ()
    %barrier3A = arith.constant 0 : index
    tpu.barrier barrier_id(%barrier3A)
    %eq3A = arith.constant 0 : i32
    %eq3A_10 = arith.cmpi eq, %arg0, %eq3A : i32
    %jit3A = arith.constant 96 : i32
    %jit3A_11 = arith.constant 62 : i32
    %select_n3A = arith.select %eq3A_10, %jit3A, %jit3A_11 : i32
    %eq3A_12 = arith.constant 0 : i32
    %eq3A_13 = arith.cmpi eq, %arg0, %eq3A_12 : i32
    %mul3A_14 = arith.constant 96 : i32
    %mul3A_15 = arith.muli %arg1, %mul3A_14 : i32
    %mul3A_16 = arith.constant 62 : i32
    %mul3A_17 = arith.muli %arg1, %mul3A_16 : i32
    %add3A_18 = arith.constant 1536 : i32
    %add3A_19 = arith.addi %add3A_18, %mul3A_17 : i32
    %select_n3A_20 = arith.select %eq3A_13, %mul3A_15, %add3A_19 : i32
    %mul3A_21 = arith.constant 128 : i32
    %mul3A_22 = arith.muli %select_n3A_20, %mul3A_21 : i32
    %while3A = arith.constant 0 : i32
    %while3A_23 = arith.constant 0 : i32
    %while3A_24 = arith.subi %select_n3A, %while3A_23 : i32
    %while3A_25 = arith.addi %while3A_23, %while3A_24 : i32
    %while3A_26 = arith.constant 1 : i32
    %while3A_27 = arith.divsi %while3A_24, %while3A_26 : i32
    %while3A_28 = arith.muli %while3A_27, %while3A_26 : i32
    %while3A_29 = arith.addi %while3A_23, %while3A_28 : i32
    %while3A_30 = arith.constant 1 : i32
    scf.for %while3A_56 = %while3A_23 to %while3A_29 step %while3A_30  : i32 {
      %mul3A_57 = arith.constant 128 : i32
      %mul3A_58 = arith.muli %while3A_56, %mul3A_57 : i32
      %add3A_59 = arith.addi %mul3A_22, %mul3A_58 : i32
      "tpu.region"() ({
        %run_scoped3A = tpu.sem_alloc : memref<!tpu.dma_semaphore, #tpu.memory_space<semaphore_mem>>
        %dma_start3A_64 = tpu.memref_slice %arg3[%add3A_59] : memref<323584xi32, #tpu.memory_space<hbm>> -> memref<128xi32, #tpu.memory_space<hbm>>
        %dma_start3A_65 = tpu.memref_slice %arg3[%add3A_59] : memref<323584xi32, #tpu.memory_space<hbm>> -> memref<128xi32, #tpu.memory_space<hbm>>
        tpu.enqueue_dma source(%dma_start3A_65 : memref<128xi32, #tpu.memory_space<hbm>>) target(%arg8 : memref<128xi32, #tpu.memory_space<vmem>>) target_semaphore(%run_scoped3A : memref<!tpu.dma_semaphore, #tpu.memory_space<semaphore_mem>>)
        %dma_wait3A_66 = tpu.memref_slice %arg3[%add3A_59] : memref<323584xi32, #tpu.memory_space<hbm>> -> memref<128xi32, #tpu.memory_space<hbm>>
        %dma_wait3A_67 = tpu.memref_slice %arg3[%add3A_59] : memref<323584xi32, #tpu.memory_space<hbm>> -> memref<128xi32, #tpu.memory_space<hbm>>
        tpu.wait_dma2 semaphore(%run_scoped3A : memref<!tpu.dma_semaphore, #tpu.memory_space<semaphore_mem>>) src(%dma_wait3A_67 : memref<128xi32, #tpu.memory_space<hbm>>) dst(%arg8 : memref<128xi32, #tpu.memory_space<vmem>>)
        tpu.yield
      }) : () -> ()
      "tpu.region"() ({
        %run_scoped3A = tpu.sem_alloc : memref<!tpu.dma_semaphore, #tpu.memory_space<semaphore_mem>>
        %dma_start3A_64 = tpu.memref_slice %arg4[%add3A_59] : memref<323584xi32, #tpu.memory_space<hbm>> -> memref<128xi32, #tpu.memory_space<hbm>>
        %dma_start3A_65 = tpu.memref_slice %arg4[%add3A_59] : memref<323584xi32, #tpu.memory_space<hbm>> -> memref<128xi32, #tpu.memory_space<hbm>>
        tpu.enqueue_dma source(%dma_start3A_65 : memref<128xi32, #tpu.memory_space<hbm>>) target(%arg9 : memref<128xi32, #tpu.memory_space<vmem>>) target_semaphore(%run_scoped3A : memref<!tpu.dma_semaphore, #tpu.memory_space<semaphore_mem>>)
        %dma_wait3A_66 = tpu.memref_slice %arg4[%add3A_59] : memref<323584xi32, #tpu.memory_space<hbm>> -> memref<128xi32, #tpu.memory_space<hbm>>
        %dma_wait3A_67 = tpu.memref_slice %arg4[%add3A_59] : memref<323584xi32, #tpu.memory_space<hbm>> -> memref<128xi32, #tpu.memory_space<hbm>>
        tpu.wait_dma2 semaphore(%run_scoped3A : memref<!tpu.dma_semaphore, #tpu.memory_space<semaphore_mem>>) src(%dma_wait3A_67 : memref<128xi32, #tpu.memory_space<hbm>>) dst(%arg9 : memref<128xi32, #tpu.memory_space<vmem>>)
        tpu.yield
      }) : () -> ()
      %dma_start3A = arith.constant 0 : i32
      %dma_start3A_60 = arith.constant 0 : i32
      %dma_start3A_61 = tpu.memref_slice %arg2[%dma_start3A, %dma_start3A_60] : memref<10000x128xf32, #tpu.memory_space<hbm>> -> memref<10000x128xf32, #tpu.memory_space<hbm>>
      tpu.enqueue_indirect_dma source(%dma_start3A_61 : memref<10000x128xf32, #tpu.memory_space<hbm>>) target(%arg10 : memref<128x128xf32, #tpu.memory_space<vmem>>) offsets(%arg8 : memref<128xi32, #tpu.memory_space<vmem>>) semaphore(%arg11 : memref<!tpu.dma_semaphore, #tpu.memory_space<semaphore_mem>>)
      %dma_wait3A = arith.constant 0 : i32
      %dma_wait3A_62 = arith.constant 0 : i32
      %dma_wait3A_63 = tpu.memref_slice %arg2[%dma_wait3A, %dma_wait3A_62] : memref<10000x128xf32, #tpu.memory_space<hbm>> -> memref<10000x128xf32, #tpu.memory_space<hbm>>
      tpu.wait_indirect_dma semaphore(%arg11 : memref<!tpu.dma_semaphore, #tpu.memory_space<semaphore_mem>>) src(%dma_wait3A_63 : memref<10000x128xf32, #tpu.memory_space<hbm>>) dst(%arg10 : memref<128x128xf32, #tpu.memory_space<vmem>>)
      "tpu.region"() ({
        %run_scoped3A = tpu.sem_alloc : memref<!tpu.dma_semaphore, #tpu.memory_space<semaphore_mem>>
        %dma_start3A_64 = arith.constant 0 : i32
        %dma_start3A_65 = arith.constant 0 : i32
        %dma_start3A_66 = tpu.memref_slice %arg7[%dma_start3A_64, %dma_start3A_65] : memref<10112x128xf32, #tpu.memory_space<vmem_shared>> -> memref<10112x128xf32, #tpu.memory_space<vmem_shared>>
        tpu.enqueue_indirect_dma source(%arg10 : memref<128x128xf32, #tpu.memory_space<vmem>>) target(%dma_start3A_66 : memref<10112x128xf32, #tpu.memory_space<vmem_shared>>) offsets(%arg9 : memref<128xi32, #tpu.memory_space<vmem>>) semaphore(%run_scoped3A : memref<!tpu.dma_semaphore, #tpu.memory_space<semaphore_mem>>) {add = true}
        %dma_wait3A_67 = arith.constant 0 : i32
        %dma_wait3A_68 = arith.constant 0 : i32
        %dma_wait3A_69 = tpu.memref_slice %arg7[%dma_wait3A_67, %dma_wait3A_68] : memref<10112x128xf32, #tpu.memory_space<vmem_shared>> -> memref<10112x128xf32, #tpu.memory_space<vmem_shared>>
        tpu.wait_indirect_dma semaphore(%run_scoped3A : memref<!tpu.dma_semaphore, #tpu.memory_space<semaphore_mem>>) src(%arg10 : memref<128x128xf32, #tpu.memory_space<vmem>>) dst(%dma_wait3A_69 : memref<10112x128xf32, #tpu.memory_space<vmem_shared>>)
        tpu.yield
      }) : () -> ()
    }
    %while3A_31 = arith.constant 1 : i32
    scf.for %while3A_56 = %while3A_29 to %while3A_25 step %while3A_31  : i32 {
      %mul3A_57 = arith.constant 128 : i32
      %mul3A_58 = arith.muli %while3A_56, %mul3A_57 : i32
      %add3A_59 = arith.addi %mul3A_22, %mul3A_58 : i32
      "tpu.region"() ({
        %run_scoped3A = tpu.sem_alloc : memref<!tpu.dma_semaphore, #tpu.memory_space<semaphore_mem>>
        %dma_start3A_64 = tpu.memref_slice %arg3[%add3A_59] : memref<323584xi32, #tpu.memory_space<hbm>> -> memref<128xi32, #tpu.memory_space<hbm>>
        %dma_start3A_65 = tpu.memref_slice %arg3[%add3A_59] : memref<323584xi32, #tpu.memory_space<hbm>> -> memref<128xi32, #tpu.memory_space<hbm>>
        tpu.enqueue_dma source(%dma_start3A_65 : memref<128xi32, #tpu.memory_space<hbm>>) target(%arg8 : memref<128xi32, #tpu.memory_space<vmem>>) target_semaphore(%run_scoped3A : memref<!tpu.dma_semaphore, #tpu.memory_space<semaphore_mem>>)
        %dma_wait3A_66 = tpu.memref_slice %arg3[%add3A_59] : memref<323584xi32, #tpu.memory_space<hbm>> -> memref<128xi32, #tpu.memory_space<hbm>>
        %dma_wait3A_67 = tpu.memref_slice %arg3[%add3A_59] : memref<323584xi32, #tpu.memory_space<hbm>> -> memref<128xi32, #tpu.memory_space<hbm>>
        tpu.wait_dma2 semaphore(%run_scoped3A : memref<!tpu.dma_semaphore, #tpu.memory_space<semaphore_mem>>) src(%dma_wait3A_67 : memref<128xi32, #tpu.memory_space<hbm>>) dst(%arg8 : memref<128xi32, #tpu.memory_space<vmem>>)
        tpu.yield
      }) : () -> ()
      "tpu.region"() ({
        %run_scoped3A = tpu.sem_alloc : memref<!tpu.dma_semaphore, #tpu.memory_space<semaphore_mem>>
        %dma_start3A_64 = tpu.memref_slice %arg4[%add3A_59] : memref<323584xi32, #tpu.memory_space<hbm>> -> memref<128xi32, #tpu.memory_space<hbm>>
        %dma_start3A_65 = tpu.memref_slice %arg4[%add3A_59] : memref<323584xi32, #tpu.memory_space<hbm>> -> memref<128xi32, #tpu.memory_space<hbm>>
        tpu.enqueue_dma source(%dma_start3A_65 : memref<128xi32, #tpu.memory_space<hbm>>) target(%arg9 : memref<128xi32, #tpu.memory_space<vmem>>) target_semaphore(%run_scoped3A : memref<!tpu.dma_semaphore, #tpu.memory_space<semaphore_mem>>)
        %dma_wait3A_66 = tpu.memref_slice %arg4[%add3A_59] : memref<323584xi32, #tpu.memory_space<hbm>> -> memref<128xi32, #tpu.memory_space<hbm>>
        %dma_wait3A_67 = tpu.memref_slice %arg4[%add3A_59] : memref<323584xi32, #tpu.memory_space<hbm>> -> memref<128xi32, #tpu.memory_space<hbm>>
        tpu.wait_dma2 semaphore(%run_scoped3A : memref<!tpu.dma_semaphore, #tpu.memory_space<semaphore_mem>>) src(%dma_wait3A_67 : memref<128xi32, #tpu.memory_space<hbm>>) dst(%arg9 : memref<128xi32, #tpu.memory_space<vmem>>)
        tpu.yield
      }) : () -> ()
      %dma_start3A = arith.constant 0 : i32
      %dma_start3A_60 = arith.constant 0 : i32
      %dma_start3A_61 = tpu.memref_slice %arg2[%dma_start3A, %dma_start3A_60] : memref<10000x128xf32, #tpu.memory_space<hbm>> -> memref<10000x128xf32, #tpu.memory_space<hbm>>
      tpu.enqueue_indirect_dma source(%dma_start3A_61 : memref<10000x128xf32, #tpu.memory_space<hbm>>) target(%arg10 : memref<128x128xf32, #tpu.memory_space<vmem>>) offsets(%arg8 : memref<128xi32, #tpu.memory_space<vmem>>) semaphore(%arg11 : memref<!tpu.dma_semaphore, #tpu.memory_space<semaphore_mem>>)
      %dma_wait3A = arith.constant 0 : i32
      %dma_wait3A_62 = arith.constant 0 : i32
      %dma_wait3A_63 = tpu.memref_slice %arg2[%dma_wait3A, %dma_wait3A_62] : memref<10000x128xf32, #tpu.memory_space<hbm>> -> memref<10000x128xf32, #tpu.memory_space<hbm>>
      tpu.wait_indirect_dma semaphore(%arg11 : memref<!tpu.dma_semaphore, #tpu.memory_space<semaphore_mem>>) src(%dma_wait3A_63 : memref<10000x128xf32, #tpu.memory_space<hbm>>) dst(%arg10 : memref<128x128xf32, #tpu.memory_space<vmem>>)
      "tpu.region"() ({
        %run_scoped3A = tpu.sem_alloc : memref<!tpu.dma_semaphore, #tpu.memory_space<semaphore_mem>>
        %dma_start3A_64 = arith.constant 0 : i32
        %dma_start3A_65 = arith.constant 0 : i32
        %dma_start3A_66 = tpu.memref_slice %arg7[%dma_start3A_64, %dma_start3A_65] : memref<10112x128xf32, #tpu.memory_space<vmem_shared>> -> memref<10112x128xf32, #tpu.memory_space<vmem_shared>>
        tpu.enqueue_indirect_dma source(%arg10 : memref<128x128xf32, #tpu.memory_space<vmem>>) target(%dma_start3A_66 : memref<10112x128xf32, #tpu.memory_space<vmem_shared>>) offsets(%arg9 : memref<128xi32, #tpu.memory_space<vmem>>) semaphore(%run_scoped3A : memref<!tpu.dma_semaphore, #tpu.memory_space<semaphore_mem>>) {add = true}
        %dma_wait3A_67 = arith.constant 0 : i32
        %dma_wait3A_68 = arith.constant 0 : i32
        %dma_wait3A_69 = tpu.memref_slice %arg7[%dma_wait3A_67, %dma_wait3A_68] : memref<10112x128xf32, #tpu.memory_space<vmem_shared>> -> memref<10112x128xf32, #tpu.memory_space<vmem_shared>>
        tpu.wait_indirect_dma semaphore(%run_scoped3A : memref<!tpu.dma_semaphore, #tpu.memory_space<semaphore_mem>>) src(%arg10 : memref<128x128xf32, #tpu.memory_space<vmem>>) dst(%dma_wait3A_69 : memref<10112x128xf32, #tpu.memory_space<vmem_shared>>)
        tpu.yield
      }) : () -> ()
    }
    %barrier3A_32 = arith.constant 0 : index
    tpu.barrier barrier_id(%barrier3A_32)
    %mul3A_33 = arith.constant 10112 : i32
    %mul3A_34 = arith.muli %arg0, %mul3A_33 : i32
    %add3A_35 = arith.addi %mul3A_34, %mul3A_0 : i32
    %add3A_36 = arith.constant 0 : i32
    %add3A_37 = arith.addi %mul3A_0, %add3A_36 : i32
    "tpu.region"() ({
      %run_scoped3A = tpu.sem_alloc : memref<!tpu.dma_semaphore, #tpu.memory_space<semaphore_mem>>
      %dma_start3A = arith.constant 0 : i32
      %dma_start3A_56 = arith.constant 0 : i32
      %dma_start3A_57 = tpu.memref_slice %arg10[%dma_start3A, %dma_start3A_56] : memref<128x128xf32, #tpu.memory_space<vmem>> -> memref<128x128xf32, #tpu.memory_space<vmem>>
      %dma_start3A_58 = arith.constant 0 : i32
      %dma_start3A_59 = tpu.memref_slice %arg7[%add3A_37, %dma_start3A_58] : memref<10112x128xf32, #tpu.memory_space<vmem_shared>> -> memref<128x128xf32, #tpu.memory_space<vmem_shared>>
      %dma_start3A_60 = arith.constant 0 : i32
      %dma_start3A_61 = arith.constant 0 : i32
      %dma_start3A_62 = tpu.memref_slice %arg10[%dma_start3A_60, %dma_start3A_61] : memref<128x128xf32, #tpu.memory_space<vmem>> -> memref<128x128xf32, #tpu.memory_space<vmem>>
      %dma_start3A_63 = arith.constant 0 : i32
      %dma_start3A_64 = tpu.memref_slice %arg7[%add3A_37, %dma_start3A_63] : memref<10112x128xf32, #tpu.memory_space<vmem_shared>> -> memref<128x128xf32, #tpu.memory_space<vmem_shared>>
      tpu.enqueue_dma source(%dma_start3A_64 : memref<128x128xf32, #tpu.memory_space<vmem_shared>>) target(%dma_start3A_62 : memref<128x128xf32, #tpu.memory_space<vmem>>) target_semaphore(%run_scoped3A : memref<!tpu.dma_semaphore, #tpu.memory_space<semaphore_mem>>)
      %dma_wait3A = arith.constant 0 : i32
      %dma_wait3A_65 = arith.constant 0 : i32
      %dma_wait3A_66 = tpu.memref_slice %arg10[%dma_wait3A, %dma_wait3A_65] : memref<128x128xf32, #tpu.memory_space<vmem>> -> memref<128x128xf32, #tpu.memory_space<vmem>>
      %dma_wait3A_67 = arith.constant 0 : i32
      %dma_wait3A_68 = tpu.memref_slice %arg7[%add3A_37, %dma_wait3A_67] : memref<10112x128xf32, #tpu.memory_space<vmem_shared>> -> memref<128x128xf32, #tpu.memory_space<vmem_shared>>
      %dma_wait3A_69 = arith.constant 0 : i32
      %dma_wait3A_70 = arith.constant 0 : i32
      %dma_wait3A_71 = tpu.memref_slice %arg10[%dma_wait3A_69, %dma_wait3A_70] : memref<128x128xf32, #tpu.memory_space<vmem>> -> memref<128x128xf32, #tpu.memory_space<vmem>>
      %dma_wait3A_72 = arith.constant 0 : i32
      %dma_wait3A_73 = tpu.memref_slice %arg7[%add3A_37, %dma_wait3A_72] : memref<10112x128xf32, #tpu.memory_space<vmem_shared>> -> memref<128x128xf32, #tpu.memory_space<vmem_shared>>
      tpu.wait_dma2 semaphore(%run_scoped3A : memref<!tpu.dma_semaphore, #tpu.memory_space<semaphore_mem>>) src(%dma_wait3A_73 : memref<128x128xf32, #tpu.memory_space<vmem_shared>>) dst(%dma_wait3A_71 : memref<128x128xf32, #tpu.memory_space<vmem>>)
      tpu.yield
    }) : () -> ()
    %add3A_38 = arith.constant 0 : i32
    %add3A_39 = arith.addi %add3A_35, %add3A_38 : i32
    "tpu.region"() ({
      %run_scoped3A = tpu.sem_alloc : memref<!tpu.dma_semaphore, #tpu.memory_space<semaphore_mem>>
      %dma_start3A = arith.constant 0 : i32
      %dma_start3A_56 = arith.constant 0 : i32
      %dma_start3A_57 = tpu.memref_slice %arg10[%dma_start3A, %dma_start3A_56] : memref<128x128xf32, #tpu.memory_space<vmem>> -> memref<128x128xf32, #tpu.memory_space<vmem>>
      %dma_start3A_58 = arith.constant 0 : i32
      %dma_start3A_59 = tpu.memref_slice %arg6[%add3A_39, %dma_start3A_58] : memref<20224x128xf32, #tpu.memory_space<hbm>> -> memref<128x128xf32, #tpu.memory_space<hbm>>
      %dma_start3A_60 = arith.constant 0 : i32
      %dma_start3A_61 = tpu.memref_slice %arg6[%add3A_39, %dma_start3A_60] : memref<20224x128xf32, #tpu.memory_space<hbm>> -> memref<128x128xf32, #tpu.memory_space<hbm>>
      %dma_start3A_62 = arith.constant 0 : i32
      %dma_start3A_63 = arith.constant 0 : i32
      %dma_start3A_64 = tpu.memref_slice %arg10[%dma_start3A_62, %dma_start3A_63] : memref<128x128xf32, #tpu.memory_space<vmem>> -> memref<128x128xf32, #tpu.memory_space<vmem>>
      tpu.enqueue_dma source(%dma_start3A_64 : memref<128x128xf32, #tpu.memory_space<vmem>>) target(%dma_start3A_61 : memref<128x128xf32, #tpu.memory_space<hbm>>) target_semaphore(%run_scoped3A : memref<!tpu.dma_semaphore, #tpu.memory_space<semaphore_mem>>)
      %dma_wait3A = arith.constant 0 : i32
      %dma_wait3A_65 = arith.constant 0 : i32
      %dma_wait3A_66 = tpu.memref_slice %arg10[%dma_wait3A, %dma_wait3A_65] : memref<128x128xf32, #tpu.memory_space<vmem>> -> memref<128x128xf32, #tpu.memory_space<vmem>>
      %dma_wait3A_67 = arith.constant 0 : i32
      %dma_wait3A_68 = tpu.memref_slice %arg6[%add3A_39, %dma_wait3A_67] : memref<20224x128xf32, #tpu.memory_space<hbm>> -> memref<128x128xf32, #tpu.memory_space<hbm>>
      %dma_wait3A_69 = arith.constant 0 : i32
      %dma_wait3A_70 = tpu.memref_slice %arg6[%add3A_39, %dma_wait3A_69] : memref<20224x128xf32, #tpu.memory_space<hbm>> -> memref<128x128xf32, #tpu.memory_space<hbm>>
      %dma_wait3A_71 = arith.constant 0 : i32
      %dma_wait3A_72 = arith.constant 0 : i32
      %dma_wait3A_73 = tpu.memref_slice %arg10[%dma_wait3A_71, %dma_wait3A_72] : memref<128x128xf32, #tpu.memory_space<vmem>> -> memref<128x128xf32, #tpu.memory_space<vmem>>
      tpu.wait_dma2 semaphore(%run_scoped3A : memref<!tpu.dma_semaphore, #tpu.memory_space<semaphore_mem>>) src(%dma_wait3A_73 : memref<128x128xf32, #tpu.memory_space<vmem>>) dst(%dma_wait3A_70 : memref<128x128xf32, #tpu.memory_space<hbm>>)
      tpu.yield
    }) : () -> ()
    %add3A_40 = arith.constant 128 : i32
    %add3A_41 = arith.addi %mul3A_0, %add3A_40 : i32
    "tpu.region"() ({
      %run_scoped3A = tpu.sem_alloc : memref<!tpu.dma_semaphore, #tpu.memory_space<semaphore_mem>>
      %dma_start3A = arith.constant 0 : i32
      %dma_start3A_56 = arith.constant 0 : i32
      %dma_start3A_57 = tpu.memref_slice %arg10[%dma_start3A, %dma_start3A_56] : memref<128x128xf32, #tpu.memory_space<vmem>> -> memref<128x128xf32, #tpu.memory_space<vmem>>
      %dma_start3A_58 = arith.constant 0 : i32
      %dma_start3A_59 = tpu.memref_slice %arg7[%add3A_41, %dma_start3A_58] : memref<10112x128xf32, #tpu.memory_space<vmem_shared>> -> memref<128x128xf32, #tpu.memory_space<vmem_shared>>
      %dma_start3A_60 = arith.constant 0 : i32
      %dma_start3A_61 = arith.constant 0 : i32
      %dma_start3A_62 = tpu.memref_slice %arg10[%dma_start3A_60, %dma_start3A_61] : memref<128x128xf32, #tpu.memory_space<vmem>> -> memref<128x128xf32, #tpu.memory_space<vmem>>
      %dma_start3A_63 = arith.constant 0 : i32
      %dma_start3A_64 = tpu.memref_slice %arg7[%add3A_41, %dma_start3A_63] : memref<10112x128xf32, #tpu.memory_space<vmem_shared>> -> memref<128x128xf32, #tpu.memory_space<vmem_shared>>
      tpu.enqueue_dma source(%dma_start3A_64 : memref<128x128xf32, #tpu.memory_space<vmem_shared>>) target(%dma_start3A_62 : memref<128x128xf32, #tpu.memory_space<vmem>>) target_semaphore(%run_scoped3A : memref<!tpu.dma_semaphore, #tpu.memory_space<semaphore_mem>>)
      %dma_wait3A = arith.constant 0 : i32
      %dma_wait3A_65 = arith.constant 0 : i32
      %dma_wait3A_66 = tpu.memref_slice %arg10[%dma_wait3A, %dma_wait3A_65] : memref<128x128xf32, #tpu.memory_space<vmem>> -> memref<128x128xf32, #tpu.memory_space<vmem>>
      %dma_wait3A_67 = arith.constant 0 : i32
      %dma_wait3A_68 = tpu.memref_slice %arg7[%add3A_41, %dma_wait3A_67] : memref<10112x128xf32, #tpu.memory_space<vmem_shared>> -> memref<128x128xf32, #tpu.memory_space<vmem_shared>>
      %dma_wait3A_69 = arith.constant 0 : i32
      %dma_wait3A_70 = arith.constant 0 : i32
      %dma_wait3A_71 = tpu.memref_slice %arg10[%dma_wait3A_69, %dma_wait3A_70] : memref<128x128xf32, #tpu.memory_space<vmem>> -> memref<128x128xf32, #tpu.memory_space<vmem>>
      %dma_wait3A_72 = arith.constant 0 : i32
      %dma_wait3A_73 = tpu.memref_slice %arg7[%add3A_41, %dma_wait3A_72] : memref<10112x128xf32, #tpu.memory_space<vmem_shared>> -> memref<128x128xf32, #tpu.memory_space<vmem_shared>>
      tpu.wait_dma2 semaphore(%run_scoped3A : memref<!tpu.dma_semaphore, #tpu.memory_space<semaphore_mem>>) src(%dma_wait3A_73 : memref<128x128xf32, #tpu.memory_space<vmem_shared>>) dst(%dma_wait3A_71 : memref<128x128xf32, #tpu.memory_space<vmem>>)
      tpu.yield
    }) : () -> ()
    %add3A_42 = arith.constant 128 : i32
    %add3A_43 = arith.addi %add3A_35, %add3A_42 : i32
    "tpu.region"() ({
      %run_scoped3A = tpu.sem_alloc : memref<!tpu.dma_semaphore, #tpu.memory_space<semaphore_mem>>
      %dma_start3A = arith.constant 0 : i32
      %dma_start3A_56 = arith.constant 0 : i32
      %dma_start3A_57 = tpu.memref_slice %arg10[%dma_start3A, %dma_start3A_56] : memref<128x128xf32, #tpu.memory_space<vmem>> -> memref<128x128xf32, #tpu.memory_space<vmem>>
      %dma_start3A_58 = arith.constant 0 : i32
      %dma_start3A_59 = tpu.memref_slice %arg6[%add3A_43, %dma_start3A_58] : memref<20224x128xf32, #tpu.memory_space<hbm>> -> memref<128x128xf32, #tpu.memory_space<hbm>>
      %dma_start3A_60 = arith.constant 0 : i32
      %dma_start3A_61 = tpu.memref_slice %arg6[%add3A_43, %dma_start3A_60] : memref<20224x128xf32, #tpu.memory_space<hbm>> -> memref<128x128xf32, #tpu.memory_space<hbm>>
      %dma_start3A_62 = arith.constant 0 : i32
      %dma_start3A_63 = arith.constant 0 : i32
      %dma_start3A_64 = tpu.memref_slice %arg10[%dma_start3A_62, %dma_start3A_63] : memref<128x128xf32, #tpu.memory_space<vmem>> -> memref<128x128xf32, #tpu.memory_space<vmem>>
      tpu.enqueue_dma source(%dma_start3A_64 : memref<128x128xf32, #tpu.memory_space<vmem>>) target(%dma_start3A_61 : memref<128x128xf32, #tpu.memory_space<hbm>>) target_semaphore(%run_scoped3A : memref<!tpu.dma_semaphore, #tpu.memory_space<semaphore_mem>>)
      %dma_wait3A = arith.constant 0 : i32
      %dma_wait3A_65 = arith.constant 0 : i32
      %dma_wait3A_66 = tpu.memref_slice %arg10[%dma_wait3A, %dma_wait3A_65] : memref<128x128xf32, #tpu.memory_space<vmem>> -> memref<128x128xf32, #tpu.memory_space<vmem>>
      %dma_wait3A_67 = arith.constant 0 : i32
      %dma_wait3A_68 = tpu.memref_slice %arg6[%add3A_43, %dma_wait3A_67] : memref<20224x128xf32, #tpu.memory_space<hbm>> -> memref<128x128xf32, #tpu.memory_space<hbm>>
      %dma_wait3A_69 = arith.constant 0 : i32
      %dma_wait3A_70 = tpu.memref_slice %arg6[%add3A_43, %dma_wait3A_69] : memref<20224x128xf32, #tpu.memory_space<hbm>> -> memref<128x128xf32, #tpu.memory_space<hbm>>
      %dma_wait3A_71 = arith.constant 0 : i32
      %dma_wait3A_72 = arith.constant 0 : i32
      %dma_wait3A_73 = tpu.memref_slice %arg10[%dma_wait3A_71, %dma_wait3A_72] : memref<128x128xf32, #tpu.memory_space<vmem>> -> memref<128x128xf32, #tpu.memory_space<vmem>>
      tpu.wait_dma2 semaphore(%run_scoped3A : memref<!tpu.dma_semaphore, #tpu.memory_space<semaphore_mem>>) src(%dma_wait3A_73 : memref<128x128xf32, #tpu.memory_space<vmem>>) dst(%dma_wait3A_70 : memref<128x128xf32, #tpu.memory_space<hbm>>)
      tpu.yield
    }) : () -> ()
    %add3A_44 = arith.constant 256 : i32
    %add3A_45 = arith.addi %mul3A_0, %add3A_44 : i32
    "tpu.region"() ({
      %run_scoped3A = tpu.sem_alloc : memref<!tpu.dma_semaphore, #tpu.memory_space<semaphore_mem>>
      %dma_start3A = arith.constant 0 : i32
      %dma_start3A_56 = arith.constant 0 : i32
      %dma_start3A_57 = tpu.memref_slice %arg10[%dma_start3A, %dma_start3A_56] : memref<128x128xf32, #tpu.memory_space<vmem>> -> memref<128x128xf32, #tpu.memory_space<vmem>>
      %dma_start3A_58 = arith.constant 0 : i32
      %dma_start3A_59 = tpu.memref_slice %arg7[%add3A_45, %dma_start3A_58] : memref<10112x128xf32, #tpu.memory_space<vmem_shared>> -> memref<128x128xf32, #tpu.memory_space<vmem_shared>>
      %dma_start3A_60 = arith.constant 0 : i32
      %dma_start3A_61 = arith.constant 0 : i32
      %dma_start3A_62 = tpu.memref_slice %arg10[%dma_start3A_60, %dma_start3A_61] : memref<128x128xf32, #tpu.memory_space<vmem>> -> memref<128x128xf32, #tpu.memory_space<vmem>>
      %dma_start3A_63 = arith.constant 0 : i32
      %dma_start3A_64 = tpu.memref_slice %arg7[%add3A_45, %dma_start3A_63] : memref<10112x128xf32, #tpu.memory_space<vmem_shared>> -> memref<128x128xf32, #tpu.memory_space<vmem_shared>>
      tpu.enqueue_dma source(%dma_start3A_64 : memref<128x128xf32, #tpu.memory_space<vmem_shared>>) target(%dma_start3A_62 : memref<128x128xf32, #tpu.memory_space<vmem>>) target_semaphore(%run_scoped3A : memref<!tpu.dma_semaphore, #tpu.memory_space<semaphore_mem>>)
      %dma_wait3A = arith.constant 0 : i32
      %dma_wait3A_65 = arith.constant 0 : i32
      %dma_wait3A_66 = tpu.memref_slice %arg10[%dma_wait3A, %dma_wait3A_65] : memref<128x128xf32, #tpu.memory_space<vmem>> -> memref<128x128xf32, #tpu.memory_space<vmem>>
      %dma_wait3A_67 = arith.constant 0 : i32
      %dma_wait3A_68 = tpu.memref_slice %arg7[%add3A_45, %dma_wait3A_67] : memref<10112x128xf32, #tpu.memory_space<vmem_shared>> -> memref<128x128xf32, #tpu.memory_space<vmem_shared>>
      %dma_wait3A_69 = arith.constant 0 : i32
      %dma_wait3A_70 = arith.constant 0 : i32
      %dma_wait3A_71 = tpu.memref_slice %arg10[%dma_wait3A_69, %dma_wait3A_70] : memref<128x128xf32, #tpu.memory_space<vmem>> -> memref<128x128xf32, #tpu.memory_space<vmem>>
      %dma_wait3A_72 = arith.constant 0 : i32
      %dma_wait3A_73 = tpu.memref_slice %arg7[%add3A_45, %dma_wait3A_72] : memref<10112x128xf32, #tpu.memory_space<vmem_shared>> -> memref<128x128xf32, #tpu.memory_space<vmem_shared>>
      tpu.wait_dma2 semaphore(%run_scoped3A : memref<!tpu.dma_semaphore, #tpu.memory_space<semaphore_mem>>) src(%dma_wait3A_73 : memref<128x128xf32, #tpu.memory_space<vmem_shared>>) dst(%dma_wait3A_71 : memref<128x128xf32, #tpu.memory_space<vmem>>)
      tpu.yield
    }) : () -> ()
    %add3A_46 = arith.constant 256 : i32
    %add3A_47 = arith.addi %add3A_35, %add3A_46 : i32
    "tpu.region"() ({
      %run_scoped3A = tpu.sem_alloc : memref<!tpu.dma_semaphore, #tpu.memory_space<semaphore_mem>>
      %dma_start3A = arith.constant 0 : i32
      %dma_start3A_56 = arith.constant 0 : i32
      %dma_start3A_57 = tpu.memref_slice %arg10[%dma_start3A, %dma_start3A_56] : memref<128x128xf32, #tpu.memory_space<vmem>> -> memref<128x128xf32, #tpu.memory_space<vmem>>
      %dma_start3A_58 = arith.constant 0 : i32
      %dma_start3A_59 = tpu.memref_slice %arg6[%add3A_47, %dma_start3A_58] : memref<20224x128xf32, #tpu.memory_space<hbm>> -> memref<128x128xf32, #tpu.memory_space<hbm>>
      %dma_start3A_60 = arith.constant 0 : i32
      %dma_start3A_61 = tpu.memref_slice %arg6[%add3A_47, %dma_start3A_60] : memref<20224x128xf32, #tpu.memory_space<hbm>> -> memref<128x128xf32, #tpu.memory_space<hbm>>
      %dma_start3A_62 = arith.constant 0 : i32
      %dma_start3A_63 = arith.constant 0 : i32
      %dma_start3A_64 = tpu.memref_slice %arg10[%dma_start3A_62, %dma_start3A_63] : memref<128x128xf32, #tpu.memory_space<vmem>> -> memref<128x128xf32, #tpu.memory_space<vmem>>
      tpu.enqueue_dma source(%dma_start3A_64 : memref<128x128xf32, #tpu.memory_space<vmem>>) target(%dma_start3A_61 : memref<128x128xf32, #tpu.memory_space<hbm>>) target_semaphore(%run_scoped3A : memref<!tpu.dma_semaphore, #tpu.memory_space<semaphore_mem>>)
      %dma_wait3A = arith.constant 0 : i32
      %dma_wait3A_65 = arith.constant 0 : i32
      %dma_wait3A_66 = tpu.memref_slice %arg10[%dma_wait3A, %dma_wait3A_65] : memref<128x128xf32, #tpu.memory_space<vmem>> -> memref<128x128xf32, #tpu.memory_space<vmem>>
      %dma_wait3A_67 = arith.constant 0 : i32
      %dma_wait3A_68 = tpu.memref_slice %arg6[%add3A_47, %dma_wait3A_67] : memref<20224x128xf32, #tpu.memory_space<hbm>> -> memref<128x128xf32, #tpu.memory_space<hbm>>
      %dma_wait3A_69 = arith.constant 0 : i32
      %dma_wait3A_70 = tpu.memref_slice %arg6[%add3A_47, %dma_wait3A_69] : memref<20224x128xf32, #tpu.memory_space<hbm>> -> memref<128x128xf32, #tpu.memory_space<hbm>>
      %dma_wait3A_71 = arith.constant 0 : i32
      %dma_wait3A_72 = arith.constant 0 : i32
      %dma_wait3A_73 = tpu.memref_slice %arg10[%dma_wait3A_71, %dma_wait3A_72] : memref<128x128xf32, #tpu.memory_space<vmem>> -> memref<128x128xf32, #tpu.memory_space<vmem>>
      tpu.wait_dma2 semaphore(%run_scoped3A : memref<!tpu.dma_semaphore, #tpu.memory_space<semaphore_mem>>) src(%dma_wait3A_73 : memref<128x128xf32, #tpu.memory_space<vmem>>) dst(%dma_wait3A_70 : memref<128x128xf32, #tpu.memory_space<hbm>>)
      tpu.yield
    }) : () -> ()
    %add3A_48 = arith.constant 384 : i32
    %add3A_49 = arith.addi %mul3A_0, %add3A_48 : i32
    "tpu.region"() ({
      %run_scoped3A = tpu.sem_alloc : memref<!tpu.dma_semaphore, #tpu.memory_space<semaphore_mem>>
      %dma_start3A = arith.constant 0 : i32
      %dma_start3A_56 = arith.constant 0 : i32
      %dma_start3A_57 = tpu.memref_slice %arg10[%dma_start3A, %dma_start3A_56] : memref<128x128xf32, #tpu.memory_space<vmem>> -> memref<128x128xf32, #tpu.memory_space<vmem>>
      %dma_start3A_58 = arith.constant 0 : i32
      %dma_start3A_59 = tpu.memref_slice %arg7[%add3A_49, %dma_start3A_58] : memref<10112x128xf32, #tpu.memory_space<vmem_shared>> -> memref<128x128xf32, #tpu.memory_space<vmem_shared>>
      %dma_start3A_60 = arith.constant 0 : i32
      %dma_start3A_61 = arith.constant 0 : i32
      %dma_start3A_62 = tpu.memref_slice %arg10[%dma_start3A_60, %dma_start3A_61] : memref<128x128xf32, #tpu.memory_space<vmem>> -> memref<128x128xf32, #tpu.memory_space<vmem>>
      %dma_start3A_63 = arith.constant 0 : i32
      %dma_start3A_64 = tpu.memref_slice %arg7[%add3A_49, %dma_start3A_63] : memref<10112x128xf32, #tpu.memory_space<vmem_shared>> -> memref<128x128xf32, #tpu.memory_space<vmem_shared>>
      tpu.enqueue_dma source(%dma_start3A_64 : memref<128x128xf32, #tpu.memory_space<vmem_shared>>) target(%dma_start3A_62 : memref<128x128xf32, #tpu.memory_space<vmem>>) target_semaphore(%run_scoped3A : memref<!tpu.dma_semaphore, #tpu.memory_space<semaphore_mem>>)
      %dma_wait3A = arith.constant 0 : i32
      %dma_wait3A_65 = arith.constant 0 : i32
      %dma_wait3A_66 = tpu.memref_slice %arg10[%dma_wait3A, %dma_wait3A_65] : memref<128x128xf32, #tpu.memory_space<vmem>> -> memref<128x128xf32, #tpu.memory_space<vmem>>
      %dma_wait3A_67 = arith.constant 0 : i32
      %dma_wait3A_68 = tpu.memref_slice %arg7[%add3A_49, %dma_wait3A_67] : memref<10112x128xf32, #tpu.memory_space<vmem_shared>> -> memref<128x128xf32, #tpu.memory_space<vmem_shared>>
      %dma_wait3A_69 = arith.constant 0 : i32
      %dma_wait3A_70 = arith.constant 0 : i32
      %dma_wait3A_71 = tpu.memref_slice %arg10[%dma_wait3A_69, %dma_wait3A_70] : memref<128x128xf32, #tpu.memory_space<vmem>> -> memref<128x128xf32, #tpu.memory_space<vmem>>
      %dma_wait3A_72 = arith.constant 0 : i32
      %dma_wait3A_73 = tpu.memref_slice %arg7[%add3A_49, %dma_wait3A_72] : memref<10112x128xf32, #tpu.memory_space<vmem_shared>> -> memref<128x128xf32, #tpu.memory_space<vmem_shared>>
      tpu.wait_dma2 semaphore(%run_scoped3A : memref<!tpu.dma_semaphore, #tpu.memory_space<semaphore_mem>>) src(%dma_wait3A_73 : memref<128x128xf32, #tpu.memory_space<vmem_shared>>) dst(%dma_wait3A_71 : memref<128x128xf32, #tpu.memory_space<vmem>>)
      tpu.yield
    }) : () -> ()
    %add3A_50 = arith.constant 384 : i32
    %add3A_51 = arith.addi %add3A_35, %add3A_50 : i32
    "tpu.region"() ({
      %run_scoped3A = tpu.sem_alloc : memref<!tpu.dma_semaphore, #tpu.memory_space<semaphore_mem>>
      %dma_start3A = arith.constant 0 : i32
      %dma_start3A_56 = arith.constant 0 : i32
      %dma_start3A_57 = tpu.memref_slice %arg10[%dma_start3A, %dma_start3A_56] : memref<128x128xf32, #tpu.memory_space<vmem>> -> memref<128x128xf32, #tpu.memory_space<vmem>>
      %dma_start3A_58 = arith.constant 0 : i32
      %dma_start3A_59 = tpu.memref_slice %arg6[%add3A_51, %dma_start3A_58] : memref<20224x128xf32, #tpu.memory_space<hbm>> -> memref<128x128xf32, #tpu.memory_space<hbm>>
      %dma_start3A_60 = arith.constant 0 : i32
      %dma_start3A_61 = tpu.memref_slice %arg6[%add3A_51, %dma_start3A_60] : memref<20224x128xf32, #tpu.memory_space<hbm>> -> memref<128x128xf32, #tpu.memory_space<hbm>>
      %dma_start3A_62 = arith.constant 0 : i32
      %dma_start3A_63 = arith.constant 0 : i32
      %dma_start3A_64 = tpu.memref_slice %arg10[%dma_start3A_62, %dma_start3A_63] : memref<128x128xf32, #tpu.memory_space<vmem>> -> memref<128x128xf32, #tpu.memory_space<vmem>>
      tpu.enqueue_dma source(%dma_start3A_64 : memref<128x128xf32, #tpu.memory_space<vmem>>) target(%dma_start3A_61 : memref<128x128xf32, #tpu.memory_space<hbm>>) target_semaphore(%run_scoped3A : memref<!tpu.dma_semaphore, #tpu.memory_space<semaphore_mem>>)
      %dma_wait3A = arith.constant 0 : i32
      %dma_wait3A_65 = arith.constant 0 : i32
      %dma_wait3A_66 = tpu.memref_slice %arg10[%dma_wait3A, %dma_wait3A_65] : memref<128x128xf32, #tpu.memory_space<vmem>> -> memref<128x128xf32, #tpu.memory_space<vmem>>
      %dma_wait3A_67 = arith.constant 0 : i32
      %dma_wait3A_68 = tpu.memref_slice %arg6[%add3A_51, %dma_wait3A_67] : memref<20224x128xf32, #tpu.memory_space<hbm>> -> memref<128x128xf32, #tpu.memory_space<hbm>>
      %dma_wait3A_69 = arith.constant 0 : i32
      %dma_wait3A_70 = tpu.memref_slice %arg6[%add3A_51, %dma_wait3A_69] : memref<20224x128xf32, #tpu.memory_space<hbm>> -> memref<128x128xf32, #tpu.memory_space<hbm>>
      %dma_wait3A_71 = arith.constant 0 : i32
      %dma_wait3A_72 = arith.constant 0 : i32
      %dma_wait3A_73 = tpu.memref_slice %arg10[%dma_wait3A_71, %dma_wait3A_72] : memref<128x128xf32, #tpu.memory_space<vmem>> -> memref<128x128xf32, #tpu.memory_space<vmem>>
      tpu.wait_dma2 semaphore(%run_scoped3A : memref<!tpu.dma_semaphore, #tpu.memory_space<semaphore_mem>>) src(%dma_wait3A_73 : memref<128x128xf32, #tpu.memory_space<vmem>>) dst(%dma_wait3A_70 : memref<128x128xf32, #tpu.memory_space<hbm>>)
      tpu.yield
    }) : () -> ()
    %add3A_52 = arith.constant 512 : i32
    %add3A_53 = arith.addi %mul3A_0, %add3A_52 : i32
    "tpu.region"() ({
      %run_scoped3A = tpu.sem_alloc : memref<!tpu.dma_semaphore, #tpu.memory_space<semaphore_mem>>
      %dma_start3A = arith.constant 0 : i32
      %dma_start3A_56 = arith.constant 0 : i32
      %dma_start3A_57 = tpu.memref_slice %arg10[%dma_start3A, %dma_start3A_56] : memref<128x128xf32, #tpu.memory_space<vmem>> -> memref<120x128xf32, #tpu.memory_space<vmem>>
      %dma_start3A_58 = arith.constant 0 : i32
      %dma_start3A_59 = tpu.memref_slice %arg7[%add3A_53, %dma_start3A_58] : memref<10112x128xf32, #tpu.memory_space<vmem_shared>> -> memref<120x128xf32, #tpu.memory_space<vmem_shared>>
      %dma_start3A_60 = arith.constant 0 : i32
      %dma_start3A_61 = arith.constant 0 : i32
      %dma_start3A_62 = tpu.memref_slice %arg10[%dma_start3A_60, %dma_start3A_61] : memref<128x128xf32, #tpu.memory_space<vmem>> -> memref<120x128xf32, #tpu.memory_space<vmem>>
      %dma_start3A_63 = arith.constant 0 : i32
      %dma_start3A_64 = tpu.memref_slice %arg7[%add3A_53, %dma_start3A_63] : memref<10112x128xf32, #tpu.memory_space<vmem_shared>> -> memref<120x128xf32, #tpu.memory_space<vmem_shared>>
      tpu.enqueue_dma source(%dma_start3A_64 : memref<120x128xf32, #tpu.memory_space<vmem_shared>>) target(%dma_start3A_62 : memref<120x128xf32, #tpu.memory_space<vmem>>) target_semaphore(%run_scoped3A : memref<!tpu.dma_semaphore, #tpu.memory_space<semaphore_mem>>)
      %dma_wait3A = arith.constant 0 : i32
      %dma_wait3A_65 = arith.constant 0 : i32
      %dma_wait3A_66 = tpu.memref_slice %arg10[%dma_wait3A, %dma_wait3A_65] : memref<128x128xf32, #tpu.memory_space<vmem>> -> memref<120x128xf32, #tpu.memory_space<vmem>>
      %dma_wait3A_67 = arith.constant 0 : i32
      %dma_wait3A_68 = tpu.memref_slice %arg7[%add3A_53, %dma_wait3A_67] : memref<10112x128xf32, #tpu.memory_space<vmem_shared>> -> memref<120x128xf32, #tpu.memory_space<vmem_shared>>
      %dma_wait3A_69 = arith.constant 0 : i32
      %dma_wait3A_70 = arith.constant 0 : i32
      %dma_wait3A_71 = tpu.memref_slice %arg10[%dma_wait3A_69, %dma_wait3A_70] : memref<128x128xf32, #tpu.memory_space<vmem>> -> memref<120x128xf32, #tpu.memory_space<vmem>>
      %dma_wait3A_72 = arith.constant 0 : i32
      %dma_wait3A_73 = tpu.memref_slice %arg7[%add3A_53, %dma_wait3A_72] : memref<10112x128xf32, #tpu.memory_space<vmem_shared>> -> memref<120x128xf32, #tpu.memory_space<vmem_shared>>
      tpu.wait_dma2 semaphore(%run_scoped3A : memref<!tpu.dma_semaphore, #tpu.memory_space<semaphore_mem>>) src(%dma_wait3A_73 : memref<120x128xf32, #tpu.memory_space<vmem_shared>>) dst(%dma_wait3A_71 : memref<120x128xf32, #tpu.memory_space<vmem>>)
      tpu.yield
    }) : () -> ()
    %add3A_54 = arith.constant 512 : i32
    %add3A_55 = arith.addi %add3A_35, %add3A_54 : i32
    "tpu.region"() ({
      %run_scoped3A = tpu.sem_alloc : memref<!tpu.dma_semaphore, #tpu.memory_space<semaphore_mem>>
      %dma_start3A = arith.constant 0 : i32
      %dma_start3A_56 = arith.constant 0 : i32
      %dma_start3A_57 = tpu.memref_slice %arg10[%dma_start3A, %dma_start3A_56] : memref<128x128xf32, #tpu.memory_space<vmem>> -> memref<120x128xf32, #tpu.memory_space<vmem>>
      %dma_start3A_58 = arith.constant 0 : i32
      %dma_start3A_59 = tpu.memref_slice %arg6[%add3A_55, %dma_start3A_58] : memref<20224x128xf32, #tpu.memory_space<hbm>> -> memref<120x128xf32, #tpu.memory_space<hbm>>
      %dma_start3A_60 = arith.constant 0 : i32
      %dma_start3A_61 = tpu.memref_slice %arg6[%add3A_55, %dma_start3A_60] : memref<20224x128xf32, #tpu.memory_space<hbm>> -> memref<120x128xf32, #tpu.memory_space<hbm>>
      %dma_start3A_62 = arith.constant 0 : i32
      %dma_start3A_63 = arith.constant 0 : i32
      %dma_start3A_64 = tpu.memref_slice %arg10[%dma_start3A_62, %dma_start3A_63] : memref<128x128xf32, #tpu.memory_space<vmem>> -> memref<120x128xf32, #tpu.memory_space<vmem>>
      tpu.enqueue_dma source(%dma_start3A_64 : memref<120x128xf32, #tpu.memory_space<vmem>>) target(%dma_start3A_61 : memref<120x128xf32, #tpu.memory_space<hbm>>) target_semaphore(%run_scoped3A : memref<!tpu.dma_semaphore, #tpu.memory_space<semaphore_mem>>)
      %dma_wait3A = arith.constant 0 : i32
      %dma_wait3A_65 = arith.constant 0 : i32
      %dma_wait3A_66 = tpu.memref_slice %arg10[%dma_wait3A, %dma_wait3A_65] : memref<128x128xf32, #tpu.memory_space<vmem>> -> memref<120x128xf32, #tpu.memory_space<vmem>>
      %dma_wait3A_67 = arith.constant 0 : i32
      %dma_wait3A_68 = tpu.memref_slice %arg6[%add3A_55, %dma_wait3A_67] : memref<20224x128xf32, #tpu.memory_space<hbm>> -> memref<120x128xf32, #tpu.memory_space<hbm>>
      %dma_wait3A_69 = arith.constant 0 : i32
      %dma_wait3A_70 = tpu.memref_slice %arg6[%add3A_55, %dma_wait3A_69] : memref<20224x128xf32, #tpu.memory_space<hbm>> -> memref<120x128xf32, #tpu.memory_space<hbm>>
      %dma_wait3A_71 = arith.constant 0 : i32
      %dma_wait3A_72 = arith.constant 0 : i32
      %dma_wait3A_73 = tpu.memref_slice %arg10[%dma_wait3A_71, %dma_wait3A_72] : memref<128x128xf32, #tpu.memory_space<vmem>> -> memref<120x128xf32, #tpu.memory_space<vmem>>
      tpu.wait_dma2 semaphore(%run_scoped3A : memref<!tpu.dma_semaphore, #tpu.memory_space<semaphore_mem>>) src(%dma_wait3A_73 : memref<120x128xf32, #tpu.memory_space<vmem>>) dst(%dma_wait3A_70 : memref<120x128xf32, #tpu.memory_space<hbm>>)
      tpu.yield
    }) : () -> ()
    return
  }
}

#map = affine_map<(d0, d1) -> (0, 0)>
#map1 = affine_map<(d0, d1) -> (0)>
module attributes {stable_mosaic.version = 14 : i64} {
  func.func @body(%arg0: i32, %arg1: i32, %arg2: memref<10000x128xf32, #tpu.memory_space<hbm>>, %arg3: memref<323584xi32, #tpu.memory_space<hbm>>, %arg4: memref<323584xi32, #tpu.memory_space<hbm>>, %arg5: memref<10112x128xf32, #tpu.memory_space<hbm>>, %arg6: memref<20224x128xf32, #tpu.memory_space<hbm>>, %arg7: memref<10112x128xf32, #tpu.memory_space<vmem_shared>>, %arg8: memref<128xi32, #tpu.memory_space<vmem>>, %arg9: memref<128xi32, #tpu.memory_space<vmem>>, %arg10: memref<128x128xf32, #tpu.memory_space<vmem>>, %arg11: memref<!tpu.dma_semaphore, #tpu.memory_space<semaphore_mem>>) attributes {dimension_semantics = [#tpu.dimension_semantics<core_parallel>, #tpu.dimension_semantics<subcore_parallel>], iteration_bounds = array<i64: 2, 16>, scalar_prefetch = 0 : i64, scratch_operands = 5 : i64, tpu.core_type = #tpu.core_type<sc_vector_subcore>, window_params = [{transform_indices = #map}, {transform_indices = #map1}, {transform_indices = #map1}, {transform_indices = #map}, {transform_indices = #map}]} {
    %mul3A = arith.constant 632 : i32
    %mul3A_0 = arith.muli %arg1, %mul3A : i32
    "tpu.region"() ({
      %run_scoped3A = tpu.sem_alloc : memref<!tpu.dma_semaphore, #tpu.memory_space<semaphore_mem>>
      %dma_start3A = arith.constant 0 : i32
      %dma_start3A_56 = arith.constant 0 : i32
      %dma_start3A_57 = tpu.memref_slice %arg5[%dma_start3A, %dma_start3A_56] : memref<10112x128xf32, #tpu.memory_space<hbm>> -> memref<128x128xf32, #tpu.memory_space<hbm>>
      %dma_start3A_58 = arith.constant 0 : i32
      %dma_start3A_59 = arith.constant 0 : i32
      %dma_start3A_60 = tpu.memref_slice %arg5[%dma_start3A_58, %dma_start3A_59] : memref<10112x128xf32, #tpu.memory_space<hbm>> -> memref<128x128xf32, #tpu.memory_space<hbm>>
      tpu.enqueue_dma source(%dma_start3A_60 : memref<128x128xf32, #tpu.memory_space<hbm>>) target(%arg10 : memref<128x128xf32, #tpu.memory_space<vmem>>) target_semaphore(%run_scoped3A : memref<!tpu.dma_semaphore, #tpu.memory_space<semaphore_mem>>)
      %dma_wait3A = arith.constant 0 : i32
      %dma_wait3A_61 = arith.constant 0 : i32
      %dma_wait3A_62 = tpu.memref_slice %arg5[%dma_wait3A, %dma_wait3A_61] : memref<10112x128xf32, #tpu.memory_space<hbm>> -> memref<128x128xf32, #tpu.memory_space<hbm>>
      %dma_wait3A_63 = arith.constant 0 : i32
      %dma_wait3A_64 = arith.constant 0 : i32
      %dma_wait3A_65 = tpu.memref_slice %arg5[%dma_wait3A_63, %dma_wait3A_64] : memref<10112x128xf32, #tpu.memory_space<hbm>> -> memref<128x128xf32, #tpu.memory_space<hbm>>
      tpu.wait_dma2 semaphore(%run_scoped3A : memref<!tpu.dma_semaphore, #tpu.memory_space<semaphore_mem>>) src(%dma_wait3A_65 : memref<128x128xf32, #tpu.memory_space<hbm>>) dst(%arg10 : memref<128x128xf32, #tpu.memory_space<vmem>>)
      tpu.yield
    }) : () -> ()
    %add3A = arith.constant 0 : i32
    %add3A_1 = arith.addi %mul3A_0, %add3A : i32
    "tpu.region"() ({
      %run_scoped3A = tpu.sem_alloc : memref<!tpu.dma_semaphore, #tpu.memory_space<semaphore_mem>>
      %dma_start3A = arith.constant 0 : i32
      %dma_start3A_56 = arith.constant 0 : i32
      %dma_start3A_57 = tpu.memref_slice %arg10[%dma_start3A, %dma_start3A_56] : memref<128x128xf32, #tpu.memory_space<vmem>> -> memref<128x128xf32, #tpu.memory_space<vmem>>
      %dma_start3A_58 = arith.constant 0 : i32
      %dma_start3A_59 = tpu.memref_slice %arg7[%add3A_1, %dma_start3A_58] : memref<10112x128xf32, #tpu.memory_space<vmem_shared>> -> memref<128x128xf32, #tpu.memory_space<vmem_shared>>
      %dma_start3A_60 = arith.constant 0 : i32
      %dma_start3A_61 = tpu.memref_slice %arg7[%add3A_1, %dma_start3A_60] : memref<10112x128xf32, #tpu.memory_space<vmem_shared>> -> memref<128x128xf32, #tpu.memory_space<vmem_shared>>
      %dma_start3A_62 = arith.constant 0 : i32
      %dma_start3A_63 = arith.constant 0 : i32
      %dma_start3A_64 = tpu.memref_slice %arg10[%dma_start3A_62, %dma_start3A_63] : memref<128x128xf32, #tpu.memory_space<vmem>> -> memref<128x128xf32, #tpu.memory_space<vmem>>
      tpu.enqueue_dma source(%dma_start3A_64 : memref<128x128xf32, #tpu.memory_space<vmem>>) target(%dma_start3A_61 : memref<128x128xf32, #tpu.memory_space<vmem_shared>>) target_semaphore(%run_scoped3A : memref<!tpu.dma_semaphore, #tpu.memory_space<semaphore_mem>>)
      %dma_wait3A = arith.constant 0 : i32
      %dma_wait3A_65 = arith.constant 0 : i32
      %dma_wait3A_66 = tpu.memref_slice %arg10[%dma_wait3A, %dma_wait3A_65] : memref<128x128xf32, #tpu.memory_space<vmem>> -> memref<128x128xf32, #tpu.memory_space<vmem>>
      %dma_wait3A_67 = arith.constant 0 : i32
      %dma_wait3A_68 = tpu.memref_slice %arg7[%add3A_1, %dma_wait3A_67] : memref<10112x128xf32, #tpu.memory_space<vmem_shared>> -> memref<128x128xf32, #tpu.memory_space<vmem_shared>>
      %dma_wait3A_69 = arith.constant 0 : i32
      %dma_wait3A_70 = tpu.memref_slice %arg7[%add3A_1, %dma_wait3A_69] : memref<10112x128xf32, #tpu.memory_space<vmem_shared>> -> memref<128x128xf32, #tpu.memory_space<vmem_shared>>
      %dma_wait3A_71 = arith.constant 0 : i32
      %dma_wait3A_72 = arith.constant 0 : i32
      %dma_wait3A_73 = tpu.memref_slice %arg10[%dma_wait3A_71, %dma_wait3A_72] : memref<128x128xf32, #tpu.memory_space<vmem>> -> memref<128x128xf32, #tpu.memory_space<vmem>>
      tpu.wait_dma2 semaphore(%run_scoped3A : memref<!tpu.dma_semaphore, #tpu.memory_space<semaphore_mem>>) src(%dma_wait3A_73 : memref<128x128xf32, #tpu.memory_space<vmem>>) dst(%dma_wait3A_70 : memref<128x128xf32, #tpu.memory_space<vmem_shared>>)
      tpu.yield
    }) : () -> ()
    %add3A_2 = arith.constant 128 : i32
    %add3A_3 = arith.addi %mul3A_0, %add3A_2 : i32
    "tpu.region"() ({
      %run_scoped3A = tpu.sem_alloc : memref<!tpu.dma_semaphore, #tpu.memory_space<semaphore_mem>>
      %dma_start3A = arith.constant 0 : i32
      %dma_start3A_56 = arith.constant 0 : i32
      %dma_start3A_57 = tpu.memref_slice %arg10[%dma_start3A, %dma_start3A_56] : memref<128x128xf32, #tpu.memory_space<vmem>> -> memref<128x128xf32, #tpu.memory_space<vmem>>
      %dma_start3A_58 = arith.constant 0 : i32
      %dma_start3A_59 = tpu.memref_slice %arg7[%add3A_3, %dma_start3A_58] : memref<10112x128xf32, #tpu.memory_space<vmem_shared>> -> memref<128x128xf32, #tpu.memory_space<vmem_shared>>
      %dma_start3A_60 = arith.constant 0 : i32
      %dma_start3A_61 = tpu.memref_slice %arg7[%add3A_3, %dma_start3A_60] : memref<10112x128xf32, #tpu.memory_space<vmem_shared>> -> memref<128x128xf32, #tpu.memory_space<vmem_shared>>
      %dma_start3A_62 = arith.constant 0 : i32
      %dma_start3A_63 = arith.constant 0 : i32
      %dma_start3A_64 = tpu.memref_slice %arg10[%dma_start3A_62, %dma_start3A_63] : memref<128x128xf32, #tpu.memory_space<vmem>> -> memref<128x128xf32, #tpu.memory_space<vmem>>
      tpu.enqueue_dma source(%dma_start3A_64 : memref<128x128xf32, #tpu.memory_space<vmem>>) target(%dma_start3A_61 : memref<128x128xf32, #tpu.memory_space<vmem_shared>>) target_semaphore(%run_scoped3A : memref<!tpu.dma_semaphore, #tpu.memory_space<semaphore_mem>>)
      %dma_wait3A = arith.constant 0 : i32
      %dma_wait3A_65 = arith.constant 0 : i32
      %dma_wait3A_66 = tpu.memref_slice %arg10[%dma_wait3A, %dma_wait3A_65] : memref<128x128xf32, #tpu.memory_space<vmem>> -> memref<128x128xf32, #tpu.memory_space<vmem>>
      %dma_wait3A_67 = arith.constant 0 : i32
      %dma_wait3A_68 = tpu.memref_slice %arg7[%add3A_3, %dma_wait3A_67] : memref<10112x128xf32, #tpu.memory_space<vmem_shared>> -> memref<128x128xf32, #tpu.memory_space<vmem_shared>>
      %dma_wait3A_69 = arith.constant 0 : i32
      %dma_wait3A_70 = tpu.memref_slice %arg7[%add3A_3, %dma_wait3A_69] : memref<10112x128xf32, #tpu.memory_space<vmem_shared>> -> memref<128x128xf32, #tpu.memory_space<vmem_shared>>
      %dma_wait3A_71 = arith.constant 0 : i32
      %dma_wait3A_72 = arith.constant 0 : i32
      %dma_wait3A_73 = tpu.memref_slice %arg10[%dma_wait3A_71, %dma_wait3A_72] : memref<128x128xf32, #tpu.memory_space<vmem>> -> memref<128x128xf32, #tpu.memory_space<vmem>>
      tpu.wait_dma2 semaphore(%run_scoped3A : memref<!tpu.dma_semaphore, #tpu.memory_space<semaphore_mem>>) src(%dma_wait3A_73 : memref<128x128xf32, #tpu.memory_space<vmem>>) dst(%dma_wait3A_70 : memref<128x128xf32, #tpu.memory_space<vmem_shared>>)
      tpu.yield
    }) : () -> ()
    %add3A_4 = arith.constant 256 : i32
    %add3A_5 = arith.addi %mul3A_0, %add3A_4 : i32
    "tpu.region"() ({
      %run_scoped3A = tpu.sem_alloc : memref<!tpu.dma_semaphore, #tpu.memory_space<semaphore_mem>>
      %dma_start3A = arith.constant 0 : i32
      %dma_start3A_56 = arith.constant 0 : i32
      %dma_start3A_57 = tpu.memref_slice %arg10[%dma_start3A, %dma_start3A_56] : memref<128x128xf32, #tpu.memory_space<vmem>> -> memref<128x128xf32, #tpu.memory_space<vmem>>
      %dma_start3A_58 = arith.constant 0 : i32
      %dma_start3A_59 = tpu.memref_slice %arg7[%add3A_5, %dma_start3A_58] : memref<10112x128xf32, #tpu.memory_space<vmem_shared>> -> memref<128x128xf32, #tpu.memory_space<vmem_shared>>
      %dma_start3A_60 = arith.constant 0 : i32
      %dma_start3A_61 = tpu.memref_slice %arg7[%add3A_5, %dma_start3A_60] : memref<10112x128xf32, #tpu.memory_space<vmem_shared>> -> memref<128x128xf32, #tpu.memory_space<vmem_shared>>
      %dma_start3A_62 = arith.constant 0 : i32
      %dma_start3A_63 = arith.constant 0 : i32
      %dma_start3A_64 = tpu.memref_slice %arg10[%dma_start3A_62, %dma_start3A_63] : memref<128x128xf32, #tpu.memory_space<vmem>> -> memref<128x128xf32, #tpu.memory_space<vmem>>
      tpu.enqueue_dma source(%dma_start3A_64 : memref<128x128xf32, #tpu.memory_space<vmem>>) target(%dma_start3A_61 : memref<128x128xf32, #tpu.memory_space<vmem_shared>>) target_semaphore(%run_scoped3A : memref<!tpu.dma_semaphore, #tpu.memory_space<semaphore_mem>>)
      %dma_wait3A = arith.constant 0 : i32
      %dma_wait3A_65 = arith.constant 0 : i32
      %dma_wait3A_66 = tpu.memref_slice %arg10[%dma_wait3A, %dma_wait3A_65] : memref<128x128xf32, #tpu.memory_space<vmem>> -> memref<128x128xf32, #tpu.memory_space<vmem>>
      %dma_wait3A_67 = arith.constant 0 : i32
      %dma_wait3A_68 = tpu.memref_slice %arg7[%add3A_5, %dma_wait3A_67] : memref<10112x128xf32, #tpu.memory_space<vmem_shared>> -> memref<128x128xf32, #tpu.memory_space<vmem_shared>>
      %dma_wait3A_69 = arith.constant 0 : i32
      %dma_wait3A_70 = tpu.memref_slice %arg7[%add3A_5, %dma_wait3A_69] : memref<10112x128xf32, #tpu.memory_space<vmem_shared>> -> memref<128x128xf32, #tpu.memory_space<vmem_shared>>
      %dma_wait3A_71 = arith.constant 0 : i32
      %dma_wait3A_72 = arith.constant 0 : i32
      %dma_wait3A_73 = tpu.memref_slice %arg10[%dma_wait3A_71, %dma_wait3A_72] : memref<128x128xf32, #tpu.memory_space<vmem>> -> memref<128x128xf32, #tpu.memory_space<vmem>>
      tpu.wait_dma2 semaphore(%run_scoped3A : memref<!tpu.dma_semaphore, #tpu.memory_space<semaphore_mem>>) src(%dma_wait3A_73 : memref<128x128xf32, #tpu.memory_space<vmem>>) dst(%dma_wait3A_70 : memref<128x128xf32, #tpu.memory_space<vmem_shared>>)
      tpu.yield
    }) : () -> ()
    %add3A_6 = arith.constant 384 : i32
    %add3A_7 = arith.addi %mul3A_0, %add3A_6 : i32
    "tpu.region"() ({
      %run_scoped3A = tpu.sem_alloc : memref<!tpu.dma_semaphore, #tpu.memory_space<semaphore_mem>>
      %dma_start3A = arith.constant 0 : i32
      %dma_start3A_56 = arith.constant 0 : i32
      %dma_start3A_57 = tpu.memref_slice %arg10[%dma_start3A, %dma_start3A_56] : memref<128x128xf32, #tpu.memory_space<vmem>> -> memref<128x128xf32, #tpu.memory_space<vmem>>
      %dma_start3A_58 = arith.constant 0 : i32
      %dma_start3A_59 = tpu.memref_slice %arg7[%add3A_7, %dma_start3A_58] : memref<10112x128xf32, #tpu.memory_space<vmem_shared>> -> memref<128x128xf32, #tpu.memory_space<vmem_shared>>
      %dma_start3A_60 = arith.constant 0 : i32
      %dma_start3A_61 = tpu.memref_slice %arg7[%add3A_7, %dma_start3A_60] : memref<10112x128xf32, #tpu.memory_space<vmem_shared>> -> memref<128x128xf32, #tpu.memory_space<vmem_shared>>
      %dma_start3A_62 = arith.constant 0 : i32
      %dma_start3A_63 = arith.constant 0 : i32
      %dma_start3A_64 = tpu.memref_slice %arg10[%dma_start3A_62, %dma_start3A_63] : memref<128x128xf32, #tpu.memory_space<vmem>> -> memref<128x128xf32, #tpu.memory_space<vmem>>
      tpu.enqueue_dma source(%dma_start3A_64 : memref<128x128xf32, #tpu.memory_space<vmem>>) target(%dma_start3A_61 : memref<128x128xf32, #tpu.memory_space<vmem_shared>>) target_semaphore(%run_scoped3A : memref<!tpu.dma_semaphore, #tpu.memory_space<semaphore_mem>>)
      %dma_wait3A = arith.constant 0 : i32
      %dma_wait3A_65 = arith.constant 0 : i32
      %dma_wait3A_66 = tpu.memref_slice %arg10[%dma_wait3A, %dma_wait3A_65] : memref<128x128xf32, #tpu.memory_space<vmem>> -> memref<128x128xf32, #tpu.memory_space<vmem>>
      %dma_wait3A_67 = arith.constant 0 : i32
      %dma_wait3A_68 = tpu.memref_slice %arg7[%add3A_7, %dma_wait3A_67] : memref<10112x128xf32, #tpu.memory_space<vmem_shared>> -> memref<128x128xf32, #tpu.memory_space<vmem_shared>>
      %dma_wait3A_69 = arith.constant 0 : i32
      %dma_wait3A_70 = tpu.memref_slice %arg7[%add3A_7, %dma_wait3A_69] : memref<10112x128xf32, #tpu.memory_space<vmem_shared>> -> memref<128x128xf32, #tpu.memory_space<vmem_shared>>
      %dma_wait3A_71 = arith.constant 0 : i32
      %dma_wait3A_72 = arith.constant 0 : i32
      %dma_wait3A_73 = tpu.memref_slice %arg10[%dma_wait3A_71, %dma_wait3A_72] : memref<128x128xf32, #tpu.memory_space<vmem>> -> memref<128x128xf32, #tpu.memory_space<vmem>>
      tpu.wait_dma2 semaphore(%run_scoped3A : memref<!tpu.dma_semaphore, #tpu.memory_space<semaphore_mem>>) src(%dma_wait3A_73 : memref<128x128xf32, #tpu.memory_space<vmem>>) dst(%dma_wait3A_70 : memref<128x128xf32, #tpu.memory_space<vmem_shared>>)
      tpu.yield
    }) : () -> ()
    %add3A_8 = arith.constant 512 : i32
    %add3A_9 = arith.addi %mul3A_0, %add3A_8 : i32
    "tpu.region"() ({
      %run_scoped3A = tpu.sem_alloc : memref<!tpu.dma_semaphore, #tpu.memory_space<semaphore_mem>>
      %dma_start3A = arith.constant 0 : i32
      %dma_start3A_56 = arith.constant 0 : i32
      %dma_start3A_57 = tpu.memref_slice %arg10[%dma_start3A, %dma_start3A_56] : memref<128x128xf32, #tpu.memory_space<vmem>> -> memref<120x128xf32, #tpu.memory_space<vmem>>
      %dma_start3A_58 = arith.constant 0 : i32
      %dma_start3A_59 = tpu.memref_slice %arg7[%add3A_9, %dma_start3A_58] : memref<10112x128xf32, #tpu.memory_space<vmem_shared>> -> memref<120x128xf32, #tpu.memory_space<vmem_shared>>
      %dma_start3A_60 = arith.constant 0 : i32
      %dma_start3A_61 = tpu.memref_slice %arg7[%add3A_9, %dma_start3A_60] : memref<10112x128xf32, #tpu.memory_space<vmem_shared>> -> memref<120x128xf32, #tpu.memory_space<vmem_shared>>
      %dma_start3A_62 = arith.constant 0 : i32
      %dma_start3A_63 = arith.constant 0 : i32
      %dma_start3A_64 = tpu.memref_slice %arg10[%dma_start3A_62, %dma_start3A_63] : memref<128x128xf32, #tpu.memory_space<vmem>> -> memref<120x128xf32, #tpu.memory_space<vmem>>
      tpu.enqueue_dma source(%dma_start3A_64 : memref<120x128xf32, #tpu.memory_space<vmem>>) target(%dma_start3A_61 : memref<120x128xf32, #tpu.memory_space<vmem_shared>>) target_semaphore(%run_scoped3A : memref<!tpu.dma_semaphore, #tpu.memory_space<semaphore_mem>>)
      %dma_wait3A = arith.constant 0 : i32
      %dma_wait3A_65 = arith.constant 0 : i32
      %dma_wait3A_66 = tpu.memref_slice %arg10[%dma_wait3A, %dma_wait3A_65] : memref<128x128xf32, #tpu.memory_space<vmem>> -> memref<120x128xf32, #tpu.memory_space<vmem>>
      %dma_wait3A_67 = arith.constant 0 : i32
      %dma_wait3A_68 = tpu.memref_slice %arg7[%add3A_9, %dma_wait3A_67] : memref<10112x128xf32, #tpu.memory_space<vmem_shared>> -> memref<120x128xf32, #tpu.memory_space<vmem_shared>>
      %dma_wait3A_69 = arith.constant 0 : i32
      %dma_wait3A_70 = tpu.memref_slice %arg7[%add3A_9, %dma_wait3A_69] : memref<10112x128xf32, #tpu.memory_space<vmem_shared>> -> memref<120x128xf32, #tpu.memory_space<vmem_shared>>
      %dma_wait3A_71 = arith.constant 0 : i32
      %dma_wait3A_72 = arith.constant 0 : i32
      %dma_wait3A_73 = tpu.memref_slice %arg10[%dma_wait3A_71, %dma_wait3A_72] : memref<128x128xf32, #tpu.memory_space<vmem>> -> memref<120x128xf32, #tpu.memory_space<vmem>>
      tpu.wait_dma2 semaphore(%run_scoped3A : memref<!tpu.dma_semaphore, #tpu.memory_space<semaphore_mem>>) src(%dma_wait3A_73 : memref<120x128xf32, #tpu.memory_space<vmem>>) dst(%dma_wait3A_70 : memref<120x128xf32, #tpu.memory_space<vmem_shared>>)
      tpu.yield
    }) : () -> ()
    %barrier3A = arith.constant 0 : index
    tpu.barrier barrier_id(%barrier3A)
    %eq3A = arith.constant 0 : i32
    %eq3A_10 = arith.cmpi eq, %arg0, %eq3A : i32
    %jit3A = arith.constant 96 : i32
    %jit3A_11 = arith.constant 62 : i32
    %select_n3A = arith.select %eq3A_10, %jit3A, %jit3A_11 : i32
    %eq3A_12 = arith.constant 0 : i32
    %eq3A_13 = arith.cmpi eq, %arg0, %eq3A_12 : i32
    %mul3A_14 = arith.constant 96 : i32
    %mul3A_15 = arith.muli %arg1, %mul3A_14 : i32
    %mul3A_16 = arith.constant 62 : i32
    %mul3A_17 = arith.muli %arg1, %mul3A_16 : i32
    %add3A_18 = arith.constant 1536 : i32
    %add3A_19 = arith.addi %add3A_18, %mul3A_17 : i32
    %select_n3A_20 = arith.select %eq3A_13, %mul3A_15, %add3A_19 : i32
    %mul3A_21 = arith.constant 128 : i32
    %mul3A_22 = arith.muli %select_n3A_20, %mul3A_21 : i32
    %while3A = arith.constant 0 : i32
    %while3A_23 = arith.constant 0 : i32
    %while3A_24 = arith.subi %select_n3A, %while3A_23 : i32
    %while3A_25 = arith.addi %while3A_23, %while3A_24 : i32
    %while3A_26 = arith.constant 1 : i32
    %while3A_27 = arith.divsi %while3A_24, %while3A_26 : i32
    %while3A_28 = arith.muli %while3A_27, %while3A_26 : i32
    %while3A_29 = arith.addi %while3A_23, %while3A_28 : i32
    %while3A_30 = arith.constant 1 : i32
    scf.for %while3A_56 = %while3A_23 to %while3A_29 step %while3A_30  : i32 {
      %mul3A_57 = arith.constant 128 : i32
      %mul3A_58 = arith.muli %while3A_56, %mul3A_57 : i32
      %add3A_59 = arith.addi %mul3A_22, %mul3A_58 : i32
      "tpu.region"() ({
        %run_scoped3A = tpu.sem_alloc : memref<!tpu.dma_semaphore, #tpu.memory_space<semaphore_mem>>
        %dma_start3A_64 = tpu.memref_slice %arg3[%add3A_59] : memref<323584xi32, #tpu.memory_space<hbm>> -> memref<128xi32, #tpu.memory_space<hbm>>
        %dma_start3A_65 = tpu.memref_slice %arg3[%add3A_59] : memref<323584xi32, #tpu.memory_space<hbm>> -> memref<128xi32, #tpu.memory_space<hbm>>
        tpu.enqueue_dma source(%dma_start3A_65 : memref<128xi32, #tpu.memory_space<hbm>>) target(%arg8 : memref<128xi32, #tpu.memory_space<vmem>>) target_semaphore(%run_scoped3A : memref<!tpu.dma_semaphore, #tpu.memory_space<semaphore_mem>>)
        %dma_wait3A_66 = tpu.memref_slice %arg3[%add3A_59] : memref<323584xi32, #tpu.memory_space<hbm>> -> memref<128xi32, #tpu.memory_space<hbm>>
        %dma_wait3A_67 = tpu.memref_slice %arg3[%add3A_59] : memref<323584xi32, #tpu.memory_space<hbm>> -> memref<128xi32, #tpu.memory_space<hbm>>
        tpu.wait_dma2 semaphore(%run_scoped3A : memref<!tpu.dma_semaphore, #tpu.memory_space<semaphore_mem>>) src(%dma_wait3A_67 : memref<128xi32, #tpu.memory_space<hbm>>) dst(%arg8 : memref<128xi32, #tpu.memory_space<vmem>>)
        tpu.yield
      }) : () -> ()
      "tpu.region"() ({
        %run_scoped3A = tpu.sem_alloc : memref<!tpu.dma_semaphore, #tpu.memory_space<semaphore_mem>>
        %dma_start3A_64 = tpu.memref_slice %arg4[%add3A_59] : memref<323584xi32, #tpu.memory_space<hbm>> -> memref<128xi32, #tpu.memory_space<hbm>>
        %dma_start3A_65 = tpu.memref_slice %arg4[%add3A_59] : memref<323584xi32, #tpu.memory_space<hbm>> -> memref<128xi32, #tpu.memory_space<hbm>>
        tpu.enqueue_dma source(%dma_start3A_65 : memref<128xi32, #tpu.memory_space<hbm>>) target(%arg9 : memref<128xi32, #tpu.memory_space<vmem>>) target_semaphore(%run_scoped3A : memref<!tpu.dma_semaphore, #tpu.memory_space<semaphore_mem>>)
        %dma_wait3A_66 = tpu.memref_slice %arg4[%add3A_59] : memref<323584xi32, #tpu.memory_space<hbm>> -> memref<128xi32, #tpu.memory_space<hbm>>
        %dma_wait3A_67 = tpu.memref_slice %arg4[%add3A_59] : memref<323584xi32, #tpu.memory_space<hbm>> -> memref<128xi32, #tpu.memory_space<hbm>>
        tpu.wait_dma2 semaphore(%run_scoped3A : memref<!tpu.dma_semaphore, #tpu.memory_space<semaphore_mem>>) src(%dma_wait3A_67 : memref<128xi32, #tpu.memory_space<hbm>>) dst(%arg9 : memref<128xi32, #tpu.memory_space<vmem>>)
        tpu.yield
      }) : () -> ()
      %dma_start3A = arith.constant 0 : i32
      %dma_start3A_60 = arith.constant 0 : i32
      %dma_start3A_61 = tpu.memref_slice %arg2[%dma_start3A, %dma_start3A_60] : memref<10000x128xf32, #tpu.memory_space<hbm>> -> memref<10000x128xf32, #tpu.memory_space<hbm>>
      tpu.enqueue_indirect_dma source(%dma_start3A_61 : memref<10000x128xf32, #tpu.memory_space<hbm>>) target(%arg10 : memref<128x128xf32, #tpu.memory_space<vmem>>) offsets(%arg8 : memref<128xi32, #tpu.memory_space<vmem>>) semaphore(%arg11 : memref<!tpu.dma_semaphore, #tpu.memory_space<semaphore_mem>>)
      %dma_wait3A = arith.constant 0 : i32
      %dma_wait3A_62 = arith.constant 0 : i32
      %dma_wait3A_63 = tpu.memref_slice %arg2[%dma_wait3A, %dma_wait3A_62] : memref<10000x128xf32, #tpu.memory_space<hbm>> -> memref<10000x128xf32, #tpu.memory_space<hbm>>
      tpu.wait_indirect_dma semaphore(%arg11 : memref<!tpu.dma_semaphore, #tpu.memory_space<semaphore_mem>>) src(%dma_wait3A_63 : memref<10000x128xf32, #tpu.memory_space<hbm>>) dst(%arg10 : memref<128x128xf32, #tpu.memory_space<vmem>>)
      "tpu.region"() ({
        %run_scoped3A = tpu.sem_alloc : memref<!tpu.dma_semaphore, #tpu.memory_space<semaphore_mem>>
        %dma_start3A_64 = arith.constant 0 : i32
        %dma_start3A_65 = arith.constant 0 : i32
        %dma_start3A_66 = tpu.memref_slice %arg7[%dma_start3A_64, %dma_start3A_65] : memref<10112x128xf32, #tpu.memory_space<vmem_shared>> -> memref<10112x128xf32, #tpu.memory_space<vmem_shared>>
        tpu.enqueue_indirect_dma source(%arg10 : memref<128x128xf32, #tpu.memory_space<vmem>>) target(%dma_start3A_66 : memref<10112x128xf32, #tpu.memory_space<vmem_shared>>) offsets(%arg9 : memref<128xi32, #tpu.memory_space<vmem>>) semaphore(%run_scoped3A : memref<!tpu.dma_semaphore, #tpu.memory_space<semaphore_mem>>) {add = true}
        %dma_wait3A_67 = arith.constant 0 : i32
        %dma_wait3A_68 = arith.constant 0 : i32
        %dma_wait3A_69 = tpu.memref_slice %arg7[%dma_wait3A_67, %dma_wait3A_68] : memref<10112x128xf32, #tpu.memory_space<vmem_shared>> -> memref<10112x128xf32, #tpu.memory_space<vmem_shared>>
        tpu.wait_indirect_dma semaphore(%run_scoped3A : memref<!tpu.dma_semaphore, #tpu.memory_space<semaphore_mem>>) src(%arg10 : memref<128x128xf32, #tpu.memory_space<vmem>>) dst(%dma_wait3A_69 : memref<10112x128xf32, #tpu.memory_space<vmem_shared>>)
        tpu.yield
      }) : () -> ()
    }
    %while3A_31 = arith.constant 1 : i32
    scf.for %while3A_56 = %while3A_29 to %while3A_25 step %while3A_31  : i32 {
      %mul3A_57 = arith.constant 128 : i32
      %mul3A_58 = arith.muli %while3A_56, %mul3A_57 : i32
      %add3A_59 = arith.addi %mul3A_22, %mul3A_58 : i32
      "tpu.region"() ({
        %run_scoped3A = tpu.sem_alloc : memref<!tpu.dma_semaphore, #tpu.memory_space<semaphore_mem>>
        %dma_start3A_64 = tpu.memref_slice %arg3[%add3A_59] : memref<323584xi32, #tpu.memory_space<hbm>> -> memref<128xi32, #tpu.memory_space<hbm>>
        %dma_start3A_65 = tpu.memref_slice %arg3[%add3A_59] : memref<323584xi32, #tpu.memory_space<hbm>> -> memref<128xi32, #tpu.memory_space<hbm>>
        tpu.enqueue_dma source(%dma_start3A_65 : memref<128xi32, #tpu.memory_space<hbm>>) target(%arg8 : memref<128xi32, #tpu.memory_space<vmem>>) target_semaphore(%run_scoped3A : memref<!tpu.dma_semaphore, #tpu.memory_space<semaphore_mem>>)
        %dma_wait3A_66 = tpu.memref_slice %arg3[%add3A_59] : memref<323584xi32, #tpu.memory_space<hbm>> -> memref<128xi32, #tpu.memory_space<hbm>>
        %dma_wait3A_67 = tpu.memref_slice %arg3[%add3A_59] : memref<323584xi32, #tpu.memory_space<hbm>> -> memref<128xi32, #tpu.memory_space<hbm>>
        tpu.wait_dma2 semaphore(%run_scoped3A : memref<!tpu.dma_semaphore, #tpu.memory_space<semaphore_mem>>) src(%dma_wait3A_67 : memref<128xi32, #tpu.memory_space<hbm>>) dst(%arg8 : memref<128xi32, #tpu.memory_space<vmem>>)
        tpu.yield
      }) : () -> ()
      "tpu.region"() ({
        %run_scoped3A = tpu.sem_alloc : memref<!tpu.dma_semaphore, #tpu.memory_space<semaphore_mem>>
        %dma_start3A_64 = tpu.memref_slice %arg4[%add3A_59] : memref<323584xi32, #tpu.memory_space<hbm>> -> memref<128xi32, #tpu.memory_space<hbm>>
        %dma_start3A_65 = tpu.memref_slice %arg4[%add3A_59] : memref<323584xi32, #tpu.memory_space<hbm>> -> memref<128xi32, #tpu.memory_space<hbm>>
        tpu.enqueue_dma source(%dma_start3A_65 : memref<128xi32, #tpu.memory_space<hbm>>) target(%arg9 : memref<128xi32, #tpu.memory_space<vmem>>) target_semaphore(%run_scoped3A : memref<!tpu.dma_semaphore, #tpu.memory_space<semaphore_mem>>)
        %dma_wait3A_66 = tpu.memref_slice %arg4[%add3A_59] : memref<323584xi32, #tpu.memory_space<hbm>> -> memref<128xi32, #tpu.memory_space<hbm>>
        %dma_wait3A_67 = tpu.memref_slice %arg4[%add3A_59] : memref<323584xi32, #tpu.memory_space<hbm>> -> memref<128xi32, #tpu.memory_space<hbm>>
        tpu.wait_dma2 semaphore(%run_scoped3A : memref<!tpu.dma_semaphore, #tpu.memory_space<semaphore_mem>>) src(%dma_wait3A_67 : memref<128xi32, #tpu.memory_space<hbm>>) dst(%arg9 : memref<128xi32, #tpu.memory_space<vmem>>)
        tpu.yield
      }) : () -> ()
      %dma_start3A = arith.constant 0 : i32
      %dma_start3A_60 = arith.constant 0 : i32
      %dma_start3A_61 = tpu.memref_slice %arg2[%dma_start3A, %dma_start3A_60] : memref<10000x128xf32, #tpu.memory_space<hbm>> -> memref<10000x128xf32, #tpu.memory_space<hbm>>
      tpu.enqueue_indirect_dma source(%dma_start3A_61 : memref<10000x128xf32, #tpu.memory_space<hbm>>) target(%arg10 : memref<128x128xf32, #tpu.memory_space<vmem>>) offsets(%arg8 : memref<128xi32, #tpu.memory_space<vmem>>) semaphore(%arg11 : memref<!tpu.dma_semaphore, #tpu.memory_space<semaphore_mem>>)
      %dma_wait3A = arith.constant 0 : i32
      %dma_wait3A_62 = arith.constant 0 : i32
      %dma_wait3A_63 = tpu.memref_slice %arg2[%dma_wait3A, %dma_wait3A_62] : memref<10000x128xf32, #tpu.memory_space<hbm>> -> memref<10000x128xf32, #tpu.memory_space<hbm>>
      tpu.wait_indirect_dma semaphore(%arg11 : memref<!tpu.dma_semaphore, #tpu.memory_space<semaphore_mem>>) src(%dma_wait3A_63 : memref<10000x128xf32, #tpu.memory_space<hbm>>) dst(%arg10 : memref<128x128xf32, #tpu.memory_space<vmem>>)
      "tpu.region"() ({
        %run_scoped3A = tpu.sem_alloc : memref<!tpu.dma_semaphore, #tpu.memory_space<semaphore_mem>>
        %dma_start3A_64 = arith.constant 0 : i32
        %dma_start3A_65 = arith.constant 0 : i32
        %dma_start3A_66 = tpu.memref_slice %arg7[%dma_start3A_64, %dma_start3A_65] : memref<10112x128xf32, #tpu.memory_space<vmem_shared>> -> memref<10112x128xf32, #tpu.memory_space<vmem_shared>>
        tpu.enqueue_indirect_dma source(%arg10 : memref<128x128xf32, #tpu.memory_space<vmem>>) target(%dma_start3A_66 : memref<10112x128xf32, #tpu.memory_space<vmem_shared>>) offsets(%arg9 : memref<128xi32, #tpu.memory_space<vmem>>) semaphore(%run_scoped3A : memref<!tpu.dma_semaphore, #tpu.memory_space<semaphore_mem>>) {add = true}
        %dma_wait3A_67 = arith.constant 0 : i32
        %dma_wait3A_68 = arith.constant 0 : i32
        %dma_wait3A_69 = tpu.memref_slice %arg7[%dma_wait3A_67, %dma_wait3A_68] : memref<10112x128xf32, #tpu.memory_space<vmem_shared>> -> memref<10112x128xf32, #tpu.memory_space<vmem_shared>>
        tpu.wait_indirect_dma semaphore(%run_scoped3A : memref<!tpu.dma_semaphore, #tpu.memory_space<semaphore_mem>>) src(%arg10 : memref<128x128xf32, #tpu.memory_space<vmem>>) dst(%dma_wait3A_69 : memref<10112x128xf32, #tpu.memory_space<vmem_shared>>)
        tpu.yield
      }) : () -> ()
    }
    %barrier3A_32 = arith.constant 0 : index
    tpu.barrier barrier_id(%barrier3A_32)
    %mul3A_33 = arith.constant 10112 : i32
    %mul3A_34 = arith.muli %arg0, %mul3A_33 : i32
    %add3A_35 = arith.addi %mul3A_34, %mul3A_0 : i32
    %add3A_36 = arith.constant 0 : i32
    %add3A_37 = arith.addi %mul3A_0, %add3A_36 : i32
    "tpu.region"() ({
      %run_scoped3A = tpu.sem_alloc : memref<!tpu.dma_semaphore, #tpu.memory_space<semaphore_mem>>
      %dma_start3A = arith.constant 0 : i32
      %dma_start3A_56 = arith.constant 0 : i32
      %dma_start3A_57 = tpu.memref_slice %arg10[%dma_start3A, %dma_start3A_56] : memref<128x128xf32, #tpu.memory_space<vmem>> -> memref<128x128xf32, #tpu.memory_space<vmem>>
      %dma_start3A_58 = arith.constant 0 : i32
      %dma_start3A_59 = tpu.memref_slice %arg7[%add3A_37, %dma_start3A_58] : memref<10112x128xf32, #tpu.memory_space<vmem_shared>> -> memref<128x128xf32, #tpu.memory_space<vmem_shared>>
      %dma_start3A_60 = arith.constant 0 : i32
      %dma_start3A_61 = arith.constant 0 : i32
      %dma_start3A_62 = tpu.memref_slice %arg10[%dma_start3A_60, %dma_start3A_61] : memref<128x128xf32, #tpu.memory_space<vmem>> -> memref<128x128xf32, #tpu.memory_space<vmem>>
      %dma_start3A_63 = arith.constant 0 : i32
      %dma_start3A_64 = tpu.memref_slice %arg7[%add3A_37, %dma_start3A_63] : memref<10112x128xf32, #tpu.memory_space<vmem_shared>> -> memref<128x128xf32, #tpu.memory_space<vmem_shared>>
      tpu.enqueue_dma source(%dma_start3A_64 : memref<128x128xf32, #tpu.memory_space<vmem_shared>>) target(%dma_start3A_62 : memref<128x128xf32, #tpu.memory_space<vmem>>) target_semaphore(%run_scoped3A : memref<!tpu.dma_semaphore, #tpu.memory_space<semaphore_mem>>)
      %dma_wait3A = arith.constant 0 : i32
      %dma_wait3A_65 = arith.constant 0 : i32
      %dma_wait3A_66 = tpu.memref_slice %arg10[%dma_wait3A, %dma_wait3A_65] : memref<128x128xf32, #tpu.memory_space<vmem>> -> memref<128x128xf32, #tpu.memory_space<vmem>>
      %dma_wait3A_67 = arith.constant 0 : i32
      %dma_wait3A_68 = tpu.memref_slice %arg7[%add3A_37, %dma_wait3A_67] : memref<10112x128xf32, #tpu.memory_space<vmem_shared>> -> memref<128x128xf32, #tpu.memory_space<vmem_shared>>
      %dma_wait3A_69 = arith.constant 0 : i32
      %dma_wait3A_70 = arith.constant 0 : i32
      %dma_wait3A_71 = tpu.memref_slice %arg10[%dma_wait3A_69, %dma_wait3A_70] : memref<128x128xf32, #tpu.memory_space<vmem>> -> memref<128x128xf32, #tpu.memory_space<vmem>>
      %dma_wait3A_72 = arith.constant 0 : i32
      %dma_wait3A_73 = tpu.memref_slice %arg7[%add3A_37, %dma_wait3A_72] : memref<10112x128xf32, #tpu.memory_space<vmem_shared>> -> memref<128x128xf32, #tpu.memory_space<vmem_shared>>
      tpu.wait_dma2 semaphore(%run_scoped3A : memref<!tpu.dma_semaphore, #tpu.memory_space<semaphore_mem>>) src(%dma_wait3A_73 : memref<128x128xf32, #tpu.memory_space<vmem_shared>>) dst(%dma_wait3A_71 : memref<128x128xf32, #tpu.memory_space<vmem>>)
      tpu.yield
    }) : () -> ()
    %add3A_38 = arith.constant 0 : i32
    %add3A_39 = arith.addi %add3A_35, %add3A_38 : i32
    "tpu.region"() ({
      %run_scoped3A = tpu.sem_alloc : memref<!tpu.dma_semaphore, #tpu.memory_space<semaphore_mem>>
      %dma_start3A = arith.constant 0 : i32
      %dma_start3A_56 = arith.constant 0 : i32
      %dma_start3A_57 = tpu.memref_slice %arg10[%dma_start3A, %dma_start3A_56] : memref<128x128xf32, #tpu.memory_space<vmem>> -> memref<128x128xf32, #tpu.memory_space<vmem>>
      %dma_start3A_58 = arith.constant 0 : i32
      %dma_start3A_59 = tpu.memref_slice %arg6[%add3A_39, %dma_start3A_58] : memref<20224x128xf32, #tpu.memory_space<hbm>> -> memref<128x128xf32, #tpu.memory_space<hbm>>
      %dma_start3A_60 = arith.constant 0 : i32
      %dma_start3A_61 = tpu.memref_slice %arg6[%add3A_39, %dma_start3A_60] : memref<20224x128xf32, #tpu.memory_space<hbm>> -> memref<128x128xf32, #tpu.memory_space<hbm>>
      %dma_start3A_62 = arith.constant 0 : i32
      %dma_start3A_63 = arith.constant 0 : i32
      %dma_start3A_64 = tpu.memref_slice %arg10[%dma_start3A_62, %dma_start3A_63] : memref<128x128xf32, #tpu.memory_space<vmem>> -> memref<128x128xf32, #tpu.memory_space<vmem>>
      tpu.enqueue_dma source(%dma_start3A_64 : memref<128x128xf32, #tpu.memory_space<vmem>>) target(%dma_start3A_61 : memref<128x128xf32, #tpu.memory_space<hbm>>) target_semaphore(%run_scoped3A : memref<!tpu.dma_semaphore, #tpu.memory_space<semaphore_mem>>)
      %dma_wait3A = arith.constant 0 : i32
      %dma_wait3A_65 = arith.constant 0 : i32
      %dma_wait3A_66 = tpu.memref_slice %arg10[%dma_wait3A, %dma_wait3A_65] : memref<128x128xf32, #tpu.memory_space<vmem>> -> memref<128x128xf32, #tpu.memory_space<vmem>>
      %dma_wait3A_67 = arith.constant 0 : i32
      %dma_wait3A_68 = tpu.memref_slice %arg6[%add3A_39, %dma_wait3A_67] : memref<20224x128xf32, #tpu.memory_space<hbm>> -> memref<128x128xf32, #tpu.memory_space<hbm>>
      %dma_wait3A_69 = arith.constant 0 : i32
      %dma_wait3A_70 = tpu.memref_slice %arg6[%add3A_39, %dma_wait3A_69] : memref<20224x128xf32, #tpu.memory_space<hbm>> -> memref<128x128xf32, #tpu.memory_space<hbm>>
      %dma_wait3A_71 = arith.constant 0 : i32
      %dma_wait3A_72 = arith.constant 0 : i32
      %dma_wait3A_73 = tpu.memref_slice %arg10[%dma_wait3A_71, %dma_wait3A_72] : memref<128x128xf32, #tpu.memory_space<vmem>> -> memref<128x128xf32, #tpu.memory_space<vmem>>
      tpu.wait_dma2 semaphore(%run_scoped3A : memref<!tpu.dma_semaphore, #tpu.memory_space<semaphore_mem>>) src(%dma_wait3A_73 : memref<128x128xf32, #tpu.memory_space<vmem>>) dst(%dma_wait3A_70 : memref<128x128xf32, #tpu.memory_space<hbm>>)
      tpu.yield
    }) : () -> ()
    %add3A_40 = arith.constant 128 : i32
    %add3A_41 = arith.addi %mul3A_0, %add3A_40 : i32
    "tpu.region"() ({
      %run_scoped3A = tpu.sem_alloc : memref<!tpu.dma_semaphore, #tpu.memory_space<semaphore_mem>>
      %dma_start3A = arith.constant 0 : i32
      %dma_start3A_56 = arith.constant 0 : i32
      %dma_start3A_57 = tpu.memref_slice %arg10[%dma_start3A, %dma_start3A_56] : memref<128x128xf32, #tpu.memory_space<vmem>> -> memref<128x128xf32, #tpu.memory_space<vmem>>
      %dma_start3A_58 = arith.constant 0 : i32
      %dma_start3A_59 = tpu.memref_slice %arg7[%add3A_41, %dma_start3A_58] : memref<10112x128xf32, #tpu.memory_space<vmem_shared>> -> memref<128x128xf32, #tpu.memory_space<vmem_shared>>
      %dma_start3A_60 = arith.constant 0 : i32
      %dma_start3A_61 = arith.constant 0 : i32
      %dma_start3A_62 = tpu.memref_slice %arg10[%dma_start3A_60, %dma_start3A_61] : memref<128x128xf32, #tpu.memory_space<vmem>> -> memref<128x128xf32, #tpu.memory_space<vmem>>
      %dma_start3A_63 = arith.constant 0 : i32
      %dma_start3A_64 = tpu.memref_slice %arg7[%add3A_41, %dma_start3A_63] : memref<10112x128xf32, #tpu.memory_space<vmem_shared>> -> memref<128x128xf32, #tpu.memory_space<vmem_shared>>
      tpu.enqueue_dma source(%dma_start3A_64 : memref<128x128xf32, #tpu.memory_space<vmem_shared>>) target(%dma_start3A_62 : memref<128x128xf32, #tpu.memory_space<vmem>>) target_semaphore(%run_scoped3A : memref<!tpu.dma_semaphore, #tpu.memory_space<semaphore_mem>>)
      %dma_wait3A = arith.constant 0 : i32
      %dma_wait3A_65 = arith.constant 0 : i32
      %dma_wait3A_66 = tpu.memref_slice %arg10[%dma_wait3A, %dma_wait3A_65] : memref<128x128xf32, #tpu.memory_space<vmem>> -> memref<128x128xf32, #tpu.memory_space<vmem>>
      %dma_wait3A_67 = arith.constant 0 : i32
      %dma_wait3A_68 = tpu.memref_slice %arg7[%add3A_41, %dma_wait3A_67] : memref<10112x128xf32, #tpu.memory_space<vmem_shared>> -> memref<128x128xf32, #tpu.memory_space<vmem_shared>>
      %dma_wait3A_69 = arith.constant 0 : i32
      %dma_wait3A_70 = arith.constant 0 : i32
      %dma_wait3A_71 = tpu.memref_slice %arg10[%dma_wait3A_69, %dma_wait3A_70] : memref<128x128xf32, #tpu.memory_space<vmem>> -> memref<128x128xf32, #tpu.memory_space<vmem>>
      %dma_wait3A_72 = arith.constant 0 : i32
      %dma_wait3A_73 = tpu.memref_slice %arg7[%add3A_41, %dma_wait3A_72] : memref<10112x128xf32, #tpu.memory_space<vmem_shared>> -> memref<128x128xf32, #tpu.memory_space<vmem_shared>>
      tpu.wait_dma2 semaphore(%run_scoped3A : memref<!tpu.dma_semaphore, #tpu.memory_space<semaphore_mem>>) src(%dma_wait3A_73 : memref<128x128xf32, #tpu.memory_space<vmem_shared>>) dst(%dma_wait3A_71 : memref<128x128xf32, #tpu.memory_space<vmem>>)
      tpu.yield
    }) : () -> ()
    %add3A_42 = arith.constant 128 : i32
    %add3A_43 = arith.addi %add3A_35, %add3A_42 : i32
    "tpu.region"() ({
      %run_scoped3A = tpu.sem_alloc : memref<!tpu.dma_semaphore, #tpu.memory_space<semaphore_mem>>
      %dma_start3A = arith.constant 0 : i32
      %dma_start3A_56 = arith.constant 0 : i32
      %dma_start3A_57 = tpu.memref_slice %arg10[%dma_start3A, %dma_start3A_56] : memref<128x128xf32, #tpu.memory_space<vmem>> -> memref<128x128xf32, #tpu.memory_space<vmem>>
      %dma_start3A_58 = arith.constant 0 : i32
      %dma_start3A_59 = tpu.memref_slice %arg6[%add3A_43, %dma_start3A_58] : memref<20224x128xf32, #tpu.memory_space<hbm>> -> memref<128x128xf32, #tpu.memory_space<hbm>>
      %dma_start3A_60 = arith.constant 0 : i32
      %dma_start3A_61 = tpu.memref_slice %arg6[%add3A_43, %dma_start3A_60] : memref<20224x128xf32, #tpu.memory_space<hbm>> -> memref<128x128xf32, #tpu.memory_space<hbm>>
      %dma_start3A_62 = arith.constant 0 : i32
      %dma_start3A_63 = arith.constant 0 : i32
      %dma_start3A_64 = tpu.memref_slice %arg10[%dma_start3A_62, %dma_start3A_63] : memref<128x128xf32, #tpu.memory_space<vmem>> -> memref<128x128xf32, #tpu.memory_space<vmem>>
      tpu.enqueue_dma source(%dma_start3A_64 : memref<128x128xf32, #tpu.memory_space<vmem>>) target(%dma_start3A_61 : memref<128x128xf32, #tpu.memory_space<hbm>>) target_semaphore(%run_scoped3A : memref<!tpu.dma_semaphore, #tpu.memory_space<semaphore_mem>>)
      %dma_wait3A = arith.constant 0 : i32
      %dma_wait3A_65 = arith.constant 0 : i32
      %dma_wait3A_66 = tpu.memref_slice %arg10[%dma_wait3A, %dma_wait3A_65] : memref<128x128xf32, #tpu.memory_space<vmem>> -> memref<128x128xf32, #tpu.memory_space<vmem>>
      %dma_wait3A_67 = arith.constant 0 : i32
      %dma_wait3A_68 = tpu.memref_slice %arg6[%add3A_43, %dma_wait3A_67] : memref<20224x128xf32, #tpu.memory_space<hbm>> -> memref<128x128xf32, #tpu.memory_space<hbm>>
      %dma_wait3A_69 = arith.constant 0 : i32
      %dma_wait3A_70 = tpu.memref_slice %arg6[%add3A_43, %dma_wait3A_69] : memref<20224x128xf32, #tpu.memory_space<hbm>> -> memref<128x128xf32, #tpu.memory_space<hbm>>
      %dma_wait3A_71 = arith.constant 0 : i32
      %dma_wait3A_72 = arith.constant 0 : i32
      %dma_wait3A_73 = tpu.memref_slice %arg10[%dma_wait3A_71, %dma_wait3A_72] : memref<128x128xf32, #tpu.memory_space<vmem>> -> memref<128x128xf32, #tpu.memory_space<vmem>>
      tpu.wait_dma2 semaphore(%run_scoped3A : memref<!tpu.dma_semaphore, #tpu.memory_space<semaphore_mem>>) src(%dma_wait3A_73 : memref<128x128xf32, #tpu.memory_space<vmem>>) dst(%dma_wait3A_70 : memref<128x128xf32, #tpu.memory_space<hbm>>)
      tpu.yield
    }) : () -> ()
    %add3A_44 = arith.constant 256 : i32
    %add3A_45 = arith.addi %mul3A_0, %add3A_44 : i32
    "tpu.region"() ({
      %run_scoped3A = tpu.sem_alloc : memref<!tpu.dma_semaphore, #tpu.memory_space<semaphore_mem>>
      %dma_start3A = arith.constant 0 : i32
      %dma_start3A_56 = arith.constant 0 : i32
      %dma_start3A_57 = tpu.memref_slice %arg10[%dma_start3A, %dma_start3A_56] : memref<128x128xf32, #tpu.memory_space<vmem>> -> memref<128x128xf32, #tpu.memory_space<vmem>>
      %dma_start3A_58 = arith.constant 0 : i32
      %dma_start3A_59 = tpu.memref_slice %arg7[%add3A_45, %dma_start3A_58] : memref<10112x128xf32, #tpu.memory_space<vmem_shared>> -> memref<128x128xf32, #tpu.memory_space<vmem_shared>>
      %dma_start3A_60 = arith.constant 0 : i32
      %dma_start3A_61 = arith.constant 0 : i32
      %dma_start3A_62 = tpu.memref_slice %arg10[%dma_start3A_60, %dma_start3A_61] : memref<128x128xf32, #tpu.memory_space<vmem>> -> memref<128x128xf32, #tpu.memory_space<vmem>>
      %dma_start3A_63 = arith.constant 0 : i32
      %dma_start3A_64 = tpu.memref_slice %arg7[%add3A_45, %dma_start3A_63] : memref<10112x128xf32, #tpu.memory_space<vmem_shared>> -> memref<128x128xf32, #tpu.memory_space<vmem_shared>>
      tpu.enqueue_dma source(%dma_start3A_64 : memref<128x128xf32, #tpu.memory_space<vmem_shared>>) target(%dma_start3A_62 : memref<128x128xf32, #tpu.memory_space<vmem>>) target_semaphore(%run_scoped3A : memref<!tpu.dma_semaphore, #tpu.memory_space<semaphore_mem>>)
      %dma_wait3A = arith.constant 0 : i32
      %dma_wait3A_65 = arith.constant 0 : i32
      %dma_wait3A_66 = tpu.memref_slice %arg10[%dma_wait3A, %dma_wait3A_65] : memref<128x128xf32, #tpu.memory_space<vmem>> -> memref<128x128xf32, #tpu.memory_space<vmem>>
      %dma_wait3A_67 = arith.constant 0 : i32
      %dma_wait3A_68 = tpu.memref_slice %arg7[%add3A_45, %dma_wait3A_67] : memref<10112x128xf32, #tpu.memory_space<vmem_shared>> -> memref<128x128xf32, #tpu.memory_space<vmem_shared>>
      %dma_wait3A_69 = arith.constant 0 : i32
      %dma_wait3A_70 = arith.constant 0 : i32
      %dma_wait3A_71 = tpu.memref_slice %arg10[%dma_wait3A_69, %dma_wait3A_70] : memref<128x128xf32, #tpu.memory_space<vmem>> -> memref<128x128xf32, #tpu.memory_space<vmem>>
      %dma_wait3A_72 = arith.constant 0 : i32
      %dma_wait3A_73 = tpu.memref_slice %arg7[%add3A_45, %dma_wait3A_72] : memref<10112x128xf32, #tpu.memory_space<vmem_shared>> -> memref<128x128xf32, #tpu.memory_space<vmem_shared>>
      tpu.wait_dma2 semaphore(%run_scoped3A : memref<!tpu.dma_semaphore, #tpu.memory_space<semaphore_mem>>) src(%dma_wait3A_73 : memref<128x128xf32, #tpu.memory_space<vmem_shared>>) dst(%dma_wait3A_71 : memref<128x128xf32, #tpu.memory_space<vmem>>)
      tpu.yield
    }) : () -> ()
    %add3A_46 = arith.constant 256 : i32
    %add3A_47 = arith.addi %add3A_35, %add3A_46 : i32
    "tpu.region"() ({
      %run_scoped3A = tpu.sem_alloc : memref<!tpu.dma_semaphore, #tpu.memory_space<semaphore_mem>>
      %dma_start3A = arith.constant 0 : i32
      %dma_start3A_56 = arith.constant 0 : i32
      %dma_start3A_57 = tpu.memref_slice %arg10[%dma_start3A, %dma_start3A_56] : memref<128x128xf32, #tpu.memory_space<vmem>> -> memref<128x128xf32, #tpu.memory_space<vmem>>
      %dma_start3A_58 = arith.constant 0 : i32
      %dma_start3A_59 = tpu.memref_slice %arg6[%add3A_47, %dma_start3A_58] : memref<20224x128xf32, #tpu.memory_space<hbm>> -> memref<128x128xf32, #tpu.memory_space<hbm>>
      %dma_start3A_60 = arith.constant 0 : i32
      %dma_start3A_61 = tpu.memref_slice %arg6[%add3A_47, %dma_start3A_60] : memref<20224x128xf32, #tpu.memory_space<hbm>> -> memref<128x128xf32, #tpu.memory_space<hbm>>
      %dma_start3A_62 = arith.constant 0 : i32
      %dma_start3A_63 = arith.constant 0 : i32
      %dma_start3A_64 = tpu.memref_slice %arg10[%dma_start3A_62, %dma_start3A_63] : memref<128x128xf32, #tpu.memory_space<vmem>> -> memref<128x128xf32, #tpu.memory_space<vmem>>
      tpu.enqueue_dma source(%dma_start3A_64 : memref<128x128xf32, #tpu.memory_space<vmem>>) target(%dma_start3A_61 : memref<128x128xf32, #tpu.memory_space<hbm>>) target_semaphore(%run_scoped3A : memref<!tpu.dma_semaphore, #tpu.memory_space<semaphore_mem>>)
      %dma_wait3A = arith.constant 0 : i32
      %dma_wait3A_65 = arith.constant 0 : i32
      %dma_wait3A_66 = tpu.memref_slice %arg10[%dma_wait3A, %dma_wait3A_65] : memref<128x128xf32, #tpu.memory_space<vmem>> -> memref<128x128xf32, #tpu.memory_space<vmem>>
      %dma_wait3A_67 = arith.constant 0 : i32
      %dma_wait3A_68 = tpu.memref_slice %arg6[%add3A_47, %dma_wait3A_67] : memref<20224x128xf32, #tpu.memory_space<hbm>> -> memref<128x128xf32, #tpu.memory_space<hbm>>
      %dma_wait3A_69 = arith.constant 0 : i32
      %dma_wait3A_70 = tpu.memref_slice %arg6[%add3A_47, %dma_wait3A_69] : memref<20224x128xf32, #tpu.memory_space<hbm>> -> memref<128x128xf32, #tpu.memory_space<hbm>>
      %dma_wait3A_71 = arith.constant 0 : i32
      %dma_wait3A_72 = arith.constant 0 : i32
      %dma_wait3A_73 = tpu.memref_slice %arg10[%dma_wait3A_71, %dma_wait3A_72] : memref<128x128xf32, #tpu.memory_space<vmem>> -> memref<128x128xf32, #tpu.memory_space<vmem>>
      tpu.wait_dma2 semaphore(%run_scoped3A : memref<!tpu.dma_semaphore, #tpu.memory_space<semaphore_mem>>) src(%dma_wait3A_73 : memref<128x128xf32, #tpu.memory_space<vmem>>) dst(%dma_wait3A_70 : memref<128x128xf32, #tpu.memory_space<hbm>>)
      tpu.yield
    }) : () -> ()
    %add3A_48 = arith.constant 384 : i32
    %add3A_49 = arith.addi %mul3A_0, %add3A_48 : i32
    "tpu.region"() ({
      %run_scoped3A = tpu.sem_alloc : memref<!tpu.dma_semaphore, #tpu.memory_space<semaphore_mem>>
      %dma_start3A = arith.constant 0 : i32
      %dma_start3A_56 = arith.constant 0 : i32
      %dma_start3A_57 = tpu.memref_slice %arg10[%dma_start3A, %dma_start3A_56] : memref<128x128xf32, #tpu.memory_space<vmem>> -> memref<128x128xf32, #tpu.memory_space<vmem>>
      %dma_start3A_58 = arith.constant 0 : i32
      %dma_start3A_59 = tpu.memref_slice %arg7[%add3A_49, %dma_start3A_58] : memref<10112x128xf32, #tpu.memory_space<vmem_shared>> -> memref<128x128xf32, #tpu.memory_space<vmem_shared>>
      %dma_start3A_60 = arith.constant 0 : i32
      %dma_start3A_61 = arith.constant 0 : i32
      %dma_start3A_62 = tpu.memref_slice %arg10[%dma_start3A_60, %dma_start3A_61] : memref<128x128xf32, #tpu.memory_space<vmem>> -> memref<128x128xf32, #tpu.memory_space<vmem>>
      %dma_start3A_63 = arith.constant 0 : i32
      %dma_start3A_64 = tpu.memref_slice %arg7[%add3A_49, %dma_start3A_63] : memref<10112x128xf32, #tpu.memory_space<vmem_shared>> -> memref<128x128xf32, #tpu.memory_space<vmem_shared>>
      tpu.enqueue_dma source(%dma_start3A_64 : memref<128x128xf32, #tpu.memory_space<vmem_shared>>) target(%dma_start3A_62 : memref<128x128xf32, #tpu.memory_space<vmem>>) target_semaphore(%run_scoped3A : memref<!tpu.dma_semaphore, #tpu.memory_space<semaphore_mem>>)
      %dma_wait3A = arith.constant 0 : i32
      %dma_wait3A_65 = arith.constant 0 : i32
      %dma_wait3A_66 = tpu.memref_slice %arg10[%dma_wait3A, %dma_wait3A_65] : memref<128x128xf32, #tpu.memory_space<vmem>> -> memref<128x128xf32, #tpu.memory_space<vmem>>
      %dma_wait3A_67 = arith.constant 0 : i32
      %dma_wait3A_68 = tpu.memref_slice %arg7[%add3A_49, %dma_wait3A_67] : memref<10112x128xf32, #tpu.memory_space<vmem_shared>> -> memref<128x128xf32, #tpu.memory_space<vmem_shared>>
      %dma_wait3A_69 = arith.constant 0 : i32
      %dma_wait3A_70 = arith.constant 0 : i32
      %dma_wait3A_71 = tpu.memref_slice %arg10[%dma_wait3A_69, %dma_wait3A_70] : memref<128x128xf32, #tpu.memory_space<vmem>> -> memref<128x128xf32, #tpu.memory_space<vmem>>
      %dma_wait3A_72 = arith.constant 0 : i32
      %dma_wait3A_73 = tpu.memref_slice %arg7[%add3A_49, %dma_wait3A_72] : memref<10112x128xf32, #tpu.memory_space<vmem_shared>> -> memref<128x128xf32, #tpu.memory_space<vmem_shared>>
      tpu.wait_dma2 semaphore(%run_scoped3A : memref<!tpu.dma_semaphore, #tpu.memory_space<semaphore_mem>>) src(%dma_wait3A_73 : memref<128x128xf32, #tpu.memory_space<vmem_shared>>) dst(%dma_wait3A_71 : memref<128x128xf32, #tpu.memory_space<vmem>>)
      tpu.yield
    }) : () -> ()
    %add3A_50 = arith.constant 384 : i32
    %add3A_51 = arith.addi %add3A_35, %add3A_50 : i32
    "tpu.region"() ({
      %run_scoped3A = tpu.sem_alloc : memref<!tpu.dma_semaphore, #tpu.memory_space<semaphore_mem>>
      %dma_start3A = arith.constant 0 : i32
      %dma_start3A_56 = arith.constant 0 : i32
      %dma_start3A_57 = tpu.memref_slice %arg10[%dma_start3A, %dma_start3A_56] : memref<128x128xf32, #tpu.memory_space<vmem>> -> memref<128x128xf32, #tpu.memory_space<vmem>>
      %dma_start3A_58 = arith.constant 0 : i32
      %dma_start3A_59 = tpu.memref_slice %arg6[%add3A_51, %dma_start3A_58] : memref<20224x128xf32, #tpu.memory_space<hbm>> -> memref<128x128xf32, #tpu.memory_space<hbm>>
      %dma_start3A_60 = arith.constant 0 : i32
      %dma_start3A_61 = tpu.memref_slice %arg6[%add3A_51, %dma_start3A_60] : memref<20224x128xf32, #tpu.memory_space<hbm>> -> memref<128x128xf32, #tpu.memory_space<hbm>>
      %dma_start3A_62 = arith.constant 0 : i32
      %dma_start3A_63 = arith.constant 0 : i32
      %dma_start3A_64 = tpu.memref_slice %arg10[%dma_start3A_62, %dma_start3A_63] : memref<128x128xf32, #tpu.memory_space<vmem>> -> memref<128x128xf32, #tpu.memory_space<vmem>>
      tpu.enqueue_dma source(%dma_start3A_64 : memref<128x128xf32, #tpu.memory_space<vmem>>) target(%dma_start3A_61 : memref<128x128xf32, #tpu.memory_space<hbm>>) target_semaphore(%run_scoped3A : memref<!tpu.dma_semaphore, #tpu.memory_space<semaphore_mem>>)
      %dma_wait3A = arith.constant 0 : i32
      %dma_wait3A_65 = arith.constant 0 : i32
      %dma_wait3A_66 = tpu.memref_slice %arg10[%dma_wait3A, %dma_wait3A_65] : memref<128x128xf32, #tpu.memory_space<vmem>> -> memref<128x128xf32, #tpu.memory_space<vmem>>
      %dma_wait3A_67 = arith.constant 0 : i32
      %dma_wait3A_68 = tpu.memref_slice %arg6[%add3A_51, %dma_wait3A_67] : memref<20224x128xf32, #tpu.memory_space<hbm>> -> memref<128x128xf32, #tpu.memory_space<hbm>>
      %dma_wait3A_69 = arith.constant 0 : i32
      %dma_wait3A_70 = tpu.memref_slice %arg6[%add3A_51, %dma_wait3A_69] : memref<20224x128xf32, #tpu.memory_space<hbm>> -> memref<128x128xf32, #tpu.memory_space<hbm>>
      %dma_wait3A_71 = arith.constant 0 : i32
      %dma_wait3A_72 = arith.constant 0 : i32
      %dma_wait3A_73 = tpu.memref_slice %arg10[%dma_wait3A_71, %dma_wait3A_72] : memref<128x128xf32, #tpu.memory_space<vmem>> -> memref<128x128xf32, #tpu.memory_space<vmem>>
      tpu.wait_dma2 semaphore(%run_scoped3A : memref<!tpu.dma_semaphore, #tpu.memory_space<semaphore_mem>>) src(%dma_wait3A_73 : memref<128x128xf32, #tpu.memory_space<vmem>>) dst(%dma_wait3A_70 : memref<128x128xf32, #tpu.memory_space<hbm>>)
      tpu.yield
    }) : () -> ()
    %add3A_52 = arith.constant 512 : i32
    %add3A_53 = arith.addi %mul3A_0, %add3A_52 : i32
    "tpu.region"() ({
      %run_scoped3A = tpu.sem_alloc : memref<!tpu.dma_semaphore, #tpu.memory_space<semaphore_mem>>
      %dma_start3A = arith.constant 0 : i32
      %dma_start3A_56 = arith.constant 0 : i32
      %dma_start3A_57 = tpu.memref_slice %arg10[%dma_start3A, %dma_start3A_56] : memref<128x128xf32, #tpu.memory_space<vmem>> -> memref<120x128xf32, #tpu.memory_space<vmem>>
      %dma_start3A_58 = arith.constant 0 : i32
      %dma_start3A_59 = tpu.memref_slice %arg7[%add3A_53, %dma_start3A_58] : memref<10112x128xf32, #tpu.memory_space<vmem_shared>> -> memref<120x128xf32, #tpu.memory_space<vmem_shared>>
      %dma_start3A_60 = arith.constant 0 : i32
      %dma_start3A_61 = arith.constant 0 : i32
      %dma_start3A_62 = tpu.memref_slice %arg10[%dma_start3A_60, %dma_start3A_61] : memref<128x128xf32, #tpu.memory_space<vmem>> -> memref<120x128xf32, #tpu.memory_space<vmem>>
      %dma_start3A_63 = arith.constant 0 : i32
      %dma_start3A_64 = tpu.memref_slice %arg7[%add3A_53, %dma_start3A_63] : memref<10112x128xf32, #tpu.memory_space<vmem_shared>> -> memref<120x128xf32, #tpu.memory_space<vmem_shared>>
      tpu.enqueue_dma source(%dma_start3A_64 : memref<120x128xf32, #tpu.memory_space<vmem_shared>>) target(%dma_start3A_62 : memref<120x128xf32, #tpu.memory_space<vmem>>) target_semaphore(%run_scoped3A : memref<!tpu.dma_semaphore, #tpu.memory_space<semaphore_mem>>)
      %dma_wait3A = arith.constant 0 : i32
      %dma_wait3A_65 = arith.constant 0 : i32
      %dma_wait3A_66 = tpu.memref_slice %arg10[%dma_wait3A, %dma_wait3A_65] : memref<128x128xf32, #tpu.memory_space<vmem>> -> memref<120x128xf32, #tpu.memory_space<vmem>>
      %dma_wait3A_67 = arith.constant 0 : i32
      %dma_wait3A_68 = tpu.memref_slice %arg7[%add3A_53, %dma_wait3A_67] : memref<10112x128xf32, #tpu.memory_space<vmem_shared>> -> memref<120x128xf32, #tpu.memory_space<vmem_shared>>
      %dma_wait3A_69 = arith.constant 0 : i32
      %dma_wait3A_70 = arith.constant 0 : i32
      %dma_wait3A_71 = tpu.memref_slice %arg10[%dma_wait3A_69, %dma_wait3A_70] : memref<128x128xf32, #tpu.memory_space<vmem>> -> memref<120x128xf32, #tpu.memory_space<vmem>>
      %dma_wait3A_72 = arith.constant 0 : i32
      %dma_wait3A_73 = tpu.memref_slice %arg7[%add3A_53, %dma_wait3A_72] : memref<10112x128xf32, #tpu.memory_space<vmem_shared>> -> memref<120x128xf32, #tpu.memory_space<vmem_shared>>
      tpu.wait_dma2 semaphore(%run_scoped3A : memref<!tpu.dma_semaphore, #tpu.memory_space<semaphore_mem>>) src(%dma_wait3A_73 : memref<120x128xf32, #tpu.memory_space<vmem_shared>>) dst(%dma_wait3A_71 : memref<120x128xf32, #tpu.memory_space<vmem>>)
      tpu.yield
    }) : () -> ()
    %add3A_54 = arith.constant 512 : i32
    %add3A_55 = arith.addi %add3A_35, %add3A_54 : i32
    "tpu.region"() ({
      %run_scoped3A = tpu.sem_alloc : memref<!tpu.dma_semaphore, #tpu.memory_space<semaphore_mem>>
      %dma_start3A = arith.constant 0 : i32
      %dma_start3A_56 = arith.constant 0 : i32
      %dma_start3A_57 = tpu.memref_slice %arg10[%dma_start3A, %dma_start3A_56] : memref<128x128xf32, #tpu.memory_space<vmem>> -> memref<120x128xf32, #tpu.memory_space<vmem>>
      %dma_start3A_58 = arith.constant 0 : i32
      %dma_start3A_59 = tpu.memref_slice %arg6[%add3A_55, %dma_start3A_58] : memref<20224x128xf32, #tpu.memory_space<hbm>> -> memref<120x128xf32, #tpu.memory_space<hbm>>
      %dma_start3A_60 = arith.constant 0 : i32
      %dma_start3A_61 = tpu.memref_slice %arg6[%add3A_55, %dma_start3A_60] : memref<20224x128xf32, #tpu.memory_space<hbm>> -> memref<120x128xf32, #tpu.memory_space<hbm>>
      %dma_start3A_62 = arith.constant 0 : i32
      %dma_start3A_63 = arith.constant 0 : i32
      %dma_start3A_64 = tpu.memref_slice %arg10[%dma_start3A_62, %dma_start3A_63] : memref<128x128xf32, #tpu.memory_space<vmem>> -> memref<120x128xf32, #tpu.memory_space<vmem>>
      tpu.enqueue_dma source(%dma_start3A_64 : memref<120x128xf32, #tpu.memory_space<vmem>>) target(%dma_start3A_61 : memref<120x128xf32, #tpu.memory_space<hbm>>) target_semaphore(%run_scoped3A : memref<!tpu.dma_semaphore, #tpu.memory_space<semaphore_mem>>)
      %dma_wait3A = arith.constant 0 : i32
      %dma_wait3A_65 = arith.constant 0 : i32
      %dma_wait3A_66 = tpu.memref_slice %arg10[%dma_wait3A, %dma_wait3A_65] : memref<128x128xf32, #tpu.memory_space<vmem>> -> memref<120x128xf32, #tpu.memory_space<vmem>>
      %dma_wait3A_67 = arith.constant 0 : i32
      %dma_wait3A_68 = tpu.memref_slice %arg6[%add3A_55, %dma_wait3A_67] : memref<20224x128xf32, #tpu.memory_space<hbm>> -> memref<120x128xf32, #tpu.memory_space<hbm>>
      %dma_wait3A_69 = arith.constant 0 : i32
      %dma_wait3A_70 = tpu.memref_slice %arg6[%add3A_55, %dma_wait3A_69] : memref<20224x128xf32, #tpu.memory_space<hbm>> -> memref<120x128xf32, #tpu.memory_space<hbm>>
      %dma_wait3A_71 = arith.constant 0 : i32
      %dma_wait3A_72 = arith.constant 0 : i32
      %dma_wait3A_73 = tpu.memref_slice %arg10[%dma_wait3A_71, %dma_wait3A_72] : memref<128x128xf32, #tpu.memory_space<vmem>> -> memref<120x128xf32, #tpu.memory_space<vmem>>
      tpu.wait_dma2 semaphore(%run_scoped3A : memref<!tpu.dma_semaphore, #tpu.memory_space<semaphore_mem>>) src(%dma_wait3A_73 : memref<120x128xf32, #tpu.memory_space<vmem>>) dst(%dma_wait3A_70 : memref<120x128xf32, #tpu.memory_space<hbm>>)
      tpu.yield
    }) : () -> ()
    return
  }
}

module attributes {stable_mosaic.version = 14 : i64} {
  func.func @body(%arg0: i32, %arg1: memref<2x2000x128xf32, #tpu.memory_space<vmem>>, %arg2: memref<2x2000x128xf32, #tpu.memory_space<vmem>>, %arg3: memref<2000x128xf32, #tpu.memory_space<vmem>>, %arg4: memref<256x128xf32, #tpu.memory_space<vmem>>, %arg5: memref<1x128xf32, #tpu.memory_space<vmem>>, %arg6: memref<2000x128xf32, #tpu.memory_space<vmem>>) attributes {dimension_semantics = [#tpu.dimension_semantics<arbitrary>], iteration_bounds = array<i64: 5>, scalar_prefetch = 0 : i64, scratch_operands = 0 : i64, tpu.core_type = #tpu.core_type<tc>, window_params = [{transform_indices = @transform_0, window_bounds = array<i64: 2, 2000, 128>}, {transform_indices = @transform_1, window_bounds = array<i64: 2, 2000, 128>}, {transform_indices = @transform_2, window_bounds = array<i64: 2000, 128>}, {pipeline_mode = #tpu.pipeline_mode<synchronous>, transform_indices = @transform_3, window_bounds = array<i64: 256, 128>}, {pipeline_mode = #tpu.pipeline_mode<synchronous>, transform_indices = @transform_4, window_bounds = array<i64: 1, 128>}, {transform_indices = @transform_5, window_bounds = array<i64: 2000, 128>}]} {
    %get3A = arith.constant 0 : index
    %get3A_0 = arith.constant 0 : index
    %get3A_1 = arith.constant 0 : index
    %get3A_2 = vector.load %arg1[%get3A, %get3A_0, %get3A_1] : memref<2x2000x128xf32, #tpu.memory_space<vmem>>, vector<1x2000x128xf32>
    %get3A_3 = vector.shape_cast %get3A_2 : vector<1x2000x128xf32> to vector<2000x128xf32>
    %get3A_4 = arith.constant 1 : index
    %get3A_5 = arith.constant 0 : index
    %get3A_6 = arith.constant 0 : index
    %get3A_7 = vector.load %arg1[%get3A_4, %get3A_5, %get3A_6] : memref<2x2000x128xf32, #tpu.memory_space<vmem>>, vector<1x2000x128xf32>
    %get3A_8 = vector.shape_cast %get3A_7 : vector<1x2000x128xf32> to vector<2000x128xf32>
    %add3A = arith.addf %get3A_3, %get3A_8 : vector<2000x128xf32>
    %get3A_9 = arith.constant 0 : index
    %get3A_10 = arith.constant 0 : index
    %get3A_11 = arith.constant 0 : index
    %get3A_12 = vector.load %arg2[%get3A_9, %get3A_10, %get3A_11] : memref<2x2000x128xf32, #tpu.memory_space<vmem>>, vector<1x2000x1xf32>
    %get3A_13 = vector.shape_cast %get3A_12 : vector<1x2000x1xf32> to vector<2000x1xf32>
    %get3A_14 = arith.constant 1 : index
    %get3A_15 = arith.constant 0 : index
    %get3A_16 = arith.constant 0 : index
    %get3A_17 = vector.load %arg2[%get3A_14, %get3A_15, %get3A_16] : memref<2x2000x128xf32, #tpu.memory_space<vmem>>, vector<1x2000x1xf32>
    %get3A_18 = vector.shape_cast %get3A_17 : vector<1x2000x1xf32> to vector<2000x1xf32>
    %add3A_19 = arith.addf %get3A_13, %get3A_18 : vector<2000x1xf32>
    %max3A = arith.constant 1.000000e+00 : f32
    %max3A_20 = vector.broadcast %max3A : f32 to vector<2000x1xf32>
    %max3A_21 = arith.maximumf %add3A_19, %max3A_20 : vector<2000x1xf32>
    %div3A = vector.broadcast %max3A_21 : vector<2000x1xf32> to vector<2000x128xf32>
    %div3A_22 = arith.divf %add3A, %div3A : vector<2000x128xf32>
    %get3A_23 = arith.constant 0 : index
    %get3A_24 = arith.constant 0 : index
    %get3A_25 = vector.load %arg3[%get3A_23, %get3A_24] : memref<2000x128xf32, #tpu.memory_space<vmem>>, vector<2000x128xf32>
    %concatenate3A = tpu.concatenate %div3A_22, %get3A_25 in 1 : vector<2000x128xf32>, vector<2000x128xf32> -> vector<2000x256xf32>
    %get3A_26 = arith.constant 0 : index
    %get3A_27 = arith.constant 0 : index
    %get3A_28 = vector.load %arg4[%get3A_26, %get3A_27] : memref<256x128xf32, #tpu.memory_space<vmem>>, vector<256x128xf32>
    %dot_general3A = arith.constant dense<0.000000e+00> : vector<2000x128xf32>
    %dot_general3A_29 = tpu.matmul %concatenate3A, %get3A_28, %dot_general3A {dimension_numbers = #tpu.dot_dimension_numbers<[1], [0], [0], [1], [0, 0, 1, 1], [], []>, transpose_lhs_hint = false} : vector<2000x256xf32>, vector<256x128xf32>, vector<2000x128xf32> -> vector<2000x128xf32>
    %get3A_30 = arith.constant 0 : index
    %get3A_31 = arith.constant 0 : index
    %get3A_32 = vector.load %arg5[%get3A_30, %get3A_31] : memref<1x128xf32, #tpu.memory_space<vmem>>, vector<1x128xf32>
    %add3A_33 = vector.broadcast %get3A_32 : vector<1x128xf32> to vector<2000x128xf32>
    %add3A_34 = arith.addf %dot_general3A_29, %add3A_33 : vector<2000x128xf32>
    %swap3A = arith.constant 0 : index
    %swap3A_35 = arith.constant 0 : index
    %swap3A_36 = vector.load %arg6[%swap3A, %swap3A_35] : memref<2000x128xf32, #tpu.memory_space<vmem>>, vector<2000x128xf32>
    tpu.vector_store %arg6[%swap3A, %swap3A_35], %add3A_34 {strides = array<i32>} : memref<2000x128xf32, #tpu.memory_space<vmem>>, vector<2000x128xf32>,
    return
  }
  func.func @transform_0(%arg0: i32) -> (i32, i32, i32) {
    %c0_i32 = arith.constant 0 : i32
    %c0_i32_0 = arith.constant 0 : i32
    %c0_i32_1 = arith.constant 0 : i32
    return %c0_i32, %arg0, %c0_i32_0 : i32, i32, i32
  }
  func.func @transform_1(%arg0: i32) -> (i32, i32, i32) {
    %c0_i32 = arith.constant 0 : i32
    %c0_i32_0 = arith.constant 0 : i32
    %c0_i32_1 = arith.constant 0 : i32
    return %c0_i32, %arg0, %c0_i32_0 : i32, i32, i32
  }
  func.func @transform_2(%arg0: i32) -> (i32, i32) {
    %c0_i32 = arith.constant 0 : i32
    %c0_i32_0 = arith.constant 0 : i32
    return %arg0, %c0_i32 : i32, i32
  }
  func.func @transform_3(%arg0: i32) -> (i32, i32) {
    %c0_i32 = arith.constant 0 : i32
    %c0_i32_0 = arith.constant 0 : i32
    %c0_i32_1 = arith.constant 0 : i32
    return %c0_i32, %c0_i32_0 : i32, i32
  }
  func.func @transform_4(%arg0: i32) -> (i32, i32) {
    %c0_i32 = arith.constant 0 : i32
    %c0_i32_0 = arith.constant 0 : i32
    %c0_i32_1 = arith.constant 0 : i32
    return %c0_i32, %c0_i32_0 : i32, i32
  }
  func.func @transform_5(%arg0: i32) -> (i32, i32) {
    %c0_i32 = arith.constant 0 : i32
    %c0_i32_0 = arith.constant 0 : i32
    return %arg0, %c0_i32 : i32, i32
  }
}

module attributes {stable_mosaic.version = 14 : i64} {
  func.func @body(%arg0: i32, %arg1: memref<2x2000x128xf32, #tpu.memory_space<vmem>>, %arg2: memref<2x2000x128xf32, #tpu.memory_space<vmem>>, %arg3: memref<2000x128xf32, #tpu.memory_space<vmem>>, %arg4: memref<256x128xf32, #tpu.memory_space<vmem>>, %arg5: memref<1x128xf32, #tpu.memory_space<vmem>>, %arg6: memref<2000x128xf32, #tpu.memory_space<vmem>>) attributes {dimension_semantics = [#tpu.dimension_semantics<arbitrary>], iteration_bounds = array<i64: 5>, scalar_prefetch = 0 : i64, scratch_operands = 0 : i64, tpu.core_type = #tpu.core_type<tc>, window_params = [{transform_indices = @transform_0, window_bounds = array<i64: 2, 2000, 128>}, {transform_indices = @transform_1, window_bounds = array<i64: 2, 2000, 128>}, {transform_indices = @transform_2, window_bounds = array<i64: 2000, 128>}, {pipeline_mode = #tpu.pipeline_mode<synchronous>, transform_indices = @transform_3, window_bounds = array<i64: 256, 128>}, {pipeline_mode = #tpu.pipeline_mode<synchronous>, transform_indices = @transform_4, window_bounds = array<i64: 1, 128>}, {transform_indices = @transform_5, window_bounds = array<i64: 2000, 128>}]} {
    %get3A = arith.constant 0 : index
    %get3A_0 = arith.constant 0 : index
    %get3A_1 = arith.constant 0 : index
    %get3A_2 = vector.load %arg1[%get3A, %get3A_0, %get3A_1] : memref<2x2000x128xf32, #tpu.memory_space<vmem>>, vector<1x2000x128xf32>
    %get3A_3 = vector.shape_cast %get3A_2 : vector<1x2000x128xf32> to vector<2000x128xf32>
    %get3A_4 = arith.constant 1 : index
    %get3A_5 = arith.constant 0 : index
    %get3A_6 = arith.constant 0 : index
    %get3A_7 = vector.load %arg1[%get3A_4, %get3A_5, %get3A_6] : memref<2x2000x128xf32, #tpu.memory_space<vmem>>, vector<1x2000x128xf32>
    %get3A_8 = vector.shape_cast %get3A_7 : vector<1x2000x128xf32> to vector<2000x128xf32>
    %add3A = arith.addf %get3A_3, %get3A_8 : vector<2000x128xf32>
    %get3A_9 = arith.constant 0 : index
    %get3A_10 = arith.constant 0 : index
    %get3A_11 = arith.constant 0 : index
    %get3A_12 = vector.load %arg2[%get3A_9, %get3A_10, %get3A_11] : memref<2x2000x128xf32, #tpu.memory_space<vmem>>, vector<1x2000x1xf32>
    %get3A_13 = vector.shape_cast %get3A_12 : vector<1x2000x1xf32> to vector<2000x1xf32>
    %get3A_14 = arith.constant 1 : index
    %get3A_15 = arith.constant 0 : index
    %get3A_16 = arith.constant 0 : index
    %get3A_17 = vector.load %arg2[%get3A_14, %get3A_15, %get3A_16] : memref<2x2000x128xf32, #tpu.memory_space<vmem>>, vector<1x2000x1xf32>
    %get3A_18 = vector.shape_cast %get3A_17 : vector<1x2000x1xf32> to vector<2000x1xf32>
    %add3A_19 = arith.addf %get3A_13, %get3A_18 : vector<2000x1xf32>
    %max3A = arith.constant 1.000000e+00 : f32
    %max3A_20 = vector.broadcast %max3A : f32 to vector<2000x1xf32>
    %max3A_21 = arith.maximumf %add3A_19, %max3A_20 : vector<2000x1xf32>
    %div3A = vector.broadcast %max3A_21 : vector<2000x1xf32> to vector<2000x128xf32>
    %div3A_22 = arith.divf %add3A, %div3A : vector<2000x128xf32>
    %get3A_23 = arith.constant 0 : index
    %get3A_24 = arith.constant 0 : index
    %get3A_25 = vector.load %arg3[%get3A_23, %get3A_24] : memref<2000x128xf32, #tpu.memory_space<vmem>>, vector<2000x128xf32>
    %concatenate3A = tpu.concatenate %div3A_22, %get3A_25 in 1 : vector<2000x128xf32>, vector<2000x128xf32> -> vector<2000x256xf32>
    %get3A_26 = arith.constant 0 : index
    %get3A_27 = arith.constant 0 : index
    %get3A_28 = vector.load %arg4[%get3A_26, %get3A_27] : memref<256x128xf32, #tpu.memory_space<vmem>>, vector<256x128xf32>
    %dot_general3A = arith.constant dense<0.000000e+00> : vector<2000x128xf32>
    %dot_general3A_29 = tpu.matmul %concatenate3A, %get3A_28, %dot_general3A {dimension_numbers = #tpu.dot_dimension_numbers<[1], [0], [0], [1], [0, 0, 1, 1], [], []>, transpose_lhs_hint = false} : vector<2000x256xf32>, vector<256x128xf32>, vector<2000x128xf32> -> vector<2000x128xf32>
    %get3A_30 = arith.constant 0 : index
    %get3A_31 = arith.constant 0 : index
    %get3A_32 = vector.load %arg5[%get3A_30, %get3A_31] : memref<1x128xf32, #tpu.memory_space<vmem>>, vector<1x128xf32>
    %add3A_33 = vector.broadcast %get3A_32 : vector<1x128xf32> to vector<2000x128xf32>
    %add3A_34 = arith.addf %dot_general3A_29, %add3A_33 : vector<2000x128xf32>
    %max3A_35 = arith.constant 0.000000e+00 : f32
    %max3A_36 = vector.broadcast %max3A_35 : f32 to vector<2000x128xf32>
    %max3A_37 = arith.maximumf %add3A_34, %max3A_36 : vector<2000x128xf32>
    %swap3A = arith.constant 0 : index
    %swap3A_38 = arith.constant 0 : index
    %swap3A_39 = vector.load %arg6[%swap3A, %swap3A_38] : memref<2000x128xf32, #tpu.memory_space<vmem>>, vector<2000x128xf32>
    tpu.vector_store %arg6[%swap3A, %swap3A_38], %max3A_37 {strides = array<i32>} : memref<2000x128xf32, #tpu.memory_space<vmem>>, vector<2000x128xf32>,
    return
  }
  func.func @transform_0(%arg0: i32) -> (i32, i32, i32) {
    %c0_i32 = arith.constant 0 : i32
    %c0_i32_0 = arith.constant 0 : i32
    %c0_i32_1 = arith.constant 0 : i32
    return %c0_i32, %arg0, %c0_i32_0 : i32, i32, i32
  }
  func.func @transform_1(%arg0: i32) -> (i32, i32, i32) {
    %c0_i32 = arith.constant 0 : i32
    %c0_i32_0 = arith.constant 0 : i32
    %c0_i32_1 = arith.constant 0 : i32
    return %c0_i32, %arg0, %c0_i32_0 : i32, i32, i32
  }
  func.func @transform_2(%arg0: i32) -> (i32, i32) {
    %c0_i32 = arith.constant 0 : i32
    %c0_i32_0 = arith.constant 0 : i32
    return %arg0, %c0_i32 : i32, i32
  }
  func.func @transform_3(%arg0: i32) -> (i32, i32) {
    %c0_i32 = arith.constant 0 : i32
    %c0_i32_0 = arith.constant 0 : i32
    %c0_i32_1 = arith.constant 0 : i32
    return %c0_i32, %c0_i32_0 : i32, i32
  }
  func.func @transform_4(%arg0: i32) -> (i32, i32) {
    %c0_i32 = arith.constant 0 : i32
    %c0_i32_0 = arith.constant 0 : i32
    %c0_i32_1 = arith.constant 0 : i32
    return %c0_i32, %c0_i32_0 : i32, i32
  }
  func.func @transform_5(%arg0: i32) -> (i32, i32) {
    %c0_i32 = arith.constant 0 : i32
    %c0_i32_0 = arith.constant 0 : i32
    return %arg0, %c0_i32 : i32, i32
  }
}

</mosaic_0001>

<sc_bundles>
// kernel: kernel.10.cloned.1.call-start
scs
__scs_entry_jumppad:
0x0: {  	(pc) =	sbr.rel $0x88, $3  }
0x1: {  	(tag) =	ssettag $0x0;
	lr =	simm.s32 $0x1  }
0x2: {  	[smem:$0x3F99] =	sst lr;
	_ =	strace $0xD0000000  }
0x3: {  	_ = 	snop  }
0x4: {  	_ = 	snop  }
0x5: {  	_ = 	snop  }
0x6: {  	_ = 	snop  }
0x7: {  	_ = 	snop  }
__scs_overlays_trampoline_lowered:
0x8: {  	[smem:$0x3FA8] =	sst s0  }
0x9: {  	[smem:$0x3FA9] =	sst s1  }
0xa: {  	[smem:$0x3FAA] =	sst s2  }
0xb: {  	[smem:$0x3FAB] =	sst s3  }
0xc: {  	[smem:$0x3FAC] =	sst s4  }
0xd: {  	[smem:$0x3FAD] =	sst s5  }
0xe: {  	[smem:$0x3FAE] =	sst s6  }
0xf: {  	[smem:$0x3FAF] =	sst s7  }
0x10: {  	[smem:$0x3FB0] =	sst s8  }
0x11: {  	[smem:$0x3FB1] =	sst s9;
	s0 =	simm.s32 @!p0 $0x0  }
0x12: {  	s1 =	sld [smem:$0x3F97];
	s0 =	simm.s32 @p0 $0x1  }
0x13: {  	[smem:$0x3FB2] =	sst s0;
	s0 =	simm.s32 @!p1 $0x0  }
0x14: {  	s2 =	sld [smem:$0x3F96];
	s0 =	simm.s32 @p1 $0x1  }
0x15: {  	[smem:$0x3FB3] =	sst s0;
	s0 =	simm.s32 @!p2 $0x0  }
0x16: {  	s3 =	sld [smem:$0x3FDB];
	s0 =	simm.s32 @p2 $0x1  }
0x17: {  	s4 =	simm.s32 $0x1BF5;
	[smem:$0x3FB5] =	sst s0  }
0x18: {  	s0 =	sld [smem:$0x3F98];
	_ =	swait.ge [sflag:s4], $0x0  }
0x19: {  	s7 =	sld [smem:$0x3F99]  }
0x1a: {  	s8 =	sadd.s32 $0xFFFFE003, lr  }
0x1b: {  	s9 =	sadd.s32 $0xFFFFFEF7, lr;
	s5 =	simm.s32 $0xFFFFFFFF;
	p2 =	slt.u32 s8, $0xFFFFF086  }
0x1c: {  	p1 =	slt.u32 s9, $0xF7A;
	s5 =	simm.s32 @!p2 $0x0  }
0x1d: {  	s5 =	simm.s32 @p1 $0x1;
	p0 =	seq.s32 s7, s2  }
0x1e: {  	s7 =	smul.u32 @!p0 $0xF7A, s2;
	p2 =	seq.s32 @!p0 s5, $0x0  }
0x1f: {  	s9 =	smul.u32 $0xF7A, s1;
	s8 =	simm.s32 @!p0 $0x1BF5;
	p2 =	por !p2, p0  }
0x20: {  	[sflag:s8] =	ssyncset.s32 @!p0 $0xFFFFF086;
	s6 =	sadd.s32 @!p0 s3, s7;
	s7 =	simm.s32 @!p0 $0x108  }
0x21: {  	s3 =	sadd.s32 s3, s9;
	s6 =	sadd.s32 @!p0 $0x88, s6;
	s7 =	simm.s32 @p2 $0x1082  }
0x22: {  	[simem:s7], [sflag:s8] =	dma.local @!p0 [hbm:s6], $0xF7A  }
0x23: {  	s9 =	sor.u32 $0xD0000000, s2;
	s6 =	simm.s32 $0x108;
	_ =	swait.ge @!p0 [sflag:s8], $0x0  }
0x24: {  	s3 =	sadd.s32 $0x88, s3;
	s6 =	simm.s32 @!p1 $0x1082;
	[sflag:s4] =	ssyncset.s32 $0xFFFFF086  }
0x25: {  	[simem:s6], [sflag:s4] =	dma.local [hbm:s3], $0xF7A  }
0x26: {  	[smem:$0x3F99] =	sst s1;
	(tag) =	ssettag s2;
	_ =	strace s9  }
0x27: {  	s1 =	sld [smem:$0x3FA9]  }
0x28: {  	s2 =	sld [smem:$0x3FAA]  }
0x29: {  	s4 =	sld [smem:$0x3FAC]  }
0x2a: {  	p0 =	seq.s32 s5, $0x0;
	s5 =	sld [smem:$0x3FAD]  }
0x2b: {  	s6 =	sld [smem:$0x3FAE]  }
0x2c: {  	s7 =	sld [smem:$0x3FAF]  }
0x2d: {  	s3 =	simm.s32 $0x108;
	s8 =	sld [smem:$0x3FB0]  }
0x2e: {  	s3 =	simm.s32 @!p0 $0x1082;
	s9 =	sld [smem:$0x3FB1]  }
0x2f: {  	lr =	sadd.s32 s0, s3;
	s0 =	sld [smem:$0x3FA8]  }
0x30: {  	s3 =	sld [smem:$0x3FAB]  }
0x31: {  	[smem:$0x3FB4] =	sst s10  }
0x32: {  	s10 =	sld [smem:$0x3FB2];
	_ =	sdelay $0x3  }
0x33: {  	p0 =	seq.s32 s10, $0x1;
	s10 =	sld [smem:$0x3FB4];
	_ =	sdelay $0x3  }
0x34: {  	[smem:$0x3FB4] =	sst s10  }
0x35: {  	s10 =	sld [smem:$0x3FB3];
	_ =	sdelay $0x3  }
0x36: {  	p1 =	seq.s32 s10, $0x1;
	s10 =	sld [smem:$0x3FB4];
	_ =	sdelay $0x3  }
0x37: {  	[smem:$0x3FB4] =	sst s10  }
0x38: {  	s10 =	sld [smem:$0x3FB5]  }
0x39: {  	_ = 	snop;
	(pc) =	sbr.ind lr, $3  }
0x3a: {  	_ = 	snop  }
0x3b: {  	_ = 	snop  }
0x3c: {  	p2 =	seq.s32 s10, $0x1;
	s10 =	sld [smem:$0x3FB4]  }
0x3d: {  	_ =	shalt  }
0x3e: {  	_ =	shalt  }
0x3f: {  	_ =	shalt  }
0x40: {  	_ =	shalt  }
0x41: {  	_ =	shalt  }
0x42: {  	_ =	shalt  }
0x43: {  	_ =	shalt  }
0x44: {  	_ =	shalt  }
0x45: {  	_ =	shalt  }
0x46: {  	_ =	shalt  }
0x47: {  	_ =	shalt  }
0x48: {  	_ =	shalt  }
0x49: {  	_ =	shalt  }
0x4a: {  	_ =	shalt  }
0x4b: {  	_ =	shalt  }
0x4c: {  	_ =	shalt  }
0x4d: {  	_ =	shalt  }
0x4e: {  	_ =	shalt  }
0x4f: {  	_ =	shalt  }
0x50: {  	_ =	shalt  }
0x51: {  	_ =	shalt  }
0x52: {  	_ =	shalt  }
0x53: {  	_ =	shalt  }
0x54: {  	_ =	shalt  }
0x55: {  	_ =	shalt  }
0x56: {  	_ =	shalt  }
0x57: {  	_ =	shalt  }
0x58: {  	_ =	shalt  }
0x59: {  	_ =	shalt  }
0x5a: {  	_ =	shalt  }
0x5b: {  	_ =	shalt  }
0x5c: {  	_ =	shalt  }
0x5d: {  	_ =	shalt  }
0x5e: {  	_ =	shalt  }
0x5f: {  	_ =	shalt  }
0x60: {  	_ =	shalt  }
0x61: {  	_ =	shalt  }
0x62: {  	_ =	shalt  }
0x63: {  	_ =	shalt  }
0x64: {  	_ =	shalt  }
0x65: {  	_ =	shalt  }
0x66: {  	_ =	shalt  }
0x67: {  	_ =	shalt  }
0x68: {  	_ =	shalt  }
0x69: {  	_ =	shalt  }
0x6a: {  	_ =	shalt  }
0x6b: {  	_ =	shalt  }
0x6c: {  	_ =	shalt  }
0x6d: {  	_ =	shalt  }
0x6e: {  	_ =	shalt  }
0x6f: {  	_ =	shalt  }
0x70: {  	_ =	shalt  }
0x71: {  	_ =	shalt  }
0x72: {  	_ =	shalt  }
0x73: {  	_ =	shalt  }
0x74: {  	_ =	shalt  }
0x75: {  	_ =	shalt  }
0x76: {  	_ =	shalt  }
0x77: {  	_ =	shalt  }
0x78: {  	_ =	shalt  }
0x79: {  	_ =	shalt  }
0x7a: {  	_ =	shalt  }
0x7b: {  	_ =	shalt  }
0x7c: {  	_ =	shalt  }
0x7d: {  	_ =	shalt  }
0x7e: {  	_ =	shalt  }
0x7f: {  	_ =	shalt  }
0x80: {  	_ =	shalt  }
0x81: {  	_ =	shalt  }
0x82: {  	_ =	shalt  }
0x83: {  	_ =	shalt  }
0x84: {  	_ =	shalt  }
0x85: {  	_ =	shalt  }
0x86: {  	_ =	shalt  }
0x87: {  	_ =	shalt  }
.Lfunc_end0:
.L_simem_size_0:
called_computation.1_lowered:
.L_overlay_start_0:
0x88: {  	s2 =	sld [smem:$0x3FD9]  }
0x89: {  	s3 =	sld [smem:$0x3FFE];
	_ =	sdelay $0x1  }
0x8a: {  	s1 =	srdreg.scid  }
0x8b: {  	s0 =	sand.u32 $0x1, s1  }
0x8c: {  	s17 =	sshll.u32 s0, $0xA;
	s2 =	sadd.s32 s3, s2  }
0x8d: {  	s2 =	sadd.s32 s2, s17  }
0x8e: {  	[smem:$0x3FC0] =	sst s2  }
0x8f: {  	_ = 	snop  }
0x90: {  	s2 =	sld [smem:$0x3FC9];
	(tm) =	ssettm $0x1  }
0x91: {  	s18 =	sld [smem:$0x3FFB];
	_ =	sdelay $0x3  }
0x92: {  	_ =	strace s18  }
0x93: {  	s3 =	sld [smem:$0x3FFC];
	_ =	sdelay $0x3  }
0x94: {  	_ =	strace s3  }
0x95: {  	s3 =	sld [smem:$0x3FFD];
	_ =	sdelay $0x3  }
0x96: {  	_ =	strace s3  }
0x97: {  	_ =	strace $0x8FFFFFFF  }
0x98: {  	s19 =	sld [smem:$0x3FDB];
	_ =	sdelay $0x1  }
0x99: {  	s4 =	simm.s32 $_scs_section_size  }
0x9a: {  	s5 =	simm.s32 $_size__tile_overlayer_lowered;
	s6 =	simm.s32 $_tile_overlayer_lowered  }
0x9b: {  	s22 =	simm.s32 $0x1BFF;
	s21 =	sshll.u32 s6, $0x1;
	s3 =	sadd.s32 s4, s19  }
0x9c: {  	s7 =	simm.s32 $0x0;
	s20 =	sshll.u32 s5, $0x1;
	s5 =	sadd.s32 s21, s3  }
0x9d: {  	[timem:s7], [sflag:s22] =	dma.local [hbm:s5], s20  }
0x9e: {  	_ =	swait.ge [sflag:s22], s20  }
0x9f: {  	s4 =	ssub.s32 $0x0, s20;
	[sflag:s22] =	ssyncset.done $0x0  }
0xa0: {  	[sflag:s22] =	ssyncadd.s32 s4;
	_ =	sdelay $0x1  }
0xa1: {  	s23 =	simm.s32 $0x1B8B  }
0xa2: {  	_ =	swait.ge [sflag:s23], $0x1  }
0xa3: {  	[sflag:s23] =	ssyncset.done $0x0  }
0xa4: {  	s25 =	simm.s32 $0x1B8E;
	s24 =	sld [smem:$0x3FFE];
	[sflag:s23] =	ssyncadd.s32 $0xFFFFFFFF  }
0xa5: {  	s26 =	simm.s32 $execute0_lowered;
	[smem:$0x3FD2] =	sst s25  }
0xa6: {  	s5 =	sshll.u32 s26, $0x1;
	_ =	strace $0x80000046;
	[dreg:$0x1] =	wrdreg $0xFFFFFFFF  }
0xa7: {  	s28 =	simm.s32 $_size_execute0_lowered;
	s3 =	sadd.s32 s3, s5;
	[dreg:$0x0] =	wrdreg $0x0  }
0xa8: {  	s5 =	sshll.u32 s28, $0x1;
	[dreg:$0x2] =	wrdreg s3  }
0xa9: {  	[dreg:$0x3] =	wrdreg s5  }
0xaa: {  	[dreg:$0x4] =	wrdreg $0xC0  }
0xab: {  	_ =	task [dreg:s7], $0x5FFFF  }
0xac: {  	[dreg:$0x1] =	wrdreg $0xFFFFFFFF  }
0xad: {  	[dreg:$0x0] =	wrdreg $0x60  }
0xae: {  	[dreg:$0x2] =	wrdreg s2  }
0xaf: {  	[dreg:$0x3] =	wrdreg s24  }
0xb0: {  	[dreg:$0x4] =	wrdreg $0x0  }
0xb1: {  	[dreg:$0x5] =	wrdreg $0xA  }
0xb2: {  	_ =	task.clear_ibuf [dreg:s7], $0x6FFFF;
	_ =	strace $0x90000046  }
0xb3: {  	s29 =	simm.s32 $0xA;
	_ =	strace $0x80000048  }
0xb4: {  	_ =	swait.ge [sflag:s29], $0x1  }
0xb5: {  	[sflag:s29] =	ssyncadd.s32 $0xFFFFFFFF  }
0xb6: {  	_ =	strace $0x90000048  }
0xb7: {  	_ =	sfence  }
0xb8: {  	s30 =	sld [smem:$0x0];
	_ =	sdelay $0x2  }
0xb9: {  	s31 =	sshll.u32 s1, $0xD;
	s1 =	sshrl.u32 s1, $0x2  }
0xba: {  	s3 =	sand.u32 $0x4000, s31;
	s1 =	sadd.s32 s1, s30  }
0xbb: {  	s0 =	sor.u32 s3, s0;
	s1 =	sshll.u32 s1, $0x11  }
0xbc: {  	s0 =	sor.u32 s1, s0  }
0xbd: {  	s0 =	sadd.s32 $0x8F2B, s0  }
0xbe: {  	[sflag:s0] =	ssyncadd.remote.s32 $0x1  }
0xbf: {  	_ =	sfence.sel $0xFFFF  }
0xc0: {  	[dreg:$0x0] =	wrdreg $0xFFFFFFFF;
	(pc) =	sbr.abs _section_cstart, $3  }
0xc1: {  	[dreg:$0x1] =	wrdreg $0xFFFFFFFF  }
0xc2: {  	_ =	task.clear_ibuf [dreg:s7], $0x2FFFF;
	_ =	strace $0x9FFFFFFF  }
0xc3: {  	(tm) =	ssettm $0x7FFFFFFF  }
tec
execute0_lowered:
.L_overlay_start_1:
0x0: {  	(tag) =	ssettag $0x1  }
0x1: {  	s1 =	rddreg [dreg:$0x0]  }
0x2: {  	s6 =	rddreg [dreg:$0x1];
	s0 =	stileid.u32  }
0x3: {  	s2 =	srdreg.scid;
	s3 =	rddreg [dreg:$0x2]  }
0x4: {  	s20 =	simm.s32 $0x13D00;
	s21 =	simm.s32 $0x2;
	s4 =	smul.u32 $0x3E, s0  }
0x5: {  	s22 =	simm.s32 $0x13C00;
	s23 =	simm.s32 $0x13C80;
	s5 =	smul.u32 $0x60, s0  }
0x6: {  	s24 =	simm.s32 $0x80;
	s25 =	simm.s32 $0x1;
	s9 =	smul.u32 $0x278, s0  }
0x7: {  	s26 =	simm.s32 $0x0;
	s7 =	sand.u32 $0x1, s2;
	s10 =	smul.u32 $0x4F000, s0  }
0x8: {  	s2 =	rddreg [dreg:$0x3];
	p0 =	seq.s32 s7, $0x0;
	s30 =	smul.u32 $0x2780, s7  }
0x9: {  	s7 =	ssub.s32 $0x2, s7;
	s8 =	sadd.s32 $0x600, s4;
	s4 =	simm.s32 $0x0  }
0xa: {  	s31 =	sshrl.u32 s7, $0x1;
	s10 =	sshrl.u32 s10, $0x2;
	s8 =	smov.u32 @p0 s5  }
0xb: {  	[smem:$0x7FF] =	sst s4;
	s17 =	ssub.s32 s7, s31;
	s5 =	sshll.u32 s8, $0x4  }
0xc: {  	_ =	strace $0x80000047;
	s8 =	sadd.s32 s9, s30;
	s9 =	simm.s32 $0x60  }
0xd: {  	s17 =	smax.u32 s17, $0x1;
	s19 =	sadd.s32 s5, s6;
	s8 =	sshll.u32 s8, $0x4  }
0xe: {  	s5 =	sadd.s32 $0x15C00, s6;
	s9 =	simm.s32 @!p0 $0x3E;
	s16 =	sadd.s32 s8, s6  }
0xf: {  	s6 =	sadd.s32 s10, s3;
	s18 =	sadd.s32 $0x2000, s19;
	s19 =	sadd.s32 $0xBE00, s19  }
0x10: {  	s7 =	sadd.s32 $0x4000, s6;
	s8 =	sadd.s32 $0x8000, s6;
	s10 =	sadd.s32 $0xC000, s6  }
0x11: {  	s11 =	sadd.s32 $0x10000, s6;
	s12 =	sadd.s32 $0x3D400, s16;
	s13 =	sadd.s32 $0x3DC00, s16  }
0x12: {  	s14 =	sadd.s32 $0x3E400, s16;
	s15 =	sadd.s32 $0x3EC00, s16;
	s16 =	sadd.s32 $0x3F400, s16  }
.LBB2_1:
0x13: {  	[tilespmem:s20], [sflag:$0x2] =	stream.linear.gather [hbm4b:s5+s4], $0x4000, $0x38;
	[tilespmem:$0x17D00] =	vst v63  }
0x14: {  	_ =	swait.ge [sflag:s21], $0x4000  }
0x15: {  	[sflag:s21] =	ssyncset.done $0x0  }
0x16: {  	[sflag:s21] =	ssyncadd.s32 $0xFFFFC000  }
0x17: {  	[spmem:s6] =	stream.linear.scatter [tilespmem:s20], [sflag:$0x2], $0x4000, $0x38;
	[tilespmem:$0x17D00] =	vst v63  }
0x18: {  	_ =	swait.ge [sflag:s21], $0x4000  }
0x19: {  	[sflag:s21] =	ssyncset.done $0x0  }
0x1a: {  	[sflag:s21] =	ssyncadd.s32 $0xFFFFC000  }
0x1b: {  	[spmem:s7] =	stream.linear.scatter [tilespmem:s20], [sflag:$0x2], $0x4000, $0x38;
	[tilespmem:$0x17D00] =	vst v63  }
0x1c: {  	_ =	swait.ge [sflag:s21], $0x4000  }
0x1d: {  	[sflag:s21] =	ssyncset.done $0x0  }
0x1e: {  	[sflag:s21] =	ssyncadd.s32 $0xFFFFC000  }
0x1f: {  	[spmem:s8] =	stream.linear.scatter [tilespmem:s20], [sflag:$0x2], $0x4000, $0x38;
	[tilespmem:$0x17D00] =	vst v63  }
0x20: {  	_ =	swait.ge [sflag:s21], $0x4000  }
0x21: {  	[sflag:s21] =	ssyncset.done $0x0  }
0x22: {  	[sflag:s21] =	ssyncadd.s32 $0xFFFFC000  }
0x23: {  	[spmem:s10] =	stream.linear.scatter [tilespmem:s20], [sflag:$0x2], $0x4000, $0x38;
	[tilespmem:$0x17D00] =	vst v63  }
0x24: {  	_ =	swait.ge [sflag:s21], $0x4000  }
0x25: {  	[sflag:s21] =	ssyncset.done $0x0  }
0x26: {  	[sflag:s21] =	ssyncadd.s32 $0xFFFFC000  }
0x27: {  	[spmem:s11] =	stream.linear.scatter [tilespmem:s20], [sflag:$0x2], $0x3C00, $0x38;
	[tilespmem:$0x17D00] =	vst v63  }
0x28: {  	_ =	swait.ge [sflag:s21], $0x3C00  }
0x29: {  	[sflag:s21] =	ssyncset.done $0x0  }
0x2a: {  	[sflag:s21] =	ssyncadd.s32 $0xFFFFC400  }
0x2b: {  	[bflag:$0x0] =	sbarrier.arrive $0xFFFF  }
0x2c: {  	[tilespmem:s22], [sflag:$0x2] =	stream.linear.gather [hbm4b:s19+s4], $0x80, $0x38;
	[tilespmem:$0x17D00] =	vst v63  }
0x2d: {  	_ =	swait.ge [sflag:s21], $0x80  }
0x2e: {  	[sflag:s21] =	ssyncset.done $0x0  }
0x2f: {  	[sflag:s21] =	ssyncadd.s32 $0xFFFFFF80  }
0x30: {  	[tilespmem:s23], [sflag:$0x2] =	stream.linear.gather [hbm4b:s18+s4], $0x80, $0x38;
	[tilespmem:$0x17D00] =	vst v63  }
0x31: {  	_ =	swait.ge [sflag:s21], $0x80  }
0x32: {  	[sflag:s21] =	ssyncset.done $0x0  }
0x33: {  	[sflag:s21] =	ssyncadd.s32 $0xFFFFFF80  }
0x34: {  	[tilespmem:s20], [sflag:$0x1] =	stream.indirect.gather [hbm4b:s1+s24], $0x80, s22, s24, $0xb8;
	[tilespmem:$0x17D00] =	vst v63  }
0x35: {  	p0 =	sne.s32 s9, $0x1;
	_ =	swait.ge [sflag:s25], $0x4000  }
.Ltmp0:
0x36: {  	[sflag:s25] =	ssyncset.done $0x0;
	(pc) =	sbr.rel @!p0 .LBB2_3-.Ltmp0, $4  }
0x37: {  	[sflag:s25] =	ssyncadd.s32 $0xFFFFC000  }
0x38: {  	[spmem:s3] =	stream.indirect.scatter.add.f32 [tilespmem:s20], [sflag:$0x2], $0x80, s23, s24, $0xb8;
	[tilespmem:$0x17D00] =	vst v63  }
0x39: {  	s28 =	sadd.s32 $0xFFFFFFFF, s9;
	_ =	swait.ge [sflag:s21], $0x4000  }
0x3a: {  	s29 =	smov.u32 s18;
	s30 =	smov.u32 s19;
	[sflag:s21] =	ssyncset.done $0x0  }
.LBB2_2:
0x3b: {  	[sflag:s21] =	ssyncadd.s32 $0xFFFFC000;
	s29 =	sadd.s32 $0x10, s29;
	s30 =	sadd.s32 $0x10, s30  }
0x3c: {  	[tilespmem:s22], [sflag:$0x2] =	stream.linear.gather [hbm4b:s30+s4], $0x80, $0x38;
	[tilespmem:$0x17D00] =	vst v63  }
0x3d: {  	p0 =	sne.s32 s28, $0x1;
	s28 =	sadd.s32 $0xFFFFFFFF, s28;
	_ =	swait.ge [sflag:s21], $0x80  }
0x3e: {  	[sflag:s21] =	ssyncset.done $0x0  }
0x3f: {  	[sflag:s21] =	ssyncadd.s32 $0xFFFFFF80  }
0x40: {  	[tilespmem:s23], [sflag:$0x2] =	stream.linear.gather [hbm4b:s29+s4], $0x80, $0x38;
	[tilespmem:$0x17D00] =	vst v63  }
0x41: {  	_ =	swait.ge [sflag:s21], $0x80  }
0x42: {  	[sflag:s21] =	ssyncset.done $0x0  }
0x43: {  	[sflag:s21] =	ssyncadd.s32 $0xFFFFFF80  }
0x44: {  	[tilespmem:s20], [sflag:$0x1] =	stream.indirect.gather [hbm4b:s1+s24], $0x80, s22, s24, $0xb8;
	[tilespmem:$0x17D00] =	vst v63  }
0x45: {  	_ =	swait.ge [sflag:s25], $0x4000  }
.Ltmp1:
0x46: {  	[sflag:s25] =	ssyncset.done $0x0;
	(pc) =	sbr.rel @p0 .LBB2_2-.Ltmp1, $4  }
0x47: {  	[sflag:s25] =	ssyncadd.s32 $0xFFFFC000  }
0x48: {  	[spmem:s3] =	stream.indirect.scatter.add.f32 [tilespmem:s20], [sflag:$0x2], $0x80, s23, s24, $0xb8;
	[tilespmem:$0x17D00] =	vst v63  }
0x49: {  	_ =	swait.ge [sflag:s21], $0x4000  }
0x4a: {  	[sflag:s21] =	ssyncset.done $0x0  }
.LBB2_3:
0x4b: {  	[sflag:s21] =	ssyncadd.s32 $0xFFFFC000  }
0x4c: {  	[bflag:$0x0] =	sbarrier.arrive $0xFFFF  }
0x4d: {  	[tilespmem:s20], [sflag:$0x2] =	stream.linear.gather [spmem:s6], $0x4000, $0x38;
	[tilespmem:$0x17D00] =	vst v63  }
0x4e: {  	_ =	swait.ge [sflag:s21], $0x4000  }
0x4f: {  	[sflag:s21] =	ssyncset.done $0x0  }
0x50: {  	[sflag:s21] =	ssyncadd.s32 $0xFFFFC000  }
0x51: {  	[hbm4b:s12+s4] =	stream.linear.scatter [tilespmem:s20], [sflag:$0x2], $0x4000, $0x38;
	[tilespmem:$0x17D00] =	vst v63  }
0x52: {  	_ =	swait.ge [sflag:s21], $0x4000  }
0x53: {  	[sflag:s21] =	ssyncset.done $0x0  }
0x54: {  	[sflag:s21] =	ssyncadd.s32 $0xFFFFC000  }
0x55: {  	[tilespmem:s20], [sflag:$0x2] =	stream.linear.gather [spmem:s7], $0x4000, $0x38;
	[tilespmem:$0x17D00] =	vst v63  }
0x56: {  	_ =	swait.ge [sflag:s21], $0x4000  }
0x57: {  	[sflag:s21] =	ssyncset.done $0x0  }
0x58: {  	[sflag:s21] =	ssyncadd.s32 $0xFFFFC000  }
0x59: {  	[hbm4b:s13+s4] =	stream.linear.scatter [tilespmem:s20], [sflag:$0x2], $0x4000, $0x38;
	[tilespmem:$0x17D00] =	vst v63  }
0x5a: {  	_ =	swait.ge [sflag:s21], $0x4000  }
0x5b: {  	[sflag:s21] =	ssyncset.done $0x0  }
0x5c: {  	[sflag:s21] =	ssyncadd.s32 $0xFFFFC000  }
0x5d: {  	[tilespmem:s20], [sflag:$0x2] =	stream.linear.gather [spmem:s8], $0x4000, $0x38;
	[tilespmem:$0x17D00] =	vst v63  }
0x5e: {  	_ =	swait.ge [sflag:s21], $0x4000  }
0x5f: {  	[sflag:s21] =	ssyncset.done $0x0  }
0x60: {  	[sflag:s21] =	ssyncadd.s32 $0xFFFFC000  }
0x61: {  	[hbm4b:s14+s4] =	stream.linear.scatter [tilespmem:s20], [sflag:$0x2], $0x4000, $0x38;
	[tilespmem:$0x17D00] =	vst v63  }
0x62: {  	_ =	swait.ge [sflag:s21], $0x4000  }
0x63: {  	[sflag:s21] =	ssyncset.done $0x0  }
0x64: {  	[sflag:s21] =	ssyncadd.s32 $0xFFFFC000  }
0x65: {  	[tilespmem:s20], [sflag:$0x2] =	stream.linear.gather [spmem:s10], $0x4000, $0x38;
	[tilespmem:$0x17D00] =	vst v63  }
0x66: {  	_ =	swait.ge [sflag:s21], $0x4000  }
0x67: {  	[sflag:s21] =	ssyncset.done $0x0  }
0x68: {  	[sflag:s21] =	ssyncadd.s32 $0xFFFFC000  }
0x69: {  	[hbm4b:s15+s4] =	stream.linear.scatter [tilespmem:s20], [sflag:$0x2], $0x4000, $0x38;
	[tilespmem:$0x17D00] =	vst v63  }
0x6a: {  	_ =	swait.ge [sflag:s21], $0x4000  }
0x6b: {  	[sflag:s21] =	ssyncset.done $0x0  }
0x6c: {  	[sflag:s21] =	ssyncadd.s32 $0xFFFFC000  }
0x6d: {  	[tilespmem:s20], [sflag:$0x2] =	stream.linear.gather [spmem:s11], $0x3C00, $0x38;
	[tilespmem:$0x17D00] =	vst v63  }
0x6e: {  	s26 =	sadd.s32 $0x1, s26;
	_ =	swait.ge [sflag:s21], $0x3C00  }
0x6f: {  	p0 =	sne.s32 s26, s17;
	[sflag:s21] =	ssyncset.done $0x0  }
.Ltmp2:
0x70: {  	[sflag:s21] =	ssyncadd.s32 $0xFFFFC400;
	(pc) =	sbr.rel @p0 .LBB2_1-.Ltmp2, $4  }
0x71: {  	[hbm4b:s16+s4] =	stream.linear.scatter [tilespmem:s20], [sflag:$0x2], $0x3C00, $0x38;
	[tilespmem:$0x17D00] =	vst v63  }
0x72: {  	_ =	swait.ge [sflag:s21], $0x3C00  }
0x73: {  	[sflag:s21] =	ssyncset.done $0x0  }
0x74: {  	[sflag:s21] =	ssyncadd.s32 $0xFFFFC400  }
0x75: {  	_ =	sfence.sel $0x180000  }
0x76: {  	[bflag:$0x0] =	sbarrier.arrive $0xFFFF  }
0x77: {  	p0 =	sne.s32 s0, $0x0;
	_ =	strace $0x90000047  }
0x78: {  	s0 =	sadd.s32 @!p0 $0x100000, s2;
	[bflag:$0x2] =	sbarrier.arrive $0xFFFF  }
0x79: {  	[sflag:s0] =	ssyncadd.tile.s32 @!p0 $0x1;
	_ =	shalt  }
.Lfunc_end2:
_tile_overlayer_lowered:
.L_overlay_start_2:
0x7a: {  	(tag) =	ssettag $0x2  }
0x7b: {  	s0 =	rddreg [dreg:$0x0];
	s2 =	stileid.u32  }
0x7c: {  	s1 =	rddreg [dreg:$0x1];
	p0 =	sne.s32 s2, $0x0  }
0x7d: {  	s3 =	rddreg [dreg:$0x2];
	[bflag:$0x3] =	sbarrier.arrive $0xFFFF;
	s2 =	simm.s32 @!p0 $0x1C02  }
0x7e: {  	[timem:s3], [sflag:s2] =	dma.local @!p0 [hbm:s0], s1  }
0x7f: {  	s0 =	simm.s32 @!p0 $0x2  }
0x80: {  	_ =	swait.ge @!p0 [sflag:s0], s1  }
0x81: {  	s1 =	ssub.s32 @!p0 $0x0, s1;
	[sflag:s0] =	ssyncset.done @!p0 $0x0  }
0x82: {  	[sflag:s0] =	ssyncadd.s32 @!p0 s1  }
0x83: {  	[bflag:$0x3] =	sbarrier.arrive $0xFFFF  }
0x84: {  	_ =	shalt  }

// kernel: kernel.13.cloned.1.call-start
scs
__scs_entry_jumppad:
0x0: {  	(pc) =	sbr.rel $0x88, $3  }
0x1: {  	(tag) =	ssettag $0x0;
	lr =	simm.s32 $0x1  }
0x2: {  	[smem:$0x3F99] =	sst lr;
	_ =	strace $0xD0000000  }
0x3: {  	_ = 	snop  }
0x4: {  	_ = 	snop  }
0x5: {  	_ = 	snop  }
0x6: {  	_ = 	snop  }
0x7: {  	_ = 	snop  }
__scs_overlays_trampoline_lowered:
0x8: {  	[smem:$0x3FA8] =	sst s0  }
0x9: {  	[smem:$0x3FA9] =	sst s1  }
0xa: {  	[smem:$0x3FAA] =	sst s2  }
0xb: {  	[smem:$0x3FAB] =	sst s3  }
0xc: {  	[smem:$0x3FAC] =	sst s4  }
0xd: {  	[smem:$0x3FAD] =	sst s5  }
0xe: {  	[smem:$0x3FAE] =	sst s6  }
0xf: {  	[smem:$0x3FAF] =	sst s7  }
0x10: {  	[smem:$0x3FB0] =	sst s8  }
0x11: {  	[smem:$0x3FB1] =	sst s9;
	s0 =	simm.s32 @!p0 $0x0  }
0x12: {  	s1 =	sld [smem:$0x3F97];
	s0 =	simm.s32 @p0 $0x1  }
0x13: {  	[smem:$0x3FB2] =	sst s0;
	s0 =	simm.s32 @!p1 $0x0  }
0x14: {  	s2 =	sld [smem:$0x3F96];
	s0 =	simm.s32 @p1 $0x1  }
0x15: {  	[smem:$0x3FB3] =	sst s0;
	s0 =	simm.s32 @!p2 $0x0  }
0x16: {  	s3 =	sld [smem:$0x3FDB];
	s0 =	simm.s32 @p2 $0x1  }
0x17: {  	s4 =	simm.s32 $0x1BF5;
	[smem:$0x3FB5] =	sst s0  }
0x18: {  	s0 =	sld [smem:$0x3F98];
	_ =	swait.ge [sflag:s4], $0x0  }
0x19: {  	s7 =	sld [smem:$0x3F99]  }
0x1a: {  	s8 =	sadd.s32 $0xFFFFE003, lr  }
0x1b: {  	s9 =	sadd.s32 $0xFFFFFEF7, lr;
	s5 =	simm.s32 $0xFFFFFFFF;
	p2 =	slt.u32 s8, $0xFFFFF086  }
0x1c: {  	p1 =	slt.u32 s9, $0xF7A;
	s5 =	simm.s32 @!p2 $0x0  }
0x1d: {  	s5 =	simm.s32 @p1 $0x1;
	p0 =	seq.s32 s7, s2  }
0x1e: {  	s7 =	smul.u32 @!p0 $0xF7A, s2;
	p2 =	seq.s32 @!p0 s5, $0x0  }
0x1f: {  	s9 =	smul.u32 $0xF7A, s1;
	s8 =	simm.s32 @!p0 $0x1BF5;
	p2 =	por !p2, p0  }
0x20: {  	[sflag:s8] =	ssyncset.s32 @!p0 $0xFFFFF086;
	s6 =	sadd.s32 @!p0 s3, s7;
	s7 =	simm.s32 @!p0 $0x108  }
0x21: {  	s3 =	sadd.s32 s3, s9;
	s6 =	sadd.s32 @!p0 $0x88, s6;
	s7 =	simm.s32 @p2 $0x1082  }
0x22: {  	[simem:s7], [sflag:s8] =	dma.local @!p0 [hbm:s6], $0xF7A  }
0x23: {  	s9 =	sor.u32 $0xD0000000, s2;
	s6 =	simm.s32 $0x108;
	_ =	swait.ge @!p0 [sflag:s8], $0x0  }
0x24: {  	s3 =	sadd.s32 $0x88, s3;
	s6 =	simm.s32 @!p1 $0x1082;
	[sflag:s4] =	ssyncset.s32 $0xFFFFF086  }
0x25: {  	[simem:s6], [sflag:s4] =	dma.local [hbm:s3], $0xF7A  }
0x26: {  	[smem:$0x3F99] =	sst s1;
	(tag) =	ssettag s2;
	_ =	strace s9  }
0x27: {  	s1 =	sld [smem:$0x3FA9]  }
0x28: {  	s2 =	sld [smem:$0x3FAA]  }
0x29: {  	s4 =	sld [smem:$0x3FAC]  }
0x2a: {  	p0 =	seq.s32 s5, $0x0;
	s5 =	sld [smem:$0x3FAD]  }
0x2b: {  	s6 =	sld [smem:$0x3FAE]  }
0x2c: {  	s7 =	sld [smem:$0x3FAF]  }
0x2d: {  	s3 =	simm.s32 $0x108;
	s8 =	sld [smem:$0x3FB0]  }
0x2e: {  	s3 =	simm.s32 @!p0 $0x1082;
	s9 =	sld [smem:$0x3FB1]  }
0x2f: {  	lr =	sadd.s32 s0, s3;
	s0 =	sld [smem:$0x3FA8]  }
0x30: {  	s3 =	sld [smem:$0x3FAB]  }
0x31: {  	[smem:$0x3FB4] =	sst s10  }
0x32: {  	s10 =	sld [smem:$0x3FB2];
	_ =	sdelay $0x3  }
0x33: {  	p0 =	seq.s32 s10, $0x1;
	s10 =	sld [smem:$0x3FB4];
	_ =	sdelay $0x3  }
0x34: {  	[smem:$0x3FB4] =	sst s10  }
0x35: {  	s10 =	sld [smem:$0x3FB3];
	_ =	sdelay $0x3  }
0x36: {  	p1 =	seq.s32 s10, $0x1;
	s10 =	sld [smem:$0x3FB4];
	_ =	sdelay $0x3  }
0x37: {  	[smem:$0x3FB4] =	sst s10  }
0x38: {  	s10 =	sld [smem:$0x3FB5]  }
0x39: {  	_ = 	snop;
	(pc) =	sbr.ind lr, $3  }
0x3a: {  	_ = 	snop  }
0x3b: {  	_ = 	snop  }
0x3c: {  	p2 =	seq.s32 s10, $0x1;
	s10 =	sld [smem:$0x3FB4]  }
0x3d: {  	_ =	shalt  }
0x3e: {  	_ =	shalt  }
0x3f: {  	_ =	shalt  }
0x40: {  	_ =	shalt  }
0x41: {  	_ =	shalt  }
0x42: {  	_ =	shalt  }
0x43: {  	_ =	shalt  }
0x44: {  	_ =	shalt  }
0x45: {  	_ =	shalt  }
0x46: {  	_ =	shalt  }
0x47: {  	_ =	shalt  }
0x48: {  	_ =	shalt  }
0x49: {  	_ =	shalt  }
0x4a: {  	_ =	shalt  }
0x4b: {  	_ =	shalt  }
0x4c: {  	_ =	shalt  }
0x4d: {  	_ =	shalt  }
0x4e: {  	_ =	shalt  }
0x4f: {  	_ =	shalt  }
0x50: {  	_ =	shalt  }
0x51: {  	_ =	shalt  }
0x52: {  	_ =	shalt  }
0x53: {  	_ =	shalt  }
0x54: {  	_ =	shalt  }
0x55: {  	_ =	shalt  }
0x56: {  	_ =	shalt  }
0x57: {  	_ =	shalt  }
0x58: {  	_ =	shalt  }
0x59: {  	_ =	shalt  }
0x5a: {  	_ =	shalt  }
0x5b: {  	_ =	shalt  }
0x5c: {  	_ =	shalt  }
0x5d: {  	_ =	shalt  }
0x5e: {  	_ =	shalt  }
0x5f: {  	_ =	shalt  }
0x60: {  	_ =	shalt  }
0x61: {  	_ =	shalt  }
0x62: {  	_ =	shalt  }
0x63: {  	_ =	shalt  }
0x64: {  	_ =	shalt  }
0x65: {  	_ =	shalt  }
0x66: {  	_ =	shalt  }
0x67: {  	_ =	shalt  }
0x68: {  	_ =	shalt  }
0x69: {  	_ =	shalt  }
0x6a: {  	_ =	shalt  }
0x6b: {  	_ =	shalt  }
0x6c: {  	_ =	shalt  }
0x6d: {  	_ =	shalt  }
0x6e: {  	_ =	shalt  }
0x6f: {  	_ =	shalt  }
0x70: {  	_ =	shalt  }
0x71: {  	_ =	shalt  }
0x72: {  	_ =	shalt  }
0x73: {  	_ =	shalt  }
0x74: {  	_ =	shalt  }
0x75: {  	_ =	shalt  }
0x76: {  	_ =	shalt  }
0x77: {  	_ =	shalt  }
0x78: {  	_ =	shalt  }
0x79: {  	_ =	shalt  }
0x7a: {  	_ =	shalt  }
0x7b: {  	_ =	shalt  }
0x7c: {  	_ =	shalt  }
0x7d: {  	_ =	shalt  }
0x7e: {  	_ =	shalt  }
0x7f: {  	_ =	shalt  }
0x80: {  	_ =	shalt  }
0x81: {  	_ =	shalt  }
0x82: {  	_ =	shalt  }
0x83: {  	_ =	shalt  }
0x84: {  	_ =	shalt  }
0x85: {  	_ =	shalt  }
0x86: {  	_ =	shalt  }
0x87: {  	_ =	shalt  }
.Lfunc_end0:
.L_simem_size_0:
called_computation.2_lowered:
.L_overlay_start_0:
0x88: {  	s2 =	sld [smem:$0x3FD9]  }
0x89: {  	s3 =	sld [smem:$0x3FFE];
	_ =	sdelay $0x1  }
0x8a: {  	s1 =	srdreg.scid  }
0x8b: {  	s0 =	sand.u32 $0x1, s1  }
0x8c: {  	s17 =	sshll.u32 s0, $0xA;
	s2 =	sadd.s32 s3, s2  }
0x8d: {  	s2 =	sadd.s32 s2, s17  }
0x8e: {  	[smem:$0x3FC0] =	sst s2  }
0x8f: {  	_ = 	snop  }
0x90: {  	s2 =	sld [smem:$0x3FD0];
	(tm) =	ssettm $0x1  }
0x91: {  	s18 =	sld [smem:$0x3FFB];
	_ =	sdelay $0x3  }
0x92: {  	_ =	strace s18  }
0x93: {  	s3 =	sld [smem:$0x3FFC];
	_ =	sdelay $0x3  }
0x94: {  	_ =	strace s3  }
0x95: {  	s3 =	sld [smem:$0x3FFD];
	_ =	sdelay $0x3  }
0x96: {  	_ =	strace s3  }
0x97: {  	_ =	strace $0x8FFFFFFF  }
0x98: {  	s19 =	sld [smem:$0x3FDB];
	_ =	sdelay $0x1  }
0x99: {  	s4 =	simm.s32 $_scs_section_size  }
0x9a: {  	s5 =	simm.s32 $_size__tile_overlayer_lowered;
	s6 =	simm.s32 $_tile_overlayer_lowered  }
0x9b: {  	s22 =	simm.s32 $0x1BFF;
	s21 =	sshll.u32 s6, $0x1;
	s3 =	sadd.s32 s4, s19  }
0x9c: {  	s7 =	simm.s32 $0x0;
	s20 =	sshll.u32 s5, $0x1;
	s5 =	sadd.s32 s21, s3  }
0x9d: {  	[timem:s7], [sflag:s22] =	dma.local [hbm:s5], s20  }
0x9e: {  	_ =	swait.ge [sflag:s22], s20  }
0x9f: {  	s4 =	ssub.s32 $0x0, s20;
	[sflag:s22] =	ssyncset.done $0x0  }
0xa0: {  	[sflag:s22] =	ssyncadd.s32 s4;
	_ =	sdelay $0x1  }
0xa1: {  	s23 =	simm.s32 $0x1B8B  }
0xa2: {  	_ =	swait.ge [sflag:s23], $0x1  }
0xa3: {  	[sflag:s23] =	ssyncset.done $0x0  }
0xa4: {  	s25 =	simm.s32 $0x1B8E;
	s24 =	sld [smem:$0x3FFE];
	[sflag:s23] =	ssyncadd.s32 $0xFFFFFFFF  }
0xa5: {  	s26 =	simm.s32 $execute0_lowered;
	[smem:$0x3FD2] =	sst s25  }
0xa6: {  	s5 =	sshll.u32 s26, $0x1;
	_ =	strace $0x8000004C;
	[dreg:$0x1] =	wrdreg $0xFFFFFFFF  }
0xa7: {  	s28 =	simm.s32 $_size_execute0_lowered;
	s3 =	sadd.s32 s3, s5;
	[dreg:$0x0] =	wrdreg $0x0  }
0xa8: {  	s5 =	sshll.u32 s28, $0x1;
	[dreg:$0x2] =	wrdreg s3  }
0xa9: {  	[dreg:$0x3] =	wrdreg s5  }
0xaa: {  	[dreg:$0x4] =	wrdreg $0xC0  }
0xab: {  	_ =	task [dreg:s7], $0x5FFFF  }
0xac: {  	[dreg:$0x1] =	wrdreg $0xFFFFFFFF  }
0xad: {  	[dreg:$0x0] =	wrdreg $0x60  }
0xae: {  	[dreg:$0x2] =	wrdreg s2  }
0xaf: {  	[dreg:$0x3] =	wrdreg s24  }
0xb0: {  	[dreg:$0x4] =	wrdreg $0x0  }
0xb1: {  	[dreg:$0x5] =	wrdreg $0x9  }
0xb2: {  	_ =	task.clear_ibuf [dreg:s7], $0x6FFFF;
	_ =	strace $0x9000004C  }
0xb3: {  	s29 =	simm.s32 $0x9;
	_ =	strace $0x8000004E  }
0xb4: {  	_ =	swait.ge [sflag:s29], $0x1  }
0xb5: {  	[sflag:s29] =	ssyncadd.s32 $0xFFFFFFFF  }
0xb6: {  	_ =	strace $0x9000004E  }
0xb7: {  	_ =	sfence  }
0xb8: {  	s30 =	sld [smem:$0x0];
	_ =	sdelay $0x2  }
0xb9: {  	s31 =	sshll.u32 s1, $0xD;
	s1 =	sshrl.u32 s1, $0x2  }
0xba: {  	s3 =	sand.u32 $0x4000, s31;
	s1 =	sadd.s32 s1, s30  }
0xbb: {  	s0 =	sor.u32 s3, s0;
	s1 =	sshll.u32 s1, $0x11  }
0xbc: {  	s0 =	sor.u32 s1, s0  }
0xbd: {  	s0 =	sadd.s32 $0x8F2B, s0  }
0xbe: {  	[sflag:s0] =	ssyncadd.remote.s32 $0x1  }
0xbf: {  	_ =	sfence.sel $0xFFFF  }
0xc0: {  	[dreg:$0x0] =	wrdreg $0xFFFFFFFF;
	(pc) =	sbr.abs _section_cstart, $3  }
0xc1: {  	[dreg:$0x1] =	wrdreg $0xFFFFFFFF  }
0xc2: {  	_ =	task.clear_ibuf [dreg:s7], $0x2FFFF;
	_ =	strace $0x9FFFFFFF  }
0xc3: {  	(tm) =	ssettm $0x7FFFFFFF  }
tec
execute0_lowered:
.L_overlay_start_1:
0x0: {  	(tag) =	ssettag $0x1  }
0x1: {  	s1 =	rddreg [dreg:$0x0]  }
0x2: {  	s6 =	rddreg [dreg:$0x1];
	s0 =	stileid.u32  }
0x3: {  	s2 =	srdreg.scid;
	s3 =	rddreg [dreg:$0x2]  }
0x4: {  	s20 =	simm.s32 $0x13D00;
	s21 =	simm.s32 $0x2;
	s4 =	smul.u32 $0x3E, s0  }
0x5: {  	s22 =	simm.s32 $0x13C00;
	s23 =	simm.s32 $0x13C80;
	s5 =	smul.u32 $0x60, s0  }
0x6: {  	s24 =	simm.s32 $0x80;
	s25 =	simm.s32 $0x1;
	s9 =	smul.u32 $0x278, s0  }
0x7: {  	s26 =	simm.s32 $0x0;
	s7 =	sand.u32 $0x1, s2;
	s10 =	smul.u32 $0x4F000, s0  }
0x8: {  	s2 =	rddreg [dreg:$0x3];
	p0 =	seq.s32 s7, $0x0;
	s30 =	smul.u32 $0x2780, s7  }
0x9: {  	s7 =	ssub.s32 $0x2, s7;
	s8 =	sadd.s32 $0x600, s4;
	s4 =	simm.s32 $0x0  }
0xa: {  	s31 =	sshrl.u32 s7, $0x1;
	s10 =	sshrl.u32 s10, $0x2;
	s8 =	smov.u32 @p0 s5  }
0xb: {  	[smem:$0x7FF] =	sst s4;
	s17 =	ssub.s32 s7, s31;
	s5 =	sshll.u32 s8, $0x4  }
0xc: {  	_ =	strace $0x8000004D;
	s8 =	sadd.s32 s9, s30;
	s9 =	simm.s32 $0x60  }
0xd: {  	s17 =	smax.u32 s17, $0x1;
	s19 =	sadd.s32 s5, s6;
	s8 =	sshll.u32 s8, $0x4  }
0xe: {  	s5 =	sadd.s32 $0x15C00, s6;
	s9 =	simm.s32 @!p0 $0x3E;
	s16 =	sadd.s32 s8, s6  }
0xf: {  	s6 =	sadd.s32 s10, s3;
	s18 =	sadd.s32 $0x2000, s19;
	s19 =	sadd.s32 $0xBE00, s19  }
0x10: {  	s7 =	sadd.s32 $0x4000, s6;
	s8 =	sadd.s32 $0x8000, s6;
	s10 =	sadd.s32 $0xC000, s6  }
0x11: {  	s11 =	sadd.s32 $0x10000, s6;
	s12 =	sadd.s32 $0x3D400, s16;
	s13 =	sadd.s32 $0x3DC00, s16  }
0x12: {  	s14 =	sadd.s32 $0x3E400, s16;
	s15 =	sadd.s32 $0x3EC00, s16;
	s16 =	sadd.s32 $0x3F400, s16  }
.LBB2_1:
0x13: {  	[tilespmem:s20], [sflag:$0x2] =	stream.linear.gather [hbm4b:s5+s4], $0x4000, $0x38;
	[tilespmem:$0x17D00] =	vst v63  }
0x14: {  	_ =	swait.ge [sflag:s21], $0x4000  }
0x15: {  	[sflag:s21] =	ssyncset.done $0x0  }
0x16: {  	[sflag:s21] =	ssyncadd.s32 $0xFFFFC000  }
0x17: {  	[spmem:s6] =	stream.linear.scatter [tilespmem:s20], [sflag:$0x2], $0x4000, $0x38;
	[tilespmem:$0x17D00] =	vst v63  }
0x18: {  	_ =	swait.ge [sflag:s21], $0x4000  }
0x19: {  	[sflag:s21] =	ssyncset.done $0x0  }
0x1a: {  	[sflag:s21] =	ssyncadd.s32 $0xFFFFC000  }
0x1b: {  	[spmem:s7] =	stream.linear.scatter [tilespmem:s20], [sflag:$0x2], $0x4000, $0x38;
	[tilespmem:$0x17D00] =	vst v63  }
0x1c: {  	_ =	swait.ge [sflag:s21], $0x4000  }
0x1d: {  	[sflag:s21] =	ssyncset.done $0x0  }
0x1e: {  	[sflag:s21] =	ssyncadd.s32 $0xFFFFC000  }
0x1f: {  	[spmem:s8] =	stream.linear.scatter [tilespmem:s20], [sflag:$0x2], $0x4000, $0x38;
	[tilespmem:$0x17D00] =	vst v63  }
0x20: {  	_ =	swait.ge [sflag:s21], $0x4000  }
0x21: {  	[sflag:s21] =	ssyncset.done $0x0  }
0x22: {  	[sflag:s21] =	ssyncadd.s32 $0xFFFFC000  }
0x23: {  	[spmem:s10] =	stream.linear.scatter [tilespmem:s20], [sflag:$0x2], $0x4000, $0x38;
	[tilespmem:$0x17D00] =	vst v63  }
0x24: {  	_ =	swait.ge [sflag:s21], $0x4000  }
0x25: {  	[sflag:s21] =	ssyncset.done $0x0  }
0x26: {  	[sflag:s21] =	ssyncadd.s32 $0xFFFFC000  }
0x27: {  	[spmem:s11] =	stream.linear.scatter [tilespmem:s20], [sflag:$0x2], $0x3C00, $0x38;
	[tilespmem:$0x17D00] =	vst v63  }
0x28: {  	_ =	swait.ge [sflag:s21], $0x3C00  }
0x29: {  	[sflag:s21] =	ssyncset.done $0x0  }
0x2a: {  	[sflag:s21] =	ssyncadd.s32 $0xFFFFC400  }
0x2b: {  	[bflag:$0x0] =	sbarrier.arrive $0xFFFF  }
0x2c: {  	[tilespmem:s22], [sflag:$0x2] =	stream.linear.gather [hbm4b:s19+s4], $0x80, $0x38;
	[tilespmem:$0x17D00] =	vst v63  }
0x2d: {  	_ =	swait.ge [sflag:s21], $0x80  }
0x2e: {  	[sflag:s21] =	ssyncset.done $0x0  }
0x2f: {  	[sflag:s21] =	ssyncadd.s32 $0xFFFFFF80  }
0x30: {  	[tilespmem:s23], [sflag:$0x2] =	stream.linear.gather [hbm4b:s18+s4], $0x80, $0x38;
	[tilespmem:$0x17D00] =	vst v63  }
0x31: {  	_ =	swait.ge [sflag:s21], $0x80  }
0x32: {  	[sflag:s21] =	ssyncset.done $0x0  }
0x33: {  	[sflag:s21] =	ssyncadd.s32 $0xFFFFFF80  }
0x34: {  	[tilespmem:s20], [sflag:$0x1] =	stream.indirect.gather [hbm4b:s1+s24], $0x80, s22, s24, $0xb8;
	[tilespmem:$0x17D00] =	vst v63  }
0x35: {  	p0 =	sne.s32 s9, $0x1;
	_ =	swait.ge [sflag:s25], $0x4000  }
.Ltmp0:
0x36: {  	[sflag:s25] =	ssyncset.done $0x0;
	(pc) =	sbr.rel @!p0 .LBB2_3-.Ltmp0, $4  }
0x37: {  	[sflag:s25] =	ssyncadd.s32 $0xFFFFC000  }
0x38: {  	[spmem:s3] =	stream.indirect.scatter.add.f32 [tilespmem:s20], [sflag:$0x2], $0x80, s23, s24, $0xb8;
	[tilespmem:$0x17D00] =	vst v63  }
0x39: {  	s28 =	sadd.s32 $0xFFFFFFFF, s9;
	_ =	swait.ge [sflag:s21], $0x4000  }
0x3a: {  	s29 =	smov.u32 s18;
	s30 =	smov.u32 s19;
	[sflag:s21] =	ssyncset.done $0x0  }
.LBB2_2:
0x3b: {  	[sflag:s21] =	ssyncadd.s32 $0xFFFFC000;
	s29 =	sadd.s32 $0x10, s29;
	s30 =	sadd.s32 $0x10, s30  }
0x3c: {  	[tilespmem:s22], [sflag:$0x2] =	stream.linear.gather [hbm4b:s30+s4], $0x80, $0x38;
	[tilespmem:$0x17D00] =	vst v63  }
0x3d: {  	p0 =	sne.s32 s28, $0x1;
	s28 =	sadd.s32 $0xFFFFFFFF, s28;
	_ =	swait.ge [sflag:s21], $0x80  }
0x3e: {  	[sflag:s21] =	ssyncset.done $0x0  }
0x3f: {  	[sflag:s21] =	ssyncadd.s32 $0xFFFFFF80  }
0x40: {  	[tilespmem:s23], [sflag:$0x2] =	stream.linear.gather [hbm4b:s29+s4], $0x80, $0x38;
	[tilespmem:$0x17D00] =	vst v63  }
0x41: {  	_ =	swait.ge [sflag:s21], $0x80  }
0x42: {  	[sflag:s21] =	ssyncset.done $0x0  }
0x43: {  	[sflag:s21] =	ssyncadd.s32 $0xFFFFFF80  }
0x44: {  	[tilespmem:s20], [sflag:$0x1] =	stream.indirect.gather [hbm4b:s1+s24], $0x80, s22, s24, $0xb8;
	[tilespmem:$0x17D00] =	vst v63  }
0x45: {  	_ =	swait.ge [sflag:s25], $0x4000  }
.Ltmp1:
0x46: {  	[sflag:s25] =	ssyncset.done $0x0;
	(pc) =	sbr.rel @p0 .LBB2_2-.Ltmp1, $4  }
0x47: {  	[sflag:s25] =	ssyncadd.s32 $0xFFFFC000  }
0x48: {  	[spmem:s3] =	stream.indirect.scatter.add.f32 [tilespmem:s20], [sflag:$0x2], $0x80, s23, s24, $0xb8;
	[tilespmem:$0x17D00] =	vst v63  }
0x49: {  	_ =	swait.ge [sflag:s21], $0x4000  }
0x4a: {  	[sflag:s21] =	ssyncset.done $0x0  }
.LBB2_3:
0x4b: {  	[sflag:s21] =	ssyncadd.s32 $0xFFFFC000  }
0x4c: {  	[bflag:$0x0] =	sbarrier.arrive $0xFFFF  }
0x4d: {  	[tilespmem:s20], [sflag:$0x2] =	stream.linear.gather [spmem:s6], $0x4000, $0x38;
	[tilespmem:$0x17D00] =	vst v63  }
0x4e: {  	_ =	swait.ge [sflag:s21], $0x4000  }
0x4f: {  	[sflag:s21] =	ssyncset.done $0x0  }
0x50: {  	[sflag:s21] =	ssyncadd.s32 $0xFFFFC000  }
0x51: {  	[hbm4b:s12+s4] =	stream.linear.scatter [tilespmem:s20], [sflag:$0x2], $0x4000, $0x38;
	[tilespmem:$0x17D00] =	vst v63  }
0x52: {  	_ =	swait.ge [sflag:s21], $0x4000  }
0x53: {  	[sflag:s21] =	ssyncset.done $0x0  }
0x54: {  	[sflag:s21] =	ssyncadd.s32 $0xFFFFC000  }
0x55: {  	[tilespmem:s20], [sflag:$0x2] =	stream.linear.gather [spmem:s7], $0x4000, $0x38;
	[tilespmem:$0x17D00] =	vst v63  }
0x56: {  	_ =	swait.ge [sflag:s21], $0x4000  }
0x57: {  	[sflag:s21] =	ssyncset.done $0x0  }
0x58: {  	[sflag:s21] =	ssyncadd.s32 $0xFFFFC000  }
0x59: {  	[hbm4b:s13+s4] =	stream.linear.scatter [tilespmem:s20], [sflag:$0x2], $0x4000, $0x38;
	[tilespmem:$0x17D00] =	vst v63  }
0x5a: {  	_ =	swait.ge [sflag:s21], $0x4000  }
0x5b: {  	[sflag:s21] =	ssyncset.done $0x0  }
0x5c: {  	[sflag:s21] =	ssyncadd.s32 $0xFFFFC000  }
0x5d: {  	[tilespmem:s20], [sflag:$0x2] =	stream.linear.gather [spmem:s8], $0x4000, $0x38;
	[tilespmem:$0x17D00] =	vst v63  }
0x5e: {  	_ =	swait.ge [sflag:s21], $0x4000  }
0x5f: {  	[sflag:s21] =	ssyncset.done $0x0  }
0x60: {  	[sflag:s21] =	ssyncadd.s32 $0xFFFFC000  }
0x61: {  	[hbm4b:s14+s4] =	stream.linear.scatter [tilespmem:s20], [sflag:$0x2], $0x4000, $0x38;
	[tilespmem:$0x17D00] =	vst v63  }
0x62: {  	_ =	swait.ge [sflag:s21], $0x4000  }
0x63: {  	[sflag:s21] =	ssyncset.done $0x0  }
0x64: {  	[sflag:s21] =	ssyncadd.s32 $0xFFFFC000  }
0x65: {  	[tilespmem:s20], [sflag:$0x2] =	stream.linear.gather [spmem:s10], $0x4000, $0x38;
	[tilespmem:$0x17D00] =	vst v63  }
0x66: {  	_ =	swait.ge [sflag:s21], $0x4000  }
0x67: {  	[sflag:s21] =	ssyncset.done $0x0  }
0x68: {  	[sflag:s21] =	ssyncadd.s32 $0xFFFFC000  }
0x69: {  	[hbm4b:s15+s4] =	stream.linear.scatter [tilespmem:s20], [sflag:$0x2], $0x4000, $0x38;
	[tilespmem:$0x17D00] =	vst v63  }
0x6a: {  	_ =	swait.ge [sflag:s21], $0x4000  }
0x6b: {  	[sflag:s21] =	ssyncset.done $0x0  }
0x6c: {  	[sflag:s21] =	ssyncadd.s32 $0xFFFFC000  }
0x6d: {  	[tilespmem:s20], [sflag:$0x2] =	stream.linear.gather [spmem:s11], $0x3C00, $0x38;
	[tilespmem:$0x17D00] =	vst v63  }
0x6e: {  	s26 =	sadd.s32 $0x1, s26;
	_ =	swait.ge [sflag:s21], $0x3C00  }
0x6f: {  	p0 =	sne.s32 s26, s17;
	[sflag:s21] =	ssyncset.done $0x0  }
.Ltmp2:
0x70: {  	[sflag:s21] =	ssyncadd.s32 $0xFFFFC400;
	(pc) =	sbr.rel @p0 .LBB2_1-.Ltmp2, $4  }
0x71: {  	[hbm4b:s16+s4] =	stream.linear.scatter [tilespmem:s20], [sflag:$0x2], $0x3C00, $0x38;
	[tilespmem:$0x17D00] =	vst v63  }
0x72: {  	_ =	swait.ge [sflag:s21], $0x3C00  }
0x73: {  	[sflag:s21] =	ssyncset.done $0x0  }
0x74: {  	[sflag:s21] =	ssyncadd.s32 $0xFFFFC400  }
0x75: {  	_ =	sfence.sel $0x180000  }
0x76: {  	[bflag:$0x0] =	sbarrier.arrive $0xFFFF  }
0x77: {  	p0 =	sne.s32 s0, $0x0;
	_ =	strace $0x9000004D  }
0x78: {  	s0 =	sadd.s32 @!p0 $0x100000, s2;
	[bflag:$0x2] =	sbarrier.arrive $0xFFFF  }
0x79: {  	[sflag:s0] =	ssyncadd.tile.s32 @!p0 $0x1;
	_ =	shalt  }
.Lfunc_end2:
_tile_overlayer_lowered:
.L_overlay_start_2:
0x7a: {  	(tag) =	ssettag $0x2  }
0x7b: {  	s0 =	rddreg [dreg:$0x0];
	s2 =	stileid.u32  }
0x7c: {  	s1 =	rddreg [dreg:$0x1];
	p0 =	sne.s32 s2, $0x0  }
0x7d: {  	s3 =	rddreg [dreg:$0x2];
	[bflag:$0x3] =	sbarrier.arrive $0xFFFF;
	s2 =	simm.s32 @!p0 $0x1C02  }
0x7e: {  	[timem:s3], [sflag:s2] =	dma.local @!p0 [hbm:s0], s1  }
0x7f: {  	s0 =	simm.s32 @!p0 $0x2  }
0x80: {  	_ =	swait.ge @!p0 [sflag:s0], s1  }
0x81: {  	s1 =	ssub.s32 @!p0 $0x0, s1;
	[sflag:s0] =	ssyncset.done @!p0 $0x0  }
0x82: {  	[sflag:s0] =	ssyncadd.s32 @!p0 s1  }
0x83: {  	[bflag:$0x3] =	sbarrier.arrive $0xFFFF  }
0x84: {  	_ =	shalt  }

// kernel: kernel.7.cloned.1.call-start
scs
__scs_entry_jumppad:
0x0: {  	(pc) =	sbr.rel $0x88, $3  }
0x1: {  	(tag) =	ssettag $0x0;
	lr =	simm.s32 $0x1  }
0x2: {  	[smem:$0x3F99] =	sst lr;
	_ =	strace $0xD0000000  }
0x3: {  	_ = 	snop  }
0x4: {  	_ = 	snop  }
0x5: {  	_ = 	snop  }
0x6: {  	_ = 	snop  }
0x7: {  	_ = 	snop  }
__scs_overlays_trampoline_lowered:
0x8: {  	[smem:$0x3FA8] =	sst s0  }
0x9: {  	[smem:$0x3FA9] =	sst s1  }
0xa: {  	[smem:$0x3FAA] =	sst s2  }
0xb: {  	[smem:$0x3FAB] =	sst s3  }
0xc: {  	[smem:$0x3FAC] =	sst s4  }
0xd: {  	[smem:$0x3FAD] =	sst s5  }
0xe: {  	[smem:$0x3FAE] =	sst s6  }
0xf: {  	[smem:$0x3FAF] =	sst s7  }
0x10: {  	[smem:$0x3FB0] =	sst s8  }
0x11: {  	[smem:$0x3FB1] =	sst s9;
	s0 =	simm.s32 @!p0 $0x0  }
0x12: {  	s1 =	sld [smem:$0x3F97];
	s0 =	simm.s32 @p0 $0x1  }
0x13: {  	[smem:$0x3FB2] =	sst s0;
	s0 =	simm.s32 @!p1 $0x0  }
0x14: {  	s2 =	sld [smem:$0x3F96];
	s0 =	simm.s32 @p1 $0x1  }
0x15: {  	[smem:$0x3FB3] =	sst s0;
	s0 =	simm.s32 @!p2 $0x0  }
0x16: {  	s3 =	sld [smem:$0x3FDB];
	s0 =	simm.s32 @p2 $0x1  }
0x17: {  	s4 =	simm.s32 $0x1BF5;
	[smem:$0x3FB5] =	sst s0  }
0x18: {  	s0 =	sld [smem:$0x3F98];
	_ =	swait.ge [sflag:s4], $0x0  }
0x19: {  	s7 =	sld [smem:$0x3F99]  }
0x1a: {  	s8 =	sadd.s32 $0xFFFFE003, lr  }
0x1b: {  	s9 =	sadd.s32 $0xFFFFFEF7, lr;
	s5 =	simm.s32 $0xFFFFFFFF;
	p2 =	slt.u32 s8, $0xFFFFF086  }
0x1c: {  	p1 =	slt.u32 s9, $0xF7A;
	s5 =	simm.s32 @!p2 $0x0  }
0x1d: {  	s5 =	simm.s32 @p1 $0x1;
	p0 =	seq.s32 s7, s2  }
0x1e: {  	s7 =	smul.u32 @!p0 $0xF7A, s2;
	p2 =	seq.s32 @!p0 s5, $0x0  }
0x1f: {  	s9 =	smul.u32 $0xF7A, s1;
	s8 =	simm.s32 @!p0 $0x1BF5;
	p2 =	por !p2, p0  }
0x20: {  	[sflag:s8] =	ssyncset.s32 @!p0 $0xFFFFF086;
	s6 =	sadd.s32 @!p0 s3, s7;
	s7 =	simm.s32 @!p0 $0x108  }
0x21: {  	s3 =	sadd.s32 s3, s9;
	s6 =	sadd.s32 @!p0 $0x88, s6;
	s7 =	simm.s32 @p2 $0x1082  }
0x22: {  	[simem:s7], [sflag:s8] =	dma.local @!p0 [hbm:s6], $0xF7A  }
0x23: {  	s9 =	sor.u32 $0xD0000000, s2;
	s6 =	simm.s32 $0x108;
	_ =	swait.ge @!p0 [sflag:s8], $0x0  }
0x24: {  	s3 =	sadd.s32 $0x88, s3;
	s6 =	simm.s32 @!p1 $0x1082;
	[sflag:s4] =	ssyncset.s32 $0xFFFFF086  }
0x25: {  	[simem:s6], [sflag:s4] =	dma.local [hbm:s3], $0xF7A  }
0x26: {  	[smem:$0x3F99] =	sst s1;
	(tag) =	ssettag s2;
	_ =	strace s9  }
0x27: {  	s1 =	sld [smem:$0x3FA9]  }
0x28: {  	s2 =	sld [smem:$0x3FAA]  }
0x29: {  	s4 =	sld [smem:$0x3FAC]  }
0x2a: {  	p0 =	seq.s32 s5, $0x0;
	s5 =	sld [smem:$0x3FAD]  }
0x2b: {  	s6 =	sld [smem:$0x3FAE]  }
0x2c: {  	s7 =	sld [smem:$0x3FAF]  }
0x2d: {  	s3 =	simm.s32 $0x108;
	s8 =	sld [smem:$0x3FB0]  }
0x2e: {  	s3 =	simm.s32 @!p0 $0x1082;
	s9 =	sld [smem:$0x3FB1]  }
0x2f: {  	lr =	sadd.s32 s0, s3;
	s0 =	sld [smem:$0x3FA8]  }
0x30: {  	s3 =	sld [smem:$0x3FAB]  }
0x31: {  	[smem:$0x3FB4] =	sst s10  }
0x32: {  	s10 =	sld [smem:$0x3FB2];
	_ =	sdelay $0x3  }
0x33: {  	p0 =	seq.s32 s10, $0x1;
	s10 =	sld [smem:$0x3FB4];
	_ =	sdelay $0x3  }
0x34: {  	[smem:$0x3FB4] =	sst s10  }
0x35: {  	s10 =	sld [smem:$0x3FB3];
	_ =	sdelay $0x3  }
0x36: {  	p1 =	seq.s32 s10, $0x1;
	s10 =	sld [smem:$0x3FB4];
	_ =	sdelay $0x3  }
0x37: {  	[smem:$0x3FB4] =	sst s10  }
0x38: {  	s10 =	sld [smem:$0x3FB5]  }
0x39: {  	_ = 	snop;
	(pc) =	sbr.ind lr, $3  }
0x3a: {  	_ = 	snop  }
0x3b: {  	_ = 	snop  }
0x3c: {  	p2 =	seq.s32 s10, $0x1;
	s10 =	sld [smem:$0x3FB4]  }
0x3d: {  	_ =	shalt  }
0x3e: {  	_ =	shalt  }
0x3f: {  	_ =	shalt  }
0x40: {  	_ =	shalt  }
0x41: {  	_ =	shalt  }
0x42: {  	_ =	shalt  }
0x43: {  	_ =	shalt  }
0x44: {  	_ =	shalt  }
0x45: {  	_ =	shalt  }
0x46: {  	_ =	shalt  }
0x47: {  	_ =	shalt  }
0x48: {  	_ =	shalt  }
0x49: {  	_ =	shalt  }
0x4a: {  	_ =	shalt  }
0x4b: {  	_ =	shalt  }
0x4c: {  	_ =	shalt  }
0x4d: {  	_ =	shalt  }
0x4e: {  	_ =	shalt  }
0x4f: {  	_ =	shalt  }
0x50: {  	_ =	shalt  }
0x51: {  	_ =	shalt  }
0x52: {  	_ =	shalt  }
0x53: {  	_ =	shalt  }
0x54: {  	_ =	shalt  }
0x55: {  	_ =	shalt  }
0x56: {  	_ =	shalt  }
0x57: {  	_ =	shalt  }
0x58: {  	_ =	shalt  }
0x59: {  	_ =	shalt  }
0x5a: {  	_ =	shalt  }
0x5b: {  	_ =	shalt  }
0x5c: {  	_ =	shalt  }
0x5d: {  	_ =	shalt  }
0x5e: {  	_ =	shalt  }
0x5f: {  	_ =	shalt  }
0x60: {  	_ =	shalt  }
0x61: {  	_ =	shalt  }
0x62: {  	_ =	shalt  }
0x63: {  	_ =	shalt  }
0x64: {  	_ =	shalt  }
0x65: {  	_ =	shalt  }
0x66: {  	_ =	shalt  }
0x67: {  	_ =	shalt  }
0x68: {  	_ =	shalt  }
0x69: {  	_ =	shalt  }
0x6a: {  	_ =	shalt  }
0x6b: {  	_ =	shalt  }
0x6c: {  	_ =	shalt  }
0x6d: {  	_ =	shalt  }
0x6e: {  	_ =	shalt  }
0x6f: {  	_ =	shalt  }
0x70: {  	_ =	shalt  }
0x71: {  	_ =	shalt  }
0x72: {  	_ =	shalt  }
0x73: {  	_ =	shalt  }
0x74: {  	_ =	shalt  }
0x75: {  	_ =	shalt  }
0x76: {  	_ =	shalt  }
0x77: {  	_ =	shalt  }
0x78: {  	_ =	shalt  }
0x79: {  	_ =	shalt  }
0x7a: {  	_ =	shalt  }
0x7b: {  	_ =	shalt  }
0x7c: {  	_ =	shalt  }
0x7d: {  	_ =	shalt  }
0x7e: {  	_ =	shalt  }
0x7f: {  	_ =	shalt  }
0x80: {  	_ =	shalt  }
0x81: {  	_ =	shalt  }
0x82: {  	_ =	shalt  }
0x83: {  	_ =	shalt  }
0x84: {  	_ =	shalt  }
0x85: {  	_ =	shalt  }
0x86: {  	_ =	shalt  }
0x87: {  	_ =	shalt  }
.Lfunc_end0:
.L_simem_size_0:
called_computation_lowered:
.L_overlay_start_0:
0x88: {  	s2 =	sld [smem:$0x3FD9]  }
0x89: {  	s3 =	sld [smem:$0x3FFE];
	_ =	sdelay $0x1  }
0x8a: {  	s1 =	srdreg.scid  }
0x8b: {  	s0 =	sand.u32 $0x1, s1  }
0x8c: {  	s17 =	sshll.u32 s0, $0xA;
	s2 =	sadd.s32 s3, s2  }
0x8d: {  	s2 =	sadd.s32 s2, s17  }
0x8e: {  	[smem:$0x3FC0] =	sst s2  }
0x8f: {  	_ = 	snop  }
0x90: {  	s18 =	sld [smem:$0x3FD0];
	(tm) =	ssettm $0x1  }
0x91: {  	s19 =	sld [smem:$0x3FFB];
	_ =	sdelay $0x3  }
0x92: {  	_ =	strace s19  }
0x93: {  	s2 =	sld [smem:$0x3FFC];
	_ =	sdelay $0x3  }
0x94: {  	_ =	strace s2  }
0x95: {  	s2 =	sld [smem:$0x3FFD];
	_ =	sdelay $0x3  }
0x96: {  	_ =	strace s2  }
0x97: {  	_ =	strace $0x8FFFFFFF  }
0x98: {  	s20 =	sld [smem:$0x3FDB];
	_ =	sdelay $0x1  }
0x99: {  	s4 =	simm.s32 $_scs_section_size  }
0x9a: {  	s5 =	simm.s32 $_size__tile_overlayer_lowered;
	s6 =	simm.s32 $_tile_overlayer_lowered  }
0x9b: {  	s7 =	simm.s32 $0x1BFF;
	s21 =	sshll.u32 s6, $0x1;
	s4 =	sadd.s32 s4, s20  }
0x9c: {  	s22 =	simm.s32 $0x0;
	s5 =	sshll.u32 s5, $0x1;
	s6 =	sadd.s32 s21, s4  }
0x9d: {  	[timem:s22], [sflag:s7] =	dma.local [hbm:s6], s5  }
0x9e: {  	_ =	swait.ge [sflag:s7], s5  }
0x9f: {  	s5 =	ssub.s32 $0x0, s5;
	[sflag:s7] =	ssyncset.done $0x0  }
0xa0: {  	[sflag:s7] =	ssyncadd.s32 s5;
	_ =	sdelay $0x1  }
0xa1: {  	s23 =	simm.s32 $0x1B8B  }
0xa2: {  	_ =	swait.ge [sflag:s23], $0x1  }
0xa3: {  	[sflag:s23] =	ssyncset.done $0x0  }
0xa4: {  	[sflag:s23] =	ssyncadd.s32 $0xFFFFFFFF  }
0xa5: {  	s5 =	sld [smem:$0x0]  }
0xa6: {  	s6 =	sand.u32 $0xFFFFFFFE, s1  }
0xa7: {  	p0 =	sne.s32 s1, s6  }
0xa8: {  	s6 =	sshll.u32 @p0 s6, $0xE  }
0xa9: {  	s6 =	sadd.s32 @p0 $0x11B8D, s6;
	s7 =	sshll.u32 @p0 s5, $0x11  }
0xaa: {  	s6 =	sor.u32 @p0 s7, s6  }
0xab: {  	[sflag:s6] =	ssyncadd.remote.s32 @p0 $0x1;
	_ =	sdelay $0x1  }
0xac: {  	s6 =	simm.s32 @p0 $0x1B8D  }
0xad: {  	_ =	swait.eq @p0 [sflag:s6], $0x1  }
0xae: {  	[sflag:s6] =	ssyncadd.s32 @p0 $0xFFFFFFFF  }
0xaf: {  	s7 =	sshll.u32 @!p0 s1, $0xE  }
0xb0: {  	s7 =	sor.u32 @!p0 $0x4000, s7;
	s6 =	simm.s32 @!p0 $0x1B8D  }
0xb1: {  	s5 =	sshll.u32 @!p0 s5, $0x11;
	s7 =	sadd.s32 @!p0 $0x11B8D, s7;
	_ =	swait.eq @!p0 [sflag:s6], $0x1  }
0xb2: {  	s5 =	sor.u32 @!p0 s5, s7;
	[sflag:s6] =	ssyncadd.s32 @!p0 $0xFFFFFFFF  }
0xb3: {  	s25 =	simm.s32 $0x1B8E;
	s24 =	sld [smem:$0x3FFE];
	[sflag:s5] =	ssyncadd.remote.s32 @!p0 $0x1  }
0xb4: {  	s26 =	simm.s32 $execute0_lowered;
	[smem:$0x3FD2] =	sst s25  }
0xb5: {  	s6 =	sshll.u32 s26, $0x1;
	_ =	strace $0x80000049;
	[dreg:$0x1] =	wrdreg $0xFFFFFFFF  }
0xb6: {  	s28 =	simm.s32 $_size_execute0_lowered;
	s4 =	sadd.s32 s4, s6;
	[dreg:$0x0] =	wrdreg $0x0  }
0xb7: {  	s6 =	sshll.u32 s28, $0x1;
	[dreg:$0x2] =	wrdreg s4  }
0xb8: {  	[dreg:$0x3] =	wrdreg s6  }
0xb9: {  	[dreg:$0x4] =	wrdreg $0xC0  }
0xba: {  	_ =	task [dreg:s22], $0x5FFFF  }
0xbb: {  	[dreg:$0x1] =	wrdreg $0xFFFFFFFF  }
0xbc: {  	[dreg:$0x0] =	wrdreg $0x60  }
0xbd: {  	[dreg:$0x2] =	wrdreg s24  }
0xbe: {  	[dreg:$0x3] =	wrdreg s18  }
0xbf: {  	[dreg:$0x4] =	wrdreg $0x0  }
0xc0: {  	[dreg:$0x5] =	wrdreg $0x9  }
0xc1: {  	_ =	task.clear_ibuf [dreg:s22], $0x6FFFF;
	_ =	strace $0x90000049  }
0xc2: {  	s29 =	simm.s32 $0x9;
	_ =	strace $0x8000004B  }
0xc3: {  	_ =	swait.ge [sflag:s29], $0x1  }
0xc4: {  	[sflag:s29] =	ssyncadd.s32 $0xFFFFFFFF  }
0xc5: {  	_ =	strace $0x9000004B  }
0xc6: {  	_ =	sfence  }
0xc7: {  	s30 =	sld [smem:$0x0];
	_ =	sdelay $0x2  }
0xc8: {  	s31 =	sshll.u32 s1, $0xD;
	s1 =	sshrl.u32 s1, $0x2  }
0xc9: {  	s4 =	sand.u32 $0x4000, s31;
	s1 =	sadd.s32 s1, s30  }
0xca: {  	s0 =	sor.u32 s4, s0;
	s1 =	sshll.u32 s1, $0x11  }
0xcb: {  	s0 =	sor.u32 s1, s0  }
0xcc: {  	s0 =	sadd.s32 $0x8F2B, s0  }
0xcd: {  	[sflag:s0] =	ssyncadd.remote.s32 $0x1  }
0xce: {  	_ =	sfence.sel $0xFFFF  }
0xcf: {  	[dreg:$0x0] =	wrdreg $0xFFFFFFFF;
	(pc) =	sbr.abs _section_cstart, $3  }
0xd0: {  	[dreg:$0x1] =	wrdreg $0xFFFFFFFF  }
0xd1: {  	_ =	task.clear_ibuf [dreg:s22], $0x2FFFF;
	_ =	strace $0x9FFFFFFF  }
0xd2: {  	(tm) =	ssettm $0x7FFFFFFF  }
0xd3: {  	_ =	shalt  }
tec
execute0_lowered:
.L_overlay_start_1:
0x0: {  	(tag) =	ssettag $0x1  }
0x1: {  	s7 =	rddreg [dreg:$0x0]  }
0x2: {  	s2 =	rddreg [dreg:$0x1]  }
0x3: {  	s0 =	srdreg.scid;
	s3 =	rddreg [dreg:$0x2]  }
0x4: {  	s1 =	rddreg [dreg:$0x3];
	s4 =	simm.s32 $0x0;
	s6 =	sand.u32 $0x1, s0  }
0x5: {  	s19 =	simm.s32 $0x1;
	s0 =	stileid.u32;
	s5 =	smul.u32 $0x4F00, s6  }
0x6: {  	s20 =	simm.s32 $0x13C80;
	s21 =	simm.s32 $0x13C00;
	s8 =	smul.u32 $0x278, s0  }
0x7: {  	s22 =	simm.s32 $0x80;
	s23 =	simm.s32 $0x0;
	s9 =	smul.u32 $0x2780, s6  }
0x8: {  	[smem:$0x7FF] =	sst s4;
	s10 =	smul.u32 $0x4F000, s0;
	s29 =	ssub.s32 $0x2, s6  }
0x9: {  	_ =	strace $0x8000004A;
	s18 =	smul.u32 $0x4F0, s0;
	s31 =	sshrl.u32 s29, $0x1  }
0xa: {  	s15 =	sadd.s32 s5, s7;
	s5 =	sadd.s32 $0x15C00, s7;
	s8 =	sadd.s32 s8, s9  }
0xb: {  	s30 =	sshrl.u32 s10, $0x2;
	s17 =	ssub.s32 s29, s31;
	s8 =	sshll.u32 s8, $0x4  }
0xc: {  	s6 =	sadd.s32 s30, s3;
	s18 =	sadd.s32 s18, s15;
	s16 =	sadd.s32 s8, s7  }
0xd: {  	s7 =	sadd.s32 $0x4000, s6;
	s8 =	sadd.s32 $0x8000, s6;
	s9 =	sadd.s32 $0xC000, s6  }
0xe: {  	s10 =	sadd.s32 $0x10000, s6;
	s11 =	sadd.s32 $0x8C400, s16;
	s12 =	sadd.s32 $0x8CC00, s16  }
0xf: {  	s13 =	sadd.s32 $0x8D400, s16;
	s14 =	sadd.s32 $0x8DC00, s16;
	s15 =	sadd.s32 $0x8E400, s16  }
0x10: {  	s16 =	smax.u32 s17, $0x1;
	s17 =	sadd.s32 $0x2000, s18;
	s18 =	simm.s32 $0x17C80  }
.LBB2_1:
0x11: {  	[tilespmem:s18], [sflag:$0x1] =	stream.linear.gather [hbm4b:s5+s4], $0x4000, $0x38;
	[tilespmem:$0x1BC80] =	vst v63  }
0x12: {  	_ =	swait.ge [sflag:s19], $0x4000  }
0x13: {  	[sflag:s19] =	ssyncset.done $0x0  }
0x14: {  	[sflag:s19] =	ssyncadd.s32 $0xFFFFC000  }
0x15: {  	[spmem:s6] =	stream.linear.scatter [tilespmem:s18], [sflag:$0x1], $0x4000, $0x38;
	[tilespmem:$0x1BC80] =	vst v63  }
0x16: {  	_ =	swait.ge [sflag:s19], $0x4000  }
0x17: {  	[sflag:s19] =	ssyncset.done $0x0  }
0x18: {  	[sflag:s19] =	ssyncadd.s32 $0xFFFFC000  }
0x19: {  	[spmem:s7] =	stream.linear.scatter [tilespmem:s18], [sflag:$0x1], $0x4000, $0x38;
	[tilespmem:$0x1BC80] =	vst v63  }
0x1a: {  	_ =	swait.ge [sflag:s19], $0x4000  }
0x1b: {  	[sflag:s19] =	ssyncset.done $0x0  }
0x1c: {  	[sflag:s19] =	ssyncadd.s32 $0xFFFFC000  }
0x1d: {  	[spmem:s8] =	stream.linear.scatter [tilespmem:s18], [sflag:$0x1], $0x4000, $0x38;
	[tilespmem:$0x1BC80] =	vst v63  }
0x1e: {  	_ =	swait.ge [sflag:s19], $0x4000  }
0x1f: {  	[sflag:s19] =	ssyncset.done $0x0  }
0x20: {  	[sflag:s19] =	ssyncadd.s32 $0xFFFFC000  }
0x21: {  	[spmem:s9] =	stream.linear.scatter [tilespmem:s18], [sflag:$0x1], $0x4000, $0x38;
	[tilespmem:$0x1BC80] =	vst v63  }
0x22: {  	_ =	swait.ge [sflag:s19], $0x4000  }
0x23: {  	[sflag:s19] =	ssyncset.done $0x0  }
0x24: {  	[sflag:s19] =	ssyncadd.s32 $0xFFFFC000  }
0x25: {  	[spmem:s10] =	stream.linear.scatter [tilespmem:s18], [sflag:$0x1], $0x3C00, $0x38;
	[tilespmem:$0x1BC80] =	vst v63  }
0x26: {  	_ =	swait.ge [sflag:s19], $0x3C00  }
0x27: {  	[sflag:s19] =	ssyncset.done $0x0  }
0x28: {  	[sflag:s19] =	ssyncadd.s32 $0xFFFFC400  }
0x29: {  	[tilespmem:s20], [sflag:$0x1] =	stream.linear.gather [hbm4b:s2+s4], $0x4000, $0x38;
	[tilespmem:$0x1BC80] =	vst v63  }
0x2a: {  	_ =	swait.ge [sflag:s19], $0x4000  }
0x2b: {  	[sflag:s19] =	ssyncset.done $0x0  }
0x2c: {  	[sflag:s19] =	ssyncadd.s32 $0xFFFFC000  }
0x2d: {  	s24 =	sadd.s32 $0x0, s17;
	[bflag:$0x0] =	sbarrier.arrive $0xFFFF  }
0x2e: {  	[tilespmem:s21], [sflag:$0x1] =	stream.linear.gather [hbm4b:s24+s4], $0x80, $0x38;
	[tilespmem:$0x1BC80] =	vst v63  }
0x2f: {  	_ =	swait.ge [sflag:s19], $0x80  }
0x30: {  	[sflag:s19] =	ssyncset.done $0x0  }
0x31: {  	[sflag:s19] =	ssyncadd.s32 $0xFFFFFF80  }
0x32: {  	[spmem:s3] =	stream.indirect.scatter.add.f32 [tilespmem:s20], [sflag:$0x1], $0x80, s21, s22, $0xb8;
	[tilespmem:$0x1BC80] =	vst v63  }
0x33: {  	_ =	swait.ge [sflag:s19], $0x4000  }
0x34: {  	s25 =	simm.s32 $0x20;
	s24 =	simm.s32 $0x10;
	[sflag:s19] =	ssyncset.done $0x0  }
.LBB2_2:
0x35: {  	s26 =	sadd.s32 s24, s17  }
0x36: {  	[sflag:s19] =	ssyncadd.s32 $0xFFFFC000;
	s24 =	smov.u32 s25;
	s28 =	sadd.s32 $0x10, s25  }
0x37: {  	[tilespmem:s21], [sflag:$0x1] =	stream.linear.gather [hbm4b:s26+s4], $0x80, $0x38;
	[tilespmem:$0x1BC80] =	vst v63  }
0x38: {  	p0 =	sne.s32 s25, $0x4E0;
	_ =	swait.ge [sflag:s19], $0x80  }
.Ltmp0:
0x39: {  	[sflag:s19] =	ssyncset.done $0x0;
	(pc) =	sbr.rel @p0 .LBB2_2-.Ltmp0, $4  }
0x3a: {  	[sflag:s19] =	ssyncadd.s32 $0xFFFFFF80  }
0x3b: {  	[spmem:s3] =	stream.indirect.scatter.add.f32 [tilespmem:s20], [sflag:$0x1], $0x80, s21, s22, $0xb8;
	[tilespmem:$0x1BC80] =	vst v63  }
0x3c: {  	_ =	swait.ge [sflag:s19], $0x4000  }
0x3d: {  	s25 =	smov.u32 s28;
	[sflag:s19] =	ssyncset.done $0x0  }
0x3e: {  	s24 =	sadd.s32 s24, s17;
	[sflag:s19] =	ssyncadd.s32 $0xFFFFC000  }
0x3f: {  	[tilespmem:s21], [sflag:$0x1] =	stream.linear.gather [hbm4b:s24+s4], $0x80, $0x38;
	[tilespmem:$0x1BC80] =	vst v63  }
0x40: {  	_ =	swait.ge [sflag:s19], $0x80  }
0x41: {  	[sflag:s19] =	ssyncset.done $0x0  }
0x42: {  	[sflag:s19] =	ssyncadd.s32 $0xFFFFFF80  }
0x43: {  	[spmem:s3] =	stream.indirect.scatter.add.f32 [tilespmem:s20], [sflag:$0x1], $0x80, s21, s22, $0xb8;
	[tilespmem:$0x1BC80] =	vst v63  }
0x44: {  	_ =	swait.ge [sflag:s19], $0x4000  }
0x45: {  	[sflag:s19] =	ssyncset.done $0x0  }
0x46: {  	[sflag:s19] =	ssyncadd.s32 $0xFFFFC000  }
0x47: {  	[bflag:$0x0] =	sbarrier.arrive $0xFFFF  }
0x48: {  	[tilespmem:s18], [sflag:$0x1] =	stream.linear.gather [spmem:s6], $0x4000, $0x38;
	[tilespmem:$0x1BC80] =	vst v63  }
0x49: {  	_ =	swait.ge [sflag:s19], $0x4000  }
0x4a: {  	[sflag:s19] =	ssyncset.done $0x0  }
0x4b: {  	[sflag:s19] =	ssyncadd.s32 $0xFFFFC000  }
0x4c: {  	[hbm4b:s11+s4] =	stream.linear.scatter [tilespmem:s18], [sflag:$0x1], $0x4000, $0x38;
	[tilespmem:$0x1BC80] =	vst v63  }
0x4d: {  	_ =	swait.ge [sflag:s19], $0x4000  }
0x4e: {  	[sflag:s19] =	ssyncset.done $0x0  }
0x4f: {  	[sflag:s19] =	ssyncadd.s32 $0xFFFFC000  }
0x50: {  	[tilespmem:s18], [sflag:$0x1] =	stream.linear.gather [spmem:s7], $0x4000, $0x38;
	[tilespmem:$0x1BC80] =	vst v63  }
0x51: {  	_ =	swait.ge [sflag:s19], $0x4000  }
0x52: {  	[sflag:s19] =	ssyncset.done $0x0  }
0x53: {  	[sflag:s19] =	ssyncadd.s32 $0xFFFFC000  }
0x54: {  	[hbm4b:s12+s4] =	stream.linear.scatter [tilespmem:s18], [sflag:$0x1], $0x4000, $0x38;
	[tilespmem:$0x1BC80] =	vst v63  }
0x55: {  	_ =	swait.ge [sflag:s19], $0x4000  }
0x56: {  	[sflag:s19] =	ssyncset.done $0x0  }
0x57: {  	[sflag:s19] =	ssyncadd.s32 $0xFFFFC000  }
0x58: {  	[tilespmem:s18], [sflag:$0x1] =	stream.linear.gather [spmem:s8], $0x4000, $0x38;
	[tilespmem:$0x1BC80] =	vst v63  }
0x59: {  	_ =	swait.ge [sflag:s19], $0x4000  }
0x5a: {  	[sflag:s19] =	ssyncset.done $0x0  }
0x5b: {  	[sflag:s19] =	ssyncadd.s32 $0xFFFFC000  }
0x5c: {  	[hbm4b:s13+s4] =	stream.linear.scatter [tilespmem:s18], [sflag:$0x1], $0x4000, $0x38;
	[tilespmem:$0x1BC80] =	vst v63  }
0x5d: {  	_ =	swait.ge [sflag:s19], $0x4000  }
0x5e: {  	[sflag:s19] =	ssyncset.done $0x0  }
0x5f: {  	[sflag:s19] =	ssyncadd.s32 $0xFFFFC000  }
0x60: {  	[tilespmem:s18], [sflag:$0x1] =	stream.linear.gather [spmem:s9], $0x4000, $0x38;
	[tilespmem:$0x1BC80] =	vst v63  }
0x61: {  	_ =	swait.ge [sflag:s19], $0x4000  }
0x62: {  	[sflag:s19] =	ssyncset.done $0x0  }
0x63: {  	[sflag:s19] =	ssyncadd.s32 $0xFFFFC000  }
0x64: {  	[hbm4b:s14+s4] =	stream.linear.scatter [tilespmem:s18], [sflag:$0x1], $0x4000, $0x38;
	[tilespmem:$0x1BC80] =	vst v63  }
0x65: {  	_ =	swait.ge [sflag:s19], $0x4000  }
0x66: {  	[sflag:s19] =	ssyncset.done $0x0  }
0x67: {  	[sflag:s19] =	ssyncadd.s32 $0xFFFFC000  }
0x68: {  	[tilespmem:s18], [sflag:$0x1] =	stream.linear.gather [spmem:s10], $0x3C00, $0x38;
	[tilespmem:$0x1BC80] =	vst v63  }
0x69: {  	s23 =	sadd.s32 $0x1, s23;
	_ =	swait.ge [sflag:s19], $0x3C00  }
0x6a: {  	p0 =	sne.s32 s23, s16;
	[sflag:s19] =	ssyncset.done $0x0  }
.Ltmp1:
0x6b: {  	[sflag:s19] =	ssyncadd.s32 $0xFFFFC400;
	(pc) =	sbr.rel @p0 .LBB2_1-.Ltmp1, $4  }
0x6c: {  	[hbm4b:s15+s4] =	stream.linear.scatter [tilespmem:s18], [sflag:$0x1], $0x3C00, $0x38;
	[tilespmem:$0x1BC80] =	vst v63  }
0x6d: {  	_ =	swait.ge [sflag:s19], $0x3C00  }
0x6e: {  	[sflag:s19] =	ssyncset.done $0x0  }
0x6f: {  	[sflag:s19] =	ssyncadd.s32 $0xFFFFC400  }
0x70: {  	_ =	sfence.sel $0x180000  }
0x71: {  	[bflag:$0x0] =	sbarrier.arrive $0xFFFF  }
0x72: {  	p0 =	sne.s32 s0, $0x0;
	_ =	strace $0x9000004A  }
0x73: {  	s0 =	sadd.s32 @!p0 $0x100000, s1;
	[bflag:$0x2] =	sbarrier.arrive $0xFFFF  }
0x74: {  	[sflag:s0] =	ssyncadd.tile.s32 @!p0 $0x1;
	_ =	shalt  }
.Lfunc_end2:
_tile_overlayer_lowered:
.L_overlay_start_2:
0x75: {  	(tag) =	ssettag $0x2  }
0x76: {  	s0 =	rddreg [dreg:$0x0];
	s2 =	stileid.u32  }
0x77: {  	s1 =	rddreg [dreg:$0x1];
	p0 =	sne.s32 s2, $0x0  }
0x78: {  	s3 =	rddreg [dreg:$0x2];
	[bflag:$0x3] =	sbarrier.arrive $0xFFFF;
	s2 =	simm.s32 @!p0 $0x1C01  }
0x79: {  	[timem:s3], [sflag:s2] =	dma.local @!p0 [hbm:s0], s1  }
0x7a: {  	s0 =	simm.s32 @!p0 $0x1  }
0x7b: {  	_ =	swait.ge @!p0 [sflag:s0], s1  }
0x7c: {  	s1 =	ssub.s32 @!p0 $0x0, s1;
	[sflag:s0] =	ssyncset.done @!p0 $0x0  }
0x7d: {  	[sflag:s0] =	ssyncadd.s32 @!p0 s1  }
0x7e: {  	[bflag:$0x3] =	sbarrier.arrive $0xFFFF  }
0x7f: {  	_ =	shalt  }

</sc_bundles>
